<compile_context>
chip_gen: v7x
topology: tpu7x:2x2x1
jax: 0.10.2.dev20260603
libtpu: 0.0.44.dev20260713+nightly
codegen_flags: <defaults>
</compile_context>

<pallas_src>
import functools

import jax
import jax.numpy as jnp
from jax import lax
from jax.experimental import pallas as pl
from jax.experimental.pallas import tpu as pltpu
from jax.experimental.pallas import tpu_sc as plsc

N = 10000
E = 160000
D = 128
HID = 256
C = 16
NP = 10240
EP = 163840
NC, NS = 2, 16
NW = NC * NS

_MESH = plsc.VectorSubcoreMesh(
    core_axis_name="c", subcore_axis_name="s", num_cores=NC, num_subcores=NS)


@functools.partial(
    pl.kernel,
    out_type=jax.ShapeDtypeStruct((6, NP), jnp.float32),
    mesh=_MESH,
    scratch_types=[
        pltpu.VMEM((80, 128), jnp.int32),
        pltpu.VMEM((128,), jnp.float32),
        pltpu.VMEM((640,), jnp.float32),
        pltpu.VMEM_SHARED((3 * NP,), jnp.float32),
    ],
)
def _hist(idx_hbm, out_hbm, idxv, onesv, stage, hist_sh):
    c = lax.axis_index("c")
    s = lax.axis_index("s")
    for k in range(8):
        onesv[pl.ds(k * 16, 16)] = jnp.ones((16,), jnp.float32)
    for k in range(40):
        stage[pl.ds(k * 16, 16)] = jnp.zeros((16,), jnp.float32)
    for hl in range(3):
        pltpu.sync_copy(stage, hist_sh.at[pl.ds(hl * NP + s * 640, 640)])
    plsc.subcore_barrier()
    for hl in range(3):
        pltpu.sync_copy(idx_hbm.at[3 * c + hl, s], idxv)

        def body(j, carry):
            pltpu.sync_copy(onesv, hist_sh.at[idxv.at[j]], add=True)
            return carry

        lax.fori_loop(0, 80, body, 0)
    plsc.subcore_barrier()
    for hl in range(3):
        pltpu.sync_copy(hist_sh.at[pl.ds(hl * NP + s * 640, 640)], stage)
        pltpu.sync_copy(stage, out_hbm.at[3 * c + hl, pl.ds(s * 640, 640)])


@functools.partial(
    pl.kernel,
    out_type=jax.ShapeDtypeStruct((3, NC, NP, D), jnp.float32),
    mesh=_MESH,
    scratch_types=[
        pltpu.VMEM((40, 128), jnp.int32),
        pltpu.VMEM((40, 128), jnp.int32),
        pltpu.VMEM((128, D), jnp.float32),
        pltpu.VMEM((64, D), jnp.float32),
        pltpu.VMEM((64, D), jnp.float32),
        pltpu.VMEM_SHARED((NP, D), jnp.float32),
        pltpu.SemaphoreType.DMA,
    ],
)
def _agg1(xs_hbm, src_hbm, dst_hbm, out_hbm, idxs, idxd, rows, zb, wb,
          acc_sh, sem):
    c = lax.axis_index("c")
    s = lax.axis_index("s")
    wid = c * NS + s

    def zrow(i, carry):
        for k in range(8):
            zb[i, pl.ds(k * 16, 16)] = jnp.zeros((16,), jnp.float32)
        return carry

    lax.fori_loop(0, 64, zrow, 0)

    for e in range(3):
        def zacc(k, carry):
            pltpu.sync_copy(zb, acc_sh.at[pl.ds(s * 640 + k * 64, 64)])
            return carry

        lax.fori_loop(0, 10, zacc, 0)
        plsc.subcore_barrier()
        pltpu.sync_copy(src_hbm.at[e, wid], idxs)
        pltpu.sync_copy(dst_hbm.at[e, wid], idxd)

        def chunk(j, carry):
            pltpu.async_copy(xs_hbm.at[idxs.at[j]], rows, sem).wait()
            pltpu.sync_copy(rows, acc_sh.at[idxd.at[j]], add=True)
            return carry

        lax.fori_loop(0, 40, chunk, 0)
        plsc.subcore_barrier()

        def wback(k, carry):
            pltpu.sync_copy(acc_sh.at[pl.ds(s * 640 + k * 64, 64)], wb)
            pltpu.sync_copy(wb, out_hbm.at[e, c, pl.ds(s * 640 + k * 64, 64)])
            return carry

        lax.fori_loop(0, 10, wback, 0)


@functools.partial(
    pl.kernel,
    out_type=jax.ShapeDtypeStruct((NC, NP, C), jnp.float32),
    mesh=_MESH,
    scratch_types=[
        pltpu.VMEM((120, 128), jnp.int32),
        pltpu.VMEM((120, 128), jnp.int32),
        pltpu.VMEM((128, C), jnp.float32),
        pltpu.VMEM((64, C), jnp.float32),
        pltpu.VMEM((640, C), jnp.float32),
        pltpu.VMEM_SHARED((NP, C), jnp.float32),
        pltpu.SemaphoreType.DMA,
    ],
    compiler_params=pltpu.CompilerParams(use_tc_tiling_on_sc=False),
)
def _agg2(tab_hbm, src_hbm, dst_hbm, out_hbm, idxs, idxd, rows, zb, wb,
          acc_sh, sem):
    c = lax.axis_index("c")
    s = lax.axis_index("s")
    wid = c * NS + s

    def zrow(i, carry):
        zb[i, :] = jnp.zeros((16,), jnp.float32)
        return carry

    lax.fori_loop(0, 64, zrow, 0)

    def zacc(k, carry):
        pltpu.sync_copy(zb, acc_sh.at[pl.ds(s * 640 + k * 64, 64)])
        return carry

    lax.fori_loop(0, 10, zacc, 0)
    plsc.subcore_barrier()
    pltpu.sync_copy(src_hbm.at[wid], idxs)
    pltpu.sync_copy(dst_hbm.at[wid], idxd)

    def chunk(j, carry):
        pltpu.async_copy(tab_hbm.at[idxs.at[j]], rows, sem).wait()
        pltpu.sync_copy(rows, acc_sh.at[idxd.at[j]], add=True)
        return carry

    lax.fori_loop(0, 120, chunk, 0)
    plsc.subcore_barrier()
    pltpu.sync_copy(acc_sh.at[pl.ds(s * 640, 640)], wb)
    pltpu.sync_copy(wb, out_hbm.at[c, pl.ds(s * 640, 640)])


def _prep_body(hist_ref, feat_ref, xs_ref, nd3_ref, nsa_ref, nda_ref):
    h = hist_ref[:]
    feat = feat_ref[:]
    for e in range(3):
        ns_e = lax.rsqrt(h[:, 2 * e:2 * e + 1] + 1.0)
        xs_ref[e] = feat * ns_e
        nd3_ref[:, e:e + 1] = lax.rsqrt(h[:, 2 * e + 1:2 * e + 2] + 1.0)
    nsa_ref[:] = lax.rsqrt(h[:, 0:1] + h[:, 2:3] + h[:, 4:5] + 1.0)
    nda_ref[:] = lax.rsqrt(h[:, 1:2] + h[:, 3:4] + h[:, 5:6] + 1.0)


_prep = pl.pallas_call(
    _prep_body,
    grid=(NP // 256,),
    in_specs=[
        pl.BlockSpec((256, 6), lambda i: (i, 0)),
        pl.BlockSpec((256, D), lambda i: (i, 0)),
    ],
    out_specs=[
        pl.BlockSpec((3, 256, D), lambda i: (0, i, 0)),
        pl.BlockSpec((256, 3), lambda i: (i, 0)),
        pl.BlockSpec((256, 1), lambda i: (i, 0)),
        pl.BlockSpec((256, 1), lambda i: (i, 0)),
    ],
    out_shape=[
        jax.ShapeDtypeStruct((3, NP, D), jnp.float32),
        jax.ShapeDtypeStruct((NP, 3), jnp.float32),
        jax.ShapeDtypeStruct((NP, 1), jnp.float32),
        jax.ShapeDtypeStruct((NP, 1), jnp.float32),
    ],
)


def _mm_body(p_ref, xs_ref, nd3_ref, nsa_ref, w_ref, bbar_ref, w2_ref,
             out_ref):
    acc = jnp.zeros((256, HID), jnp.float32)
    for e in range(3):
        a = p_ref[e, 0] + p_ref[e, 1] + xs_ref[e]
        a = a * nd3_ref[:, e:e + 1]
        acc += jnp.dot(a, w_ref[e], preferred_element_type=jnp.float32)
    h = jnp.maximum(acc * (1.0 / 3.0) + bbar_ref[:], 0.0)
    hw = jnp.dot(h, w2_ref[:], preferred_element_type=jnp.float32)
    out_ref[:] = hw * nsa_ref[:]


_mm = pl.pallas_call(
    _mm_body,
    grid=(NP // 256,),
    in_specs=[
        pl.BlockSpec((3, NC, 256, D), lambda i: (0, 0, i, 0)),
        pl.BlockSpec((3, 256, D), lambda i: (0, i, 0)),
        pl.BlockSpec((256, 3), lambda i: (i, 0)),
        pl.BlockSpec((256, 1), lambda i: (i, 0)),
        pl.BlockSpec((3, D, HID), lambda i: (0, 0, 0)),
        pl.BlockSpec((1, HID), lambda i: (0, 0)),
        pl.BlockSpec((HID, C), lambda i: (0, 0)),
    ],
    out_specs=pl.BlockSpec((256, C), lambda i: (i, 0)),
    out_shape=jax.ShapeDtypeStruct((NP, C), jnp.float32),
)


def _final_body(a2_ref, hws_ref, nda_ref, b2_ref, out_ref):
    agg = a2_ref[0] + a2_ref[1] + hws_ref[:]
    out_ref[:] = agg * nda_ref[:] + b2_ref[:]


_final = pl.pallas_call(
    _final_body,
    grid=(NP // 256,),
    in_specs=[
        pl.BlockSpec((NC, 256, C), lambda i: (0, i, 0)),
        pl.BlockSpec((256, C), lambda i: (i, 0)),
        pl.BlockSpec((256, 1), lambda i: (i, 0)),
        pl.BlockSpec((1, C), lambda i: (0, 0)),
    ],
    out_specs=pl.BlockSpec((256, C), lambda i: (i, 0)),
    out_shape=jax.ShapeDtypeStruct((NP, C), jnp.float32),
)


def kernel(features, edge_index_rsr, edge_index_rtr, edge_index_rur,
           W_rsr, b_rsr, W_rtr, b_rtr, W_rur, b_rur, W2, b2):
    srcs = [edge_index_rsr[0].astype(jnp.int32),
            edge_index_rtr[0].astype(jnp.int32),
            edge_index_rur[0].astype(jnp.int32)]
    dsts = [edge_index_rsr[1].astype(jnp.int32),
            edge_index_rtr[1].astype(jnp.int32),
            edge_index_rur[1].astype(jnp.int32)]
    pad = jnp.full((EP - E,), N, jnp.int32)
    sp = [jnp.concatenate([x, pad]) for x in srcs]
    dp = [jnp.concatenate([x, pad]) for x in dsts]

    idx6 = jnp.stack([sp[0], dp[0], sp[1], dp[1], sp[2], dp[2]])
    off = (jnp.arange(6, dtype=jnp.int32) % 3) * NP
    idx6_off = (idx6 + off[:, None]).reshape(6, NS, 80, 128)
    srcg = jnp.stack([sp[e] + e * NP for e in range(3)]).reshape(
        3, NW, 40, 128)
    dst3 = jnp.stack(dp).reshape(3, NW, 40, 128)
    src2 = jnp.concatenate(sp).reshape(NW, 120, 128)
    dst2 = jnp.concatenate(dp).reshape(NW, 120, 128)
    featp = jnp.pad(features, ((0, NP - N), (0, 0)))

    hist6 = _hist(idx6_off)
    xs3, nd3, nsa, nda = _prep(hist6.T, featp)
    p = _agg1(xs3.reshape(3 * NP, D), srcg, dst3)
    wst = jnp.stack([W_rsr, W_rtr, W_rur])
    bbar = ((b_rsr + b_rtr + b_rur) * (1.0 / 3.0)).reshape(1, HID)
    hws = _mm(p, xs3, nd3, nsa, wst, bbar, W2)
    a2 = _agg2(hws, src2, dst2)
    outp = _final(a2, hws, nda, b2.reshape(1, C))
    return outp[:N]

# --- scband reference (transcript-rebuilt; emitter-appended) ---
"""Pipeline reference for scband-hetero-gcn-43173011259902 (READ-ONLY COPY).

The authoritative reference and input builder live on the scoring server;
editing this copy changes nothing except your own understanding.
"""

import jax, jax.numpy as jnp
import numpy as np

N = 10000
E = 160000
IN_DIM = 128
HID = 256
NUM_CLASSES = 16


def _graph_conv(src, dst, n, x, W, b):
    # DGL GraphConv with norm='both' after dgl.add_self_loop
    loop = jnp.arange(n, dtype=src.dtype)
    src = jnp.concatenate([src, loop])
    dst = jnp.concatenate([dst, loop])
    out_deg = jnp.zeros((n,), dtype=x.dtype).at[src].add(1.0)
    in_deg = jnp.zeros((n,), dtype=x.dtype).at[dst].add(1.0)
    norm_src = jnp.where(out_deg > 0, out_deg ** -0.5, 0.0)
    norm_dst = jnp.where(in_deg > 0, in_deg ** -0.5, 0.0)
    xw = x @ W
    msg = xw[src] * norm_src[src][:, None]
    agg = jnp.zeros((n, W.shape[1]), dtype=x.dtype).at[dst].add(msg)
    return agg * norm_dst[:, None] + b


def setup_inputs(seed: int = 0) -> dict:
    key = jax.random.key(seed)
    ks = jax.random.split(key, 12)
    features = jax.random.normal(ks[0], (N, IN_DIM), dtype=jnp.float32)
    edge_index_rsr = jax.random.randint(ks[1], (2, E), 0, N, dtype=jnp.int64)
    edge_index_rtr = jax.random.randint(ks[2], (2, E), 0, N, dtype=jnp.int64)
    edge_index_rur = jax.random.randint(ks[3], (2, E), 0, N, dtype=jnp.int64)
    s1 = (2.0 / (IN_DIM + HID)) ** 0.5
    s2 = (2.0 / (HID + NUM_CLASSES)) ** 0.5
    W_rsr = jax.random.normal(ks[4], (IN_DIM, HID), dtype=jnp.float32) * s1
    W_rtr = jax.random.normal(ks[5], (IN_DIM, HID), dtype=jnp.float32) * s1
    W_rur = jax.random.normal(ks[6], (IN_DIM, HID), dtype=jnp.float32) * s1
    b_rsr = jnp.zeros((HID,), dtype=jnp.float32)
    b_rtr = jnp.zeros((HID,), dtype=jnp.float32)
    b_rur = jnp.zeros((HID,), dtype=jnp.float32)
    W2 = jax.random.normal(ks[7], (HID, NUM_CLASSES), dtype=jnp.float32) * s2
    b2 = jnp.zeros((NUM_CLASSES,), dtype=jnp.float32)
    return {
        "features": features,
        "edge_index_rsr": edge_index_rsr,
        "edge_index_rtr": edge_index_rtr,
        "edge_index_rur": edge_index_rur,
        "W_rsr": W_rsr, "b_rsr": b_rsr,
        "W_rtr": W_rtr, "b_rtr": b_rtr,
        "W_rur": W_rur, "b_rur": b_rur,
        "W2": W2, "b2": b2,
    }


def reference(features, edge_index_rsr, edge_index_rtr, edge_index_rur,
              W_rsr, b_rsr, W_rtr, b_rtr, W_rur, b_rur, W2, b2):
    n = features.shape[0]
    h_rsr = _graph_conv(edge_index_rsr[0], edge_index_rsr[1], n, features, W_rsr, b_rsr)
    h_rtr = _graph_conv(edge_index_rtr[0], edge_index_rtr[1], n, features, W_rtr, b_rtr)
    h_rur = _graph_conv(edge_index_rur[0], edge_index_rur[1], n, features, W_rur, b_rur)
    h = jnp.stack([h_rsr, h_rtr, h_rur]).mean(axis=0)
    h = jax.nn.relu(h)
    # dropout(0.5) is identity in eval mode
    src_all = jnp.concatenate([edge_index_rsr[0], edge_index_rtr[0], edge_index_rur[0]])
    dst_all = jnp.concatenate([edge_index_rsr[1], edge_index_rtr[1], edge_index_rur[1]])
    h = _graph_conv(src_all, dst_all, n, h, W2, b2)
    return h

if __name__ == "__main__":
    import jax
    _d = setup_inputs()
    print(jax.jit(kernel)(*tuple(_d.values())))

</pallas_src>

<mosaic_0001>
#map = affine_map<(d0, d1) -> (0, 0)>
#map1 = affine_map<(d0, d1) -> (0, 0, 0)>
module attributes {stable_mosaic.version = 14 : i64} {
  func.func @_agg2(%arg0: i32, %arg1: i32, %arg2: memref<10240x16xf32, #tpu.memory_space<hbm>>, %arg3: memref<32x120x128xi32, #tpu.memory_space<hbm>>, %arg4: memref<32x120x128xi32, #tpu.memory_space<hbm>>, %arg5: memref<2x10240x16xf32, #tpu.memory_space<hbm>>, %arg6: memref<120x128xi32, #tpu.memory_space<vmem>>, %arg7: memref<120x128xi32, #tpu.memory_space<vmem>>, %arg8: memref<128x16xf32, #tpu.memory_space<vmem>>, %arg9: memref<64x16xf32, #tpu.memory_space<vmem>>, %arg10: memref<640x16xf32, #tpu.memory_space<vmem>>, %arg11: memref<10240x16xf32, #tpu.memory_space<vmem_shared>>, %arg12: memref<!tpu.dma_semaphore, #tpu.memory_space<semaphore_mem>>) attributes {dimension_semantics = [#tpu.dimension_semantics<core_parallel>, #tpu.dimension_semantics<subcore_parallel>], iteration_bounds = array<i64: 2, 16>, scalar_prefetch = 0 : i64, scratch_operands = 7 : i64, tpu.core_type = #tpu.core_type<sc_vector_subcore>, window_params = [{transform_indices = #map}, {transform_indices = #map1}, {transform_indices = #map1}, {transform_indices = #map1}]} {
    %mul3A = arith.constant 16 : i32
    %mul3A_0 = arith.muli %arg0, %mul3A : i32
    %add3A = arith.addi %mul3A_0, %arg1 : i32
    %scan3A = arith.constant 0 : i32
    %scan3A_1 = arith.constant 0 : i32
    %scan3A_2 = arith.constant 64 : i32
    %scan3A_3 = arith.addi %scan3A_1, %scan3A_2 : i32
    %scan3A_4 = arith.constant 1 : i32
    scf.for %scan3A_23 = %scan3A_1 to %scan3A_3 step %scan3A_4  : i32 {
      %broadcast_in_dim3A = arith.constant 0.000000e+00 : f32
      %broadcast_in_dim3A_24 = vector.broadcast %broadcast_in_dim3A : f32 to vector<16xf32>
      %swap3A = arith.index_cast %scan3A_23 : i32 to index
      %swap3A_25 = arith.constant 0 : index
      %swap3A_26 = tpu.vector_load %arg9[%swap3A, %swap3A_25] {strides = array<i32>} : memref<64x16xf32, #tpu.memory_space<vmem>>, vector<1x16xf32>,
      %swap3A_27 = vector.shape_cast %swap3A_26 : vector<1x16xf32> to vector<16xf32>
      %swap3A_28 = vector.shape_cast %broadcast_in_dim3A_24 : vector<16xf32> to vector<1x16xf32>
      tpu.vector_store %arg9[%swap3A, %swap3A_25], %swap3A_28 {strides = array<i32>} : memref<64x16xf32, #tpu.memory_space<vmem>>, vector<1x16xf32>,
    }
    %scan3A_5 = arith.constant 64 : i32
    %scan3A_6 = arith.constant 0 : i32
    %scan3A_7 = arith.constant 0 : i32
    %scan3A_8 = arith.constant 10 : i32
    %scan3A_9 = arith.addi %scan3A_7, %scan3A_8 : i32
    %scan3A_10 = arith.constant 1 : i32
    scf.for %scan3A_23 = %scan3A_7 to %scan3A_9 step %scan3A_10  : i32 {
      %mul3A_24 = arith.constant 640 : i32
      %mul3A_25 = arith.muli %arg1, %mul3A_24 : i32
      %mul3A_26 = arith.constant 64 : i32
      %mul3A_27 = arith.muli %scan3A_23, %mul3A_26 : i32
      %add3A_28 = arith.addi %mul3A_25, %mul3A_27 : i32
      "tpu.region"() ({
        %run_scoped3A = tpu.sem_alloc : memref<!tpu.dma_semaphore, #tpu.memory_space<semaphore_mem>>
        %dma_start3A = arith.constant 0 : i32
        %dma_start3A_29 = tpu.memref_slice %arg11[%add3A_28, %dma_start3A] : memref<10240x16xf32, #tpu.memory_space<vmem_shared>> -> memref<64x16xf32, #tpu.memory_space<vmem_shared>>
        %dma_start3A_30 = arith.constant 0 : i32
        %dma_start3A_31 = tpu.memref_slice %arg11[%add3A_28, %dma_start3A_30] : memref<10240x16xf32, #tpu.memory_space<vmem_shared>> -> memref<64x16xf32, #tpu.memory_space<vmem_shared>>
        tpu.enqueue_dma source(%arg9 : memref<64x16xf32, #tpu.memory_space<vmem>>) target(%dma_start3A_31 : memref<64x16xf32, #tpu.memory_space<vmem_shared>>) target_semaphore(%run_scoped3A : memref<!tpu.dma_semaphore, #tpu.memory_space<semaphore_mem>>)
        %dma_wait3A = arith.constant 0 : i32
        %dma_wait3A_32 = tpu.memref_slice %arg11[%add3A_28, %dma_wait3A] : memref<10240x16xf32, #tpu.memory_space<vmem_shared>> -> memref<64x16xf32, #tpu.memory_space<vmem_shared>>
        %dma_wait3A_33 = arith.constant 0 : i32
        %dma_wait3A_34 = tpu.memref_slice %arg11[%add3A_28, %dma_wait3A_33] : memref<10240x16xf32, #tpu.memory_space<vmem_shared>> -> memref<64x16xf32, #tpu.memory_space<vmem_shared>>
        tpu.wait_dma2 semaphore(%run_scoped3A : memref<!tpu.dma_semaphore, #tpu.memory_space<semaphore_mem>>) src(%arg9 : memref<64x16xf32, #tpu.memory_space<vmem>>) dst(%dma_wait3A_34 : memref<64x16xf32, #tpu.memory_space<vmem_shared>>)
        tpu.yield
      }) : () -> ()
    }
    %scan3A_11 = arith.constant 10 : i32
    %barrier3A = arith.constant 0 : index
    tpu.barrier barrier_id(%barrier3A)
    "tpu.region"() ({
      %run_scoped3A = tpu.sem_alloc : memref<!tpu.dma_semaphore, #tpu.memory_space<semaphore_mem>>
      %dma_start3A = arith.constant 0 : i32
      %dma_start3A_23 = arith.constant 0 : i32
      %dma_start3A_24 = tpu.memref_slice %arg3[%add3A, %dma_start3A, %dma_start3A_23] : memref<32x120x128xi32, #tpu.memory_space<hbm>> -> memref<1x120x128xi32, #tpu.memory_space<hbm>>
      %dma_start3A_25 = tpu.memref_squeeze %dma_start3A_24 : memref<1x120x128xi32, #tpu.memory_space<hbm>> -> memref<120x128xi32, #tpu.memory_space<hbm>>
      %dma_start3A_26 = arith.constant 0 : i32
      %dma_start3A_27 = arith.constant 0 : i32
      %dma_start3A_28 = tpu.memref_slice %arg3[%add3A, %dma_start3A_26, %dma_start3A_27] : memref<32x120x128xi32, #tpu.memory_space<hbm>> -> memref<1x120x128xi32, #tpu.memory_space<hbm>>
      %dma_start3A_29 = tpu.memref_squeeze %dma_start3A_28 : memref<1x120x128xi32, #tpu.memory_space<hbm>> -> memref<120x128xi32, #tpu.memory_space<hbm>>
      tpu.enqueue_dma source(%dma_start3A_29 : memref<120x128xi32, #tpu.memory_space<hbm>>) target(%arg6 : memref<120x128xi32, #tpu.memory_space<vmem>>) target_semaphore(%run_scoped3A : memref<!tpu.dma_semaphore, #tpu.memory_space<semaphore_mem>>)
      %dma_wait3A = arith.constant 0 : i32
      %dma_wait3A_30 = arith.constant 0 : i32
      %dma_wait3A_31 = tpu.memref_slice %arg3[%add3A, %dma_wait3A, %dma_wait3A_30] : memref<32x120x128xi32, #tpu.memory_space<hbm>> -> memref<1x120x128xi32, #tpu.memory_space<hbm>>
      %dma_wait3A_32 = tpu.memref_squeeze %dma_wait3A_31 : memref<1x120x128xi32, #tpu.memory_space<hbm>> -> memref<120x128xi32, #tpu.memory_space<hbm>>
      %dma_wait3A_33 = arith.constant 0 : i32
      %dma_wait3A_34 = arith.constant 0 : i32
      %dma_wait3A_35 = tpu.memref_slice %arg3[%add3A, %dma_wait3A_33, %dma_wait3A_34] : memref<32x120x128xi32, #tpu.memory_space<hbm>> -> memref<1x120x128xi32, #tpu.memory_space<hbm>>
      %dma_wait3A_36 = tpu.memref_squeeze %dma_wait3A_35 : memref<1x120x128xi32, #tpu.memory_space<hbm>> -> memref<120x128xi32, #tpu.memory_space<hbm>>
      tpu.wait_dma2 semaphore(%run_scoped3A : memref<!tpu.dma_semaphore, #tpu.memory_space<semaphore_mem>>) src(%dma_wait3A_36 : memref<120x128xi32, #tpu.memory_space<hbm>>) dst(%arg6 : memref<120x128xi32, #tpu.memory_space<vmem>>)
      tpu.yield
    }) : () -> ()
    "tpu.region"() ({
      %run_scoped3A = tpu.sem_alloc : memref<!tpu.dma_semaphore, #tpu.memory_space<semaphore_mem>>
      %dma_start3A = arith.constant 0 : i32
      %dma_start3A_23 = arith.constant 0 : i32
      %dma_start3A_24 = tpu.memref_slice %arg4[%add3A, %dma_start3A, %dma_start3A_23] : memref<32x120x128xi32, #tpu.memory_space<hbm>> -> memref<1x120x128xi32, #tpu.memory_space<hbm>>
      %dma_start3A_25 = tpu.memref_squeeze %dma_start3A_24 : memref<1x120x128xi32, #tpu.memory_space<hbm>> -> memref<120x128xi32, #tpu.memory_space<hbm>>
      %dma_start3A_26 = arith.constant 0 : i32
      %dma_start3A_27 = arith.constant 0 : i32
      %dma_start3A_28 = tpu.memref_slice %arg4[%add3A, %dma_start3A_26, %dma_start3A_27] : memref<32x120x128xi32, #tpu.memory_space<hbm>> -> memref<1x120x128xi32, #tpu.memory_space<hbm>>
      %dma_start3A_29 = tpu.memref_squeeze %dma_start3A_28 : memref<1x120x128xi32, #tpu.memory_space<hbm>> -> memref<120x128xi32, #tpu.memory_space<hbm>>
      tpu.enqueue_dma source(%dma_start3A_29 : memref<120x128xi32, #tpu.memory_space<hbm>>) target(%arg7 : memref<120x128xi32, #tpu.memory_space<vmem>>) target_semaphore(%run_scoped3A : memref<!tpu.dma_semaphore, #tpu.memory_space<semaphore_mem>>)
      %dma_wait3A = arith.constant 0 : i32
      %dma_wait3A_30 = arith.constant 0 : i32
      %dma_wait3A_31 = tpu.memref_slice %arg4[%add3A, %dma_wait3A, %dma_wait3A_30] : memref<32x120x128xi32, #tpu.memory_space<hbm>> -> memref<1x120x128xi32, #tpu.memory_space<hbm>>
      %dma_wait3A_32 = tpu.memref_squeeze %dma_wait3A_31 : memref<1x120x128xi32, #tpu.memory_space<hbm>> -> memref<120x128xi32, #tpu.memory_space<hbm>>
      %dma_wait3A_33 = arith.constant 0 : i32
      %dma_wait3A_34 = arith.constant 0 : i32
      %dma_wait3A_35 = tpu.memref_slice %arg4[%add3A, %dma_wait3A_33, %dma_wait3A_34] : memref<32x120x128xi32, #tpu.memory_space<hbm>> -> memref<1x120x128xi32, #tpu.memory_space<hbm>>
      %dma_wait3A_36 = tpu.memref_squeeze %dma_wait3A_35 : memref<1x120x128xi32, #tpu.memory_space<hbm>> -> memref<120x128xi32, #tpu.memory_space<hbm>>
      tpu.wait_dma2 semaphore(%run_scoped3A : memref<!tpu.dma_semaphore, #tpu.memory_space<semaphore_mem>>) src(%dma_wait3A_36 : memref<120x128xi32, #tpu.memory_space<hbm>>) dst(%arg7 : memref<120x128xi32, #tpu.memory_space<vmem>>)
      tpu.yield
    }) : () -> ()
    %scan3A_12 = arith.constant 0 : i32
    %scan3A_13 = arith.constant 0 : i32
    %scan3A_14 = arith.constant 120 : i32
    %scan3A_15 = arith.addi %scan3A_13, %scan3A_14 : i32
    %scan3A_16 = arith.constant 1 : i32
    scf.for %scan3A_23 = %scan3A_13 to %scan3A_15 step %scan3A_16  : i32 {
      %dma_start3A = arith.constant 0 : i32
      %dma_start3A_24 = tpu.memref_slice %arg6[%scan3A_23, %dma_start3A] : memref<120x128xi32, #tpu.memory_space<vmem>> -> memref<1x128xi32, #tpu.memory_space<vmem>>
      %dma_start3A_25 = tpu.memref_squeeze %dma_start3A_24 : memref<1x128xi32, #tpu.memory_space<vmem>> -> memref<128xi32, #tpu.memory_space<vmem>>
      %dma_start3A_26 = arith.constant 0 : i32
      %dma_start3A_27 = arith.constant 0 : i32
      %dma_start3A_28 = tpu.memref_slice %arg2[%dma_start3A_26, %dma_start3A_27] : memref<10240x16xf32, #tpu.memory_space<hbm>> -> memref<10240x16xf32, #tpu.memory_space<hbm>>
      tpu.enqueue_indirect_dma source(%dma_start3A_28 : memref<10240x16xf32, #tpu.memory_space<hbm>>) target(%arg8 : memref<128x16xf32, #tpu.memory_space<vmem>>) offsets(%dma_start3A_25 : memref<128xi32, #tpu.memory_space<vmem>>) semaphore(%arg12 : memref<!tpu.dma_semaphore, #tpu.memory_space<semaphore_mem>>)
      %dma_wait3A = arith.constant 0 : i32
      %dma_wait3A_29 = tpu.memref_slice %arg6[%scan3A_23, %dma_wait3A] : memref<120x128xi32, #tpu.memory_space<vmem>> -> memref<1x128xi32, #tpu.memory_space<vmem>>
      %dma_wait3A_30 = tpu.memref_squeeze %dma_wait3A_29 : memref<1x128xi32, #tpu.memory_space<vmem>> -> memref<128xi32, #tpu.memory_space<vmem>>
      %dma_wait3A_31 = arith.constant 0 : i32
      %dma_wait3A_32 = arith.constant 0 : i32
      %dma_wait3A_33 = tpu.memref_slice %arg2[%dma_wait3A_31, %dma_wait3A_32] : memref<10240x16xf32, #tpu.memory_space<hbm>> -> memref<10240x16xf32, #tpu.memory_space<hbm>>
      tpu.wait_indirect_dma semaphore(%arg12 : memref<!tpu.dma_semaphore, #tpu.memory_space<semaphore_mem>>) src(%dma_wait3A_33 : memref<10240x16xf32, #tpu.memory_space<hbm>>) dst(%arg8 : memref<128x16xf32, #tpu.memory_space<vmem>>)
      "tpu.region"() ({
        %run_scoped3A = tpu.sem_alloc : memref<!tpu.dma_semaphore, #tpu.memory_space<semaphore_mem>>
        %dma_start3A_34 = arith.constant 0 : i32
        %dma_start3A_35 = tpu.memref_slice %arg7[%scan3A_23, %dma_start3A_34] : memref<120x128xi32, #tpu.memory_space<vmem>> -> memref<1x128xi32, #tpu.memory_space<vmem>>
        %dma_start3A_36 = tpu.memref_squeeze %dma_start3A_35 : memref<1x128xi32, #tpu.memory_space<vmem>> -> memref<128xi32, #tpu.memory_space<vmem>>
        %dma_start3A_37 = arith.constant 0 : i32
        %dma_start3A_38 = arith.constant 0 : i32
        %dma_start3A_39 = tpu.memref_slice %arg11[%dma_start3A_37, %dma_start3A_38] : memref<10240x16xf32, #tpu.memory_space<vmem_shared>> -> memref<10240x16xf32, #tpu.memory_space<vmem_shared>>
        tpu.enqueue_indirect_dma source(%arg8 : memref<128x16xf32, #tpu.memory_space<vmem>>) target(%dma_start3A_39 : memref<10240x16xf32, #tpu.memory_space<vmem_shared>>) offsets(%dma_start3A_36 : memref<128xi32, #tpu.memory_space<vmem>>) semaphore(%run_scoped3A : memref<!tpu.dma_semaphore, #tpu.memory_space<semaphore_mem>>) {add = true}
        %dma_wait3A_40 = arith.constant 0 : i32
        %dma_wait3A_41 = tpu.memref_slice %arg7[%scan3A_23, %dma_wait3A_40] : memref<120x128xi32, #tpu.memory_space<vmem>> -> memref<1x128xi32, #tpu.memory_space<vmem>>
        %dma_wait3A_42 = tpu.memref_squeeze %dma_wait3A_41 : memref<1x128xi32, #tpu.memory_space<vmem>> -> memref<128xi32, #tpu.memory_space<vmem>>
        %dma_wait3A_43 = arith.constant 0 : i32
        %dma_wait3A_44 = arith.constant 0 : i32
        %dma_wait3A_45 = tpu.memref_slice %arg11[%dma_wait3A_43, %dma_wait3A_44] : memref<10240x16xf32, #tpu.memory_space<vmem_shared>> -> memref<10240x16xf32, #tpu.memory_space<vmem_shared>>
        tpu.wait_indirect_dma semaphore(%run_scoped3A : memref<!tpu.dma_semaphore, #tpu.memory_space<semaphore_mem>>) src(%arg8 : memref<128x16xf32, #tpu.memory_space<vmem>>) dst(%dma_wait3A_45 : memref<10240x16xf32, #tpu.memory_space<vmem_shared>>)
        tpu.yield
      }) : () -> ()
    }
    %scan3A_17 = arith.constant 120 : i32
    %barrier3A_18 = arith.constant 0 : index
    tpu.barrier barrier_id(%barrier3A_18)
    %mul3A_19 = arith.constant 640 : i32
    %mul3A_20 = arith.muli %arg1, %mul3A_19 : i32
    "tpu.region"() ({
      %run_scoped3A = tpu.sem_alloc : memref<!tpu.dma_semaphore, #tpu.memory_space<semaphore_mem>>
      %dma_start3A = arith.constant 0 : i32
      %dma_start3A_23 = tpu.memref_slice %arg11[%mul3A_20, %dma_start3A] : memref<10240x16xf32, #tpu.memory_space<vmem_shared>> -> memref<640x16xf32, #tpu.memory_space<vmem_shared>>
      %dma_start3A_24 = arith.constant 0 : i32
      %dma_start3A_25 = tpu.memref_slice %arg11[%mul3A_20, %dma_start3A_24] : memref<10240x16xf32, #tpu.memory_space<vmem_shared>> -> memref<640x16xf32, #tpu.memory_space<vmem_shared>>
      tpu.enqueue_dma source(%dma_start3A_25 : memref<640x16xf32, #tpu.memory_space<vmem_shared>>) target(%arg10 : memref<640x16xf32, #tpu.memory_space<vmem>>) target_semaphore(%run_scoped3A : memref<!tpu.dma_semaphore, #tpu.memory_space<semaphore_mem>>)
      %dma_wait3A = arith.constant 0 : i32
      %dma_wait3A_26 = tpu.memref_slice %arg11[%mul3A_20, %dma_wait3A] : memref<10240x16xf32, #tpu.memory_space<vmem_shared>> -> memref<640x16xf32, #tpu.memory_space<vmem_shared>>
      %dma_wait3A_27 = arith.constant 0 : i32
      %dma_wait3A_28 = tpu.memref_slice %arg11[%mul3A_20, %dma_wait3A_27] : memref<10240x16xf32, #tpu.memory_space<vmem_shared>> -> memref<640x16xf32, #tpu.memory_space<vmem_shared>>
      tpu.wait_dma2 semaphore(%run_scoped3A : memref<!tpu.dma_semaphore, #tpu.memory_space<semaphore_mem>>) src(%dma_wait3A_28 : memref<640x16xf32, #tpu.memory_space<vmem_shared>>) dst(%arg10 : memref<640x16xf32, #tpu.memory_space<vmem>>)
      tpu.yield
    }) : () -> ()
    %mul3A_21 = arith.constant 640 : i32
    %mul3A_22 = arith.muli %arg1, %mul3A_21 : i32
    "tpu.region"() ({
      %run_scoped3A = tpu.sem_alloc : memref<!tpu.dma_semaphore, #tpu.memory_space<semaphore_mem>>
      %dma_start3A = arith.constant 0 : i32
      %dma_start3A_23 = tpu.memref_slice %arg5[%arg0, %mul3A_22, %dma_start3A] : memref<2x10240x16xf32, #tpu.memory_space<hbm>> -> memref<1x640x16xf32, #tpu.memory_space<hbm>>
      %dma_start3A_24 = tpu.memref_squeeze %dma_start3A_23 : memref<1x640x16xf32, #tpu.memory_space<hbm>> -> memref<640x16xf32, #tpu.memory_space<hbm>>
      %dma_start3A_25 = arith.constant 0 : i32
      %dma_start3A_26 = tpu.memref_slice %arg5[%arg0, %mul3A_22, %dma_start3A_25] : memref<2x10240x16xf32, #tpu.memory_space<hbm>> -> memref<1x640x16xf32, #tpu.memory_space<hbm>>
      %dma_start3A_27 = tpu.memref_squeeze %dma_start3A_26 : memref<1x640x16xf32, #tpu.memory_space<hbm>> -> memref<640x16xf32, #tpu.memory_space<hbm>>
      tpu.enqueue_dma source(%arg10 : memref<640x16xf32, #tpu.memory_space<vmem>>) target(%dma_start3A_27 : memref<640x16xf32, #tpu.memory_space<hbm>>) target_semaphore(%run_scoped3A : memref<!tpu.dma_semaphore, #tpu.memory_space<semaphore_mem>>)
      %dma_wait3A = arith.constant 0 : i32
      %dma_wait3A_28 = tpu.memref_slice %arg5[%arg0, %mul3A_22, %dma_wait3A] : memref<2x10240x16xf32, #tpu.memory_space<hbm>> -> memref<1x640x16xf32, #tpu.memory_space<hbm>>
      %dma_wait3A_29 = tpu.memref_squeeze %dma_wait3A_28 : memref<1x640x16xf32, #tpu.memory_space<hbm>> -> memref<640x16xf32, #tpu.memory_space<hbm>>
      %dma_wait3A_30 = arith.constant 0 : i32
      %dma_wait3A_31 = tpu.memref_slice %arg5[%arg0, %mul3A_22, %dma_wait3A_30] : memref<2x10240x16xf32, #tpu.memory_space<hbm>> -> memref<1x640x16xf32, #tpu.memory_space<hbm>>
      %dma_wait3A_32 = tpu.memref_squeeze %dma_wait3A_31 : memref<1x640x16xf32, #tpu.memory_space<hbm>> -> memref<640x16xf32, #tpu.memory_space<hbm>>
      tpu.wait_dma2 semaphore(%run_scoped3A : memref<!tpu.dma_semaphore, #tpu.memory_space<semaphore_mem>>) src(%arg10 : memref<640x16xf32, #tpu.memory_space<vmem>>) dst(%dma_wait3A_32 : memref<640x16xf32, #tpu.memory_space<hbm>>)
      tpu.yield
    }) : () -> ()
    return
  }
}

#map = affine_map<(d0, d1) -> (0, 0)>
#map1 = affine_map<(d0, d1) -> (0, 0, 0, 0)>
module attributes {stable_mosaic.version = 14 : i64} {
  func.func @_agg1(%arg0: i32, %arg1: i32, %arg2: memref<30720x128xf32, #tpu.memory_space<hbm>>, %arg3: memref<3x32x40x128xi32, #tpu.memory_space<hbm>>, %arg4: memref<3x32x40x128xi32, #tpu.memory_space<hbm>>, %arg5: memref<3x2x10240x128xf32, #tpu.memory_space<hbm>>, %arg6: memref<40x128xi32, #tpu.memory_space<vmem>>, %arg7: memref<40x128xi32, #tpu.memory_space<vmem>>, %arg8: memref<128x128xf32, #tpu.memory_space<vmem>>, %arg9: memref<64x128xf32, #tpu.memory_space<vmem>>, %arg10: memref<64x128xf32, #tpu.memory_space<vmem>>, %arg11: memref<10240x128xf32, #tpu.memory_space<vmem_shared>>, %arg12: memref<!tpu.dma_semaphore, #tpu.memory_space<semaphore_mem>>) attributes {dimension_semantics = [#tpu.dimension_semantics<core_parallel>, #tpu.dimension_semantics<subcore_parallel>], iteration_bounds = array<i64: 2, 16>, scalar_prefetch = 0 : i64, scratch_operands = 7 : i64, tpu.core_type = #tpu.core_type<sc_vector_subcore>, window_params = [{transform_indices = #map}, {transform_indices = #map1}, {transform_indices = #map1}, {transform_indices = #map1}]} {
    %mul3A = arith.constant 16 : i32
    %mul3A_0 = arith.muli %arg0, %mul3A : i32
    %add3A = arith.addi %mul3A_0, %arg1 : i32
    %scan3A = arith.constant 0 : i32
    %scan3A_1 = arith.constant 0 : i32
    %scan3A_2 = arith.constant 64 : i32
    %scan3A_3 = arith.addi %scan3A_1, %scan3A_2 : i32
    %scan3A_4 = arith.constant 1 : i32
    scf.for %scan3A_70 = %scan3A_1 to %scan3A_3 step %scan3A_4  : i32 {
      %broadcast_in_dim3A = arith.constant 0.000000e+00 : f32
      %broadcast_in_dim3A_71 = vector.broadcast %broadcast_in_dim3A : f32 to vector<16xf32>
      %swap3A = arith.index_cast %scan3A_70 : i32 to index
      %swap3A_72 = arith.constant 0 : index
      %swap3A_73 = tpu.vector_load %arg9[%swap3A, %swap3A_72] {strides = array<i32>} : memref<64x128xf32, #tpu.memory_space<vmem>>, vector<1x16xf32>,
      %swap3A_74 = vector.shape_cast %swap3A_73 : vector<1x16xf32> to vector<16xf32>
      %swap3A_75 = vector.shape_cast %broadcast_in_dim3A_71 : vector<16xf32> to vector<1x16xf32>
      tpu.vector_store %arg9[%swap3A, %swap3A_72], %swap3A_75 {strides = array<i32>} : memref<64x128xf32, #tpu.memory_space<vmem>>, vector<1x16xf32>,
      %broadcast_in_dim3A_76 = arith.constant 0.000000e+00 : f32
      %broadcast_in_dim3A_77 = vector.broadcast %broadcast_in_dim3A_76 : f32 to vector<16xf32>
      %swap3A_78 = arith.index_cast %scan3A_70 : i32 to index
      %swap3A_79 = arith.constant 16 : index
      %swap3A_80 = tpu.vector_load %arg9[%swap3A_78, %swap3A_79] {strides = array<i32>} : memref<64x128xf32, #tpu.memory_space<vmem>>, vector<1x16xf32>,
      %swap3A_81 = vector.shape_cast %swap3A_80 : vector<1x16xf32> to vector<16xf32>
      %swap3A_82 = vector.shape_cast %broadcast_in_dim3A_77 : vector<16xf32> to vector<1x16xf32>
      tpu.vector_store %arg9[%swap3A_78, %swap3A_79], %swap3A_82 {strides = array<i32>} : memref<64x128xf32, #tpu.memory_space<vmem>>, vector<1x16xf32>,
      %broadcast_in_dim3A_83 = arith.constant 0.000000e+00 : f32
      %broadcast_in_dim3A_84 = vector.broadcast %broadcast_in_dim3A_83 : f32 to vector<16xf32>
      %swap3A_85 = arith.index_cast %scan3A_70 : i32 to index
      %swap3A_86 = arith.constant 32 : index
      %swap3A_87 = tpu.vector_load %arg9[%swap3A_85, %swap3A_86] {strides = array<i32>} : memref<64x128xf32, #tpu.memory_space<vmem>>, vector<1x16xf32>,
      %swap3A_88 = vector.shape_cast %swap3A_87 : vector<1x16xf32> to vector<16xf32>
      %swap3A_89 = vector.shape_cast %broadcast_in_dim3A_84 : vector<16xf32> to vector<1x16xf32>
      tpu.vector_store %arg9[%swap3A_85, %swap3A_86], %swap3A_89 {strides = array<i32>} : memref<64x128xf32, #tpu.memory_space<vmem>>, vector<1x16xf32>,
      %broadcast_in_dim3A_90 = arith.constant 0.000000e+00 : f32
      %broadcast_in_dim3A_91 = vector.broadcast %broadcast_in_dim3A_90 : f32 to vector<16xf32>
      %swap3A_92 = arith.index_cast %scan3A_70 : i32 to index
      %swap3A_93 = arith.constant 48 : index
      %swap3A_94 = tpu.vector_load %arg9[%swap3A_92, %swap3A_93] {strides = array<i32>} : memref<64x128xf32, #tpu.memory_space<vmem>>, vector<1x16xf32>,
      %swap3A_95 = vector.shape_cast %swap3A_94 : vector<1x16xf32> to vector<16xf32>
      %swap3A_96 = vector.shape_cast %broadcast_in_dim3A_91 : vector<16xf32> to vector<1x16xf32>
      tpu.vector_store %arg9[%swap3A_92, %swap3A_93], %swap3A_96 {strides = array<i32>} : memref<64x128xf32, #tpu.memory_space<vmem>>, vector<1x16xf32>,
      %broadcast_in_dim3A_97 = arith.constant 0.000000e+00 : f32
      %broadcast_in_dim3A_98 = vector.broadcast %broadcast_in_dim3A_97 : f32 to vector<16xf32>
      %swap3A_99 = arith.index_cast %scan3A_70 : i32 to index
      %swap3A_100 = arith.constant 64 : index
      %swap3A_101 = tpu.vector_load %arg9[%swap3A_99, %swap3A_100] {strides = array<i32>} : memref<64x128xf32, #tpu.memory_space<vmem>>, vector<1x16xf32>,
      %swap3A_102 = vector.shape_cast %swap3A_101 : vector<1x16xf32> to vector<16xf32>
      %swap3A_103 = vector.shape_cast %broadcast_in_dim3A_98 : vector<16xf32> to vector<1x16xf32>
      tpu.vector_store %arg9[%swap3A_99, %swap3A_100], %swap3A_103 {strides = array<i32>} : memref<64x128xf32, #tpu.memory_space<vmem>>, vector<1x16xf32>,
      %broadcast_in_dim3A_104 = arith.constant 0.000000e+00 : f32
      %broadcast_in_dim3A_105 = vector.broadcast %broadcast_in_dim3A_104 : f32 to vector<16xf32>
      %swap3A_106 = arith.index_cast %scan3A_70 : i32 to index
      %swap3A_107 = arith.constant 80 : index
      %swap3A_108 = tpu.vector_load %arg9[%swap3A_106, %swap3A_107] {strides = array<i32>} : memref<64x128xf32, #tpu.memory_space<vmem>>, vector<1x16xf32>,
      %swap3A_109 = vector.shape_cast %swap3A_108 : vector<1x16xf32> to vector<16xf32>
      %swap3A_110 = vector.shape_cast %broadcast_in_dim3A_105 : vector<16xf32> to vector<1x16xf32>
      tpu.vector_store %arg9[%swap3A_106, %swap3A_107], %swap3A_110 {strides = array<i32>} : memref<64x128xf32, #tpu.memory_space<vmem>>, vector<1x16xf32>,
      %broadcast_in_dim3A_111 = arith.constant 0.000000e+00 : f32
      %broadcast_in_dim3A_112 = vector.broadcast %broadcast_in_dim3A_111 : f32 to vector<16xf32>
      %swap3A_113 = arith.index_cast %scan3A_70 : i32 to index
      %swap3A_114 = arith.constant 96 : index
      %swap3A_115 = tpu.vector_load %arg9[%swap3A_113, %swap3A_114] {strides = array<i32>} : memref<64x128xf32, #tpu.memory_space<vmem>>, vector<1x16xf32>,
      %swap3A_116 = vector.shape_cast %swap3A_115 : vector<1x16xf32> to vector<16xf32>
      %swap3A_117 = vector.shape_cast %broadcast_in_dim3A_112 : vector<16xf32> to vector<1x16xf32>
      tpu.vector_store %arg9[%swap3A_113, %swap3A_114], %swap3A_117 {strides = array<i32>} : memref<64x128xf32, #tpu.memory_space<vmem>>, vector<1x16xf32>,
      %broadcast_in_dim3A_118 = arith.constant 0.000000e+00 : f32
      %broadcast_in_dim3A_119 = vector.broadcast %broadcast_in_dim3A_118 : f32 to vector<16xf32>
      %swap3A_120 = arith.index_cast %scan3A_70 : i32 to index
      %swap3A_121 = arith.constant 112 : index
      %swap3A_122 = tpu.vector_load %arg9[%swap3A_120, %swap3A_121] {strides = array<i32>} : memref<64x128xf32, #tpu.memory_space<vmem>>, vector<1x16xf32>,
      %swap3A_123 = vector.shape_cast %swap3A_122 : vector<1x16xf32> to vector<16xf32>
      %swap3A_124 = vector.shape_cast %broadcast_in_dim3A_119 : vector<16xf32> to vector<1x16xf32>
      tpu.vector_store %arg9[%swap3A_120, %swap3A_121], %swap3A_124 {strides = array<i32>} : memref<64x128xf32, #tpu.memory_space<vmem>>, vector<1x16xf32>,
    }
    %scan3A_5 = arith.constant 64 : i32
    %scan3A_6 = arith.constant 0 : i32
    %scan3A_7 = arith.constant 0 : i32
    %scan3A_8 = arith.constant 10 : i32
    %scan3A_9 = arith.addi %scan3A_7, %scan3A_8 : i32
    %scan3A_10 = arith.constant 1 : i32
    scf.for %scan3A_70 = %scan3A_7 to %scan3A_9 step %scan3A_10  : i32 {
      %mul3A_71 = arith.constant 640 : i32
      %mul3A_72 = arith.muli %arg1, %mul3A_71 : i32
      %mul3A_73 = arith.constant 64 : i32
      %mul3A_74 = arith.muli %scan3A_70, %mul3A_73 : i32
      %add3A_75 = arith.addi %mul3A_72, %mul3A_74 : i32
      "tpu.region"() ({
        %run_scoped3A_76 = tpu.sem_alloc : memref<!tpu.dma_semaphore, #tpu.memory_space<semaphore_mem>>
        %dma_start3A = arith.constant 0 : i32
        %dma_start3A_77 = tpu.memref_slice %arg11[%add3A_75, %dma_start3A] : memref<10240x128xf32, #tpu.memory_space<vmem_shared>> -> memref<64x128xf32, #tpu.memory_space<vmem_shared>>
        %dma_start3A_78 = arith.constant 0 : i32
        %dma_start3A_79 = tpu.memref_slice %arg11[%add3A_75, %dma_start3A_78] : memref<10240x128xf32, #tpu.memory_space<vmem_shared>> -> memref<64x128xf32, #tpu.memory_space<vmem_shared>>
        tpu.enqueue_dma source(%arg9 : memref<64x128xf32, #tpu.memory_space<vmem>>) target(%dma_start3A_79 : memref<64x128xf32, #tpu.memory_space<vmem_shared>>) target_semaphore(%run_scoped3A_76 : memref<!tpu.dma_semaphore, #tpu.memory_space<semaphore_mem>>)
        %dma_wait3A = arith.constant 0 : i32
        %dma_wait3A_80 = tpu.memref_slice %arg11[%add3A_75, %dma_wait3A] : memref<10240x128xf32, #tpu.memory_space<vmem_shared>> -> memref<64x128xf32, #tpu.memory_space<vmem_shared>>
        %dma_wait3A_81 = arith.constant 0 : i32
        %dma_wait3A_82 = tpu.memref_slice %arg11[%add3A_75, %dma_wait3A_81] : memref<10240x128xf32, #tpu.memory_space<vmem_shared>> -> memref<64x128xf32, #tpu.memory_space<vmem_shared>>
        tpu.wait_dma2 semaphore(%run_scoped3A_76 : memref<!tpu.dma_semaphore, #tpu.memory_space<semaphore_mem>>) src(%arg9 : memref<64x128xf32, #tpu.memory_space<vmem>>) dst(%dma_wait3A_82 : memref<64x128xf32, #tpu.memory_space<vmem_shared>>)
        tpu.yield
      }) : () -> ()
    }
    %scan3A_11 = arith.constant 10 : i32
    %barrier3A = arith.constant 0 : index
    tpu.barrier barrier_id(%barrier3A)
    %run_scoped3A = arith.constant 0 : i32
    "tpu.region"() ({
      %run_scoped3A_70 = tpu.sem_alloc : memref<!tpu.dma_semaphore, #tpu.memory_space<semaphore_mem>>
      %dma_start3A = arith.constant 0 : i32
      %dma_start3A_71 = arith.constant 0 : i32
      %dma_start3A_72 = tpu.memref_slice %arg3[%run_scoped3A, %add3A, %dma_start3A, %dma_start3A_71] : memref<3x32x40x128xi32, #tpu.memory_space<hbm>> -> memref<1x1x40x128xi32, #tpu.memory_space<hbm>>
      %dma_start3A_73 = tpu.memref_squeeze %dma_start3A_72 : memref<1x1x40x128xi32, #tpu.memory_space<hbm>> -> memref<40x128xi32, #tpu.memory_space<hbm>>
      %dma_start3A_74 = arith.constant 0 : i32
      %dma_start3A_75 = arith.constant 0 : i32
      %dma_start3A_76 = tpu.memref_slice %arg3[%run_scoped3A, %add3A, %dma_start3A_74, %dma_start3A_75] : memref<3x32x40x128xi32, #tpu.memory_space<hbm>> -> memref<1x1x40x128xi32, #tpu.memory_space<hbm>>
      %dma_start3A_77 = tpu.memref_squeeze %dma_start3A_76 : memref<1x1x40x128xi32, #tpu.memory_space<hbm>> -> memref<40x128xi32, #tpu.memory_space<hbm>>
      tpu.enqueue_dma source(%dma_start3A_77 : memref<40x128xi32, #tpu.memory_space<hbm>>) target(%arg6 : memref<40x128xi32, #tpu.memory_space<vmem>>) target_semaphore(%run_scoped3A_70 : memref<!tpu.dma_semaphore, #tpu.memory_space<semaphore_mem>>)
      %dma_wait3A = arith.constant 0 : i32
      %dma_wait3A_78 = arith.constant 0 : i32
      %dma_wait3A_79 = tpu.memref_slice %arg3[%run_scoped3A, %add3A, %dma_wait3A, %dma_wait3A_78] : memref<3x32x40x128xi32, #tpu.memory_space<hbm>> -> memref<1x1x40x128xi32, #tpu.memory_space<hbm>>
      %dma_wait3A_80 = tpu.memref_squeeze %dma_wait3A_79 : memref<1x1x40x128xi32, #tpu.memory_space<hbm>> -> memref<40x128xi32, #tpu.memory_space<hbm>>
      %dma_wait3A_81 = arith.constant 0 : i32
      %dma_wait3A_82 = arith.constant 0 : i32
      %dma_wait3A_83 = tpu.memref_slice %arg3[%run_scoped3A, %add3A, %dma_wait3A_81, %dma_wait3A_82] : memref<3x32x40x128xi32, #tpu.memory_space<hbm>> -> memref<1x1x40x128xi32, #tpu.memory_space<hbm>>
      %dma_wait3A_84 = tpu.memref_squeeze %dma_wait3A_83 : memref<1x1x40x128xi32, #tpu.memory_space<hbm>> -> memref<40x128xi32, #tpu.memory_space<hbm>>
      tpu.wait_dma2 semaphore(%run_scoped3A_70 : memref<!tpu.dma_semaphore, #tpu.memory_space<semaphore_mem>>) src(%dma_wait3A_84 : memref<40x128xi32, #tpu.memory_space<hbm>>) dst(%arg6 : memref<40x128xi32, #tpu.memory_space<vmem>>)
      tpu.yield
    }) : () -> ()
    %run_scoped3A_12 = arith.constant 0 : i32
    "tpu.region"() ({
      %run_scoped3A_70 = tpu.sem_alloc : memref<!tpu.dma_semaphore, #tpu.memory_space<semaphore_mem>>
      %dma_start3A = arith.constant 0 : i32
      %dma_start3A_71 = arith.constant 0 : i32
      %dma_start3A_72 = tpu.memref_slice %arg4[%run_scoped3A_12, %add3A, %dma_start3A, %dma_start3A_71] : memref<3x32x40x128xi32, #tpu.memory_space<hbm>> -> memref<1x1x40x128xi32, #tpu.memory_space<hbm>>
      %dma_start3A_73 = tpu.memref_squeeze %dma_start3A_72 : memref<1x1x40x128xi32, #tpu.memory_space<hbm>> -> memref<40x128xi32, #tpu.memory_space<hbm>>
      %dma_start3A_74 = arith.constant 0 : i32
      %dma_start3A_75 = arith.constant 0 : i32
      %dma_start3A_76 = tpu.memref_slice %arg4[%run_scoped3A_12, %add3A, %dma_start3A_74, %dma_start3A_75] : memref<3x32x40x128xi32, #tpu.memory_space<hbm>> -> memref<1x1x40x128xi32, #tpu.memory_space<hbm>>
      %dma_start3A_77 = tpu.memref_squeeze %dma_start3A_76 : memref<1x1x40x128xi32, #tpu.memory_space<hbm>> -> memref<40x128xi32, #tpu.memory_space<hbm>>
      tpu.enqueue_dma source(%dma_start3A_77 : memref<40x128xi32, #tpu.memory_space<hbm>>) target(%arg7 : memref<40x128xi32, #tpu.memory_space<vmem>>) target_semaphore(%run_scoped3A_70 : memref<!tpu.dma_semaphore, #tpu.memory_space<semaphore_mem>>)
      %dma_wait3A = arith.constant 0 : i32
      %dma_wait3A_78 = arith.constant 0 : i32
      %dma_wait3A_79 = tpu.memref_slice %arg4[%run_scoped3A_12, %add3A, %dma_wait3A, %dma_wait3A_78] : memref<3x32x40x128xi32, #tpu.memory_space<hbm>> -> memref<1x1x40x128xi32, #tpu.memory_space<hbm>>
      %dma_wait3A_80 = tpu.memref_squeeze %dma_wait3A_79 : memref<1x1x40x128xi32, #tpu.memory_space<hbm>> -> memref<40x128xi32, #tpu.memory_space<hbm>>
      %dma_wait3A_81 = arith.constant 0 : i32
      %dma_wait3A_82 = arith.constant 0 : i32
      %dma_wait3A_83 = tpu.memref_slice %arg4[%run_scoped3A_12, %add3A, %dma_wait3A_81, %dma_wait3A_82] : memref<3x32x40x128xi32, #tpu.memory_space<hbm>> -> memref<1x1x40x128xi32, #tpu.memory_space<hbm>>
      %dma_wait3A_84 = tpu.memref_squeeze %dma_wait3A_83 : memref<1x1x40x128xi32, #tpu.memory_space<hbm>> -> memref<40x128xi32, #tpu.memory_space<hbm>>
      tpu.wait_dma2 semaphore(%run_scoped3A_70 : memref<!tpu.dma_semaphore, #tpu.memory_space<semaphore_mem>>) src(%dma_wait3A_84 : memref<40x128xi32, #tpu.memory_space<hbm>>) dst(%arg7 : memref<40x128xi32, #tpu.memory_space<vmem>>)
      tpu.yield
    }) : () -> ()
    %scan3A_13 = arith.constant 0 : i32
    %scan3A_14 = arith.constant 0 : i32
    %scan3A_15 = arith.constant 40 : i32
    %scan3A_16 = arith.addi %scan3A_14, %scan3A_15 : i32
    %scan3A_17 = arith.constant 1 : i32
    scf.for %scan3A_70 = %scan3A_14 to %scan3A_16 step %scan3A_17  : i32 {
      %dma_start3A = arith.constant 0 : i32
      %dma_start3A_71 = tpu.memref_slice %arg6[%scan3A_70, %dma_start3A] : memref<40x128xi32, #tpu.memory_space<vmem>> -> memref<1x128xi32, #tpu.memory_space<vmem>>
      %dma_start3A_72 = tpu.memref_squeeze %dma_start3A_71 : memref<1x128xi32, #tpu.memory_space<vmem>> -> memref<128xi32, #tpu.memory_space<vmem>>
      %dma_start3A_73 = arith.constant 0 : i32
      %dma_start3A_74 = arith.constant 0 : i32
      %dma_start3A_75 = tpu.memref_slice %arg2[%dma_start3A_73, %dma_start3A_74] : memref<30720x128xf32, #tpu.memory_space<hbm>> -> memref<30720x128xf32, #tpu.memory_space<hbm>>
      tpu.enqueue_indirect_dma source(%dma_start3A_75 : memref<30720x128xf32, #tpu.memory_space<hbm>>) target(%arg8 : memref<128x128xf32, #tpu.memory_space<vmem>>) offsets(%dma_start3A_72 : memref<128xi32, #tpu.memory_space<vmem>>) semaphore(%arg12 : memref<!tpu.dma_semaphore, #tpu.memory_space<semaphore_mem>>)
      %dma_wait3A = arith.constant 0 : i32
      %dma_wait3A_76 = tpu.memref_slice %arg6[%scan3A_70, %dma_wait3A] : memref<40x128xi32, #tpu.memory_space<vmem>> -> memref<1x128xi32, #tpu.memory_space<vmem>>
      %dma_wait3A_77 = tpu.memref_squeeze %dma_wait3A_76 : memref<1x128xi32, #tpu.memory_space<vmem>> -> memref<128xi32, #tpu.memory_space<vmem>>
      %dma_wait3A_78 = arith.constant 0 : i32
      %dma_wait3A_79 = arith.constant 0 : i32
      %dma_wait3A_80 = tpu.memref_slice %arg2[%dma_wait3A_78, %dma_wait3A_79] : memref<30720x128xf32, #tpu.memory_space<hbm>> -> memref<30720x128xf32, #tpu.memory_space<hbm>>
      tpu.wait_indirect_dma semaphore(%arg12 : memref<!tpu.dma_semaphore, #tpu.memory_space<semaphore_mem>>) src(%dma_wait3A_80 : memref<30720x128xf32, #tpu.memory_space<hbm>>) dst(%arg8 : memref<128x128xf32, #tpu.memory_space<vmem>>)
      "tpu.region"() ({
        %run_scoped3A_81 = tpu.sem_alloc : memref<!tpu.dma_semaphore, #tpu.memory_space<semaphore_mem>>
        %dma_start3A_82 = arith.constant 0 : i32
        %dma_start3A_83 = tpu.memref_slice %arg7[%scan3A_70, %dma_start3A_82] : memref<40x128xi32, #tpu.memory_space<vmem>> -> memref<1x128xi32, #tpu.memory_space<vmem>>
        %dma_start3A_84 = tpu.memref_squeeze %dma_start3A_83 : memref<1x128xi32, #tpu.memory_space<vmem>> -> memref<128xi32, #tpu.memory_space<vmem>>
        %dma_start3A_85 = arith.constant 0 : i32
        %dma_start3A_86 = arith.constant 0 : i32
        %dma_start3A_87 = tpu.memref_slice %arg11[%dma_start3A_85, %dma_start3A_86] : memref<10240x128xf32, #tpu.memory_space<vmem_shared>> -> memref<10240x128xf32, #tpu.memory_space<vmem_shared>>
        tpu.enqueue_indirect_dma source(%arg8 : memref<128x128xf32, #tpu.memory_space<vmem>>) target(%dma_start3A_87 : memref<10240x128xf32, #tpu.memory_space<vmem_shared>>) offsets(%dma_start3A_84 : memref<128xi32, #tpu.memory_space<vmem>>) semaphore(%run_scoped3A_81 : memref<!tpu.dma_semaphore, #tpu.memory_space<semaphore_mem>>) {add = true}
        %dma_wait3A_88 = arith.constant 0 : i32
        %dma_wait3A_89 = tpu.memref_slice %arg7[%scan3A_70, %dma_wait3A_88] : memref<40x128xi32, #tpu.memory_space<vmem>> -> memref<1x128xi32, #tpu.memory_space<vmem>>
        %dma_wait3A_90 = tpu.memref_squeeze %dma_wait3A_89 : memref<1x128xi32, #tpu.memory_space<vmem>> -> memref<128xi32, #tpu.memory_space<vmem>>
        %dma_wait3A_91 = arith.constant 0 : i32
        %dma_wait3A_92 = arith.constant 0 : i32
        %dma_wait3A_93 = tpu.memref_slice %arg11[%dma_wait3A_91, %dma_wait3A_92] : memref<10240x128xf32, #tpu.memory_space<vmem_shared>> -> memref<10240x128xf32, #tpu.memory_space<vmem_shared>>
        tpu.wait_indirect_dma semaphore(%run_scoped3A_81 : memref<!tpu.dma_semaphore, #tpu.memory_space<semaphore_mem>>) src(%arg8 : memref<128x128xf32, #tpu.memory_space<vmem>>) dst(%dma_wait3A_93 : memref<10240x128xf32, #tpu.memory_space<vmem_shared>>)
        tpu.yield
      }) : () -> ()
    }
    %scan3A_18 = arith.constant 40 : i32
    %barrier3A_19 = arith.constant 0 : index
    tpu.barrier barrier_id(%barrier3A_19)
    %scan3A_20 = arith.constant 0 : i32
    %scan3A_21 = arith.constant 0 : i32
    %scan3A_22 = arith.constant 10 : i32
    %scan3A_23 = arith.addi %scan3A_21, %scan3A_22 : i32
    %scan3A_24 = arith.constant 1 : i32
    scf.for %scan3A_70 = %scan3A_21 to %scan3A_23 step %scan3A_24  : i32 {
      %mul3A_71 = arith.constant 640 : i32
      %mul3A_72 = arith.muli %arg1, %mul3A_71 : i32
      %mul3A_73 = arith.constant 64 : i32
      %mul3A_74 = arith.muli %scan3A_70, %mul3A_73 : i32
      %add3A_75 = arith.addi %mul3A_72, %mul3A_74 : i32
      "tpu.region"() ({
        %run_scoped3A_82 = tpu.sem_alloc : memref<!tpu.dma_semaphore, #tpu.memory_space<semaphore_mem>>
        %dma_start3A = arith.constant 0 : i32
        %dma_start3A_83 = tpu.memref_slice %arg11[%add3A_75, %dma_start3A] : memref<10240x128xf32, #tpu.memory_space<vmem_shared>> -> memref<64x128xf32, #tpu.memory_space<vmem_shared>>
        %dma_start3A_84 = arith.constant 0 : i32
        %dma_start3A_85 = tpu.memref_slice %arg11[%add3A_75, %dma_start3A_84] : memref<10240x128xf32, #tpu.memory_space<vmem_shared>> -> memref<64x128xf32, #tpu.memory_space<vmem_shared>>
        tpu.enqueue_dma source(%dma_start3A_85 : memref<64x128xf32, #tpu.memory_space<vmem_shared>>) target(%arg10 : memref<64x128xf32, #tpu.memory_space<vmem>>) target_semaphore(%run_scoped3A_82 : memref<!tpu.dma_semaphore, #tpu.memory_space<semaphore_mem>>)
        %dma_wait3A = arith.constant 0 : i32
        %dma_wait3A_86 = tpu.memref_slice %arg11[%add3A_75, %dma_wait3A] : memref<10240x128xf32, #tpu.memory_space<vmem_shared>> -> memref<64x128xf32, #tpu.memory_space<vmem_shared>>
        %dma_wait3A_87 = arith.constant 0 : i32
        %dma_wait3A_88 = tpu.memref_slice %arg11[%add3A_75, %dma_wait3A_87] : memref<10240x128xf32, #tpu.memory_space<vmem_shared>> -> memref<64x128xf32, #tpu.memory_space<vmem_shared>>
        tpu.wait_dma2 semaphore(%run_scoped3A_82 : memref<!tpu.dma_semaphore, #tpu.memory_space<semaphore_mem>>) src(%dma_wait3A_88 : memref<64x128xf32, #tpu.memory_space<vmem_shared>>) dst(%arg10 : memref<64x128xf32, #tpu.memory_space<vmem>>)
        tpu.yield
      }) : () -> ()
      %mul3A_76 = arith.constant 640 : i32
      %mul3A_77 = arith.muli %arg1, %mul3A_76 : i32
      %mul3A_78 = arith.constant 64 : i32
      %mul3A_79 = arith.muli %scan3A_70, %mul3A_78 : i32
      %add3A_80 = arith.addi %mul3A_77, %mul3A_79 : i32
      %run_scoped3A_81 = arith.constant 0 : i32
      "tpu.region"() ({
        %run_scoped3A_82 = tpu.sem_alloc : memref<!tpu.dma_semaphore, #tpu.memory_space<semaphore_mem>>
        %dma_start3A = arith.constant 0 : i32
        %dma_start3A_83 = tpu.memref_slice %arg5[%run_scoped3A_81, %arg0, %add3A_80, %dma_start3A] : memref<3x2x10240x128xf32, #tpu.memory_space<hbm>> -> memref<1x1x64x128xf32, #tpu.memory_space<hbm>>
        %dma_start3A_84 = tpu.memref_squeeze %dma_start3A_83 : memref<1x1x64x128xf32, #tpu.memory_space<hbm>> -> memref<64x128xf32, #tpu.memory_space<hbm>>
        %dma_start3A_85 = arith.constant 0 : i32
        %dma_start3A_86 = tpu.memref_slice %arg5[%run_scoped3A_81, %arg0, %add3A_80, %dma_start3A_85] : memref<3x2x10240x128xf32, #tpu.memory_space<hbm>> -> memref<1x1x64x128xf32, #tpu.memory_space<hbm>>
        %dma_start3A_87 = tpu.memref_squeeze %dma_start3A_86 : memref<1x1x64x128xf32, #tpu.memory_space<hbm>> -> memref<64x128xf32, #tpu.memory_space<hbm>>
        tpu.enqueue_dma source(%arg10 : memref<64x128xf32, #tpu.memory_space<vmem>>) target(%dma_start3A_87 : memref<64x128xf32, #tpu.memory_space<hbm>>) target_semaphore(%run_scoped3A_82 : memref<!tpu.dma_semaphore, #tpu.memory_space<semaphore_mem>>)
        %dma_wait3A = arith.constant 0 : i32
        %dma_wait3A_88 = tpu.memref_slice %arg5[%run_scoped3A_81, %arg0, %add3A_80, %dma_wait3A] : memref<3x2x10240x128xf32, #tpu.memory_space<hbm>> -> memref<1x1x64x128xf32, #tpu.memory_space<hbm>>
        %dma_wait3A_89 = tpu.memref_squeeze %dma_wait3A_88 : memref<1x1x64x128xf32, #tpu.memory_space<hbm>> -> memref<64x128xf32, #tpu.memory_space<hbm>>
        %dma_wait3A_90 = arith.constant 0 : i32
        %dma_wait3A_91 = tpu.memref_slice %arg5[%run_scoped3A_81, %arg0, %add3A_80, %dma_wait3A_90] : memref<3x2x10240x128xf32, #tpu.memory_space<hbm>> -> memref<1x1x64x128xf32, #tpu.memory_space<hbm>>
        %dma_wait3A_92 = tpu.memref_squeeze %dma_wait3A_91 : memref<1x1x64x128xf32, #tpu.memory_space<hbm>> -> memref<64x128xf32, #tpu.memory_space<hbm>>
        tpu.wait_dma2 semaphore(%run_scoped3A_82 : memref<!tpu.dma_semaphore, #tpu.memory_space<semaphore_mem>>) src(%arg10 : memref<64x128xf32, #tpu.memory_space<vmem>>) dst(%dma_wait3A_92 : memref<64x128xf32, #tpu.memory_space<hbm>>)
        tpu.yield
      }) : () -> ()
    }
    %scan3A_25 = arith.constant 10 : i32
    %scan3A_26 = arith.constant 0 : i32
    %scan3A_27 = arith.constant 0 : i32
    %scan3A_28 = arith.constant 10 : i32
    %scan3A_29 = arith.addi %scan3A_27, %scan3A_28 : i32
    %scan3A_30 = arith.constant 1 : i32
    scf.for %scan3A_70 = %scan3A_27 to %scan3A_29 step %scan3A_30  : i32 {
      %mul3A_71 = arith.constant 640 : i32
      %mul3A_72 = arith.muli %arg1, %mul3A_71 : i32
      %mul3A_73 = arith.constant 64 : i32
      %mul3A_74 = arith.muli %scan3A_70, %mul3A_73 : i32
      %add3A_75 = arith.addi %mul3A_72, %mul3A_74 : i32
      "tpu.region"() ({
        %run_scoped3A_76 = tpu.sem_alloc : memref<!tpu.dma_semaphore, #tpu.memory_space<semaphore_mem>>
        %dma_start3A = arith.constant 0 : i32
        %dma_start3A_77 = tpu.memref_slice %arg11[%add3A_75, %dma_start3A] : memref<10240x128xf32, #tpu.memory_space<vmem_shared>> -> memref<64x128xf32, #tpu.memory_space<vmem_shared>>
        %dma_start3A_78 = arith.constant 0 : i32
        %dma_start3A_79 = tpu.memref_slice %arg11[%add3A_75, %dma_start3A_78] : memref<10240x128xf32, #tpu.memory_space<vmem_shared>> -> memref<64x128xf32, #tpu.memory_space<vmem_shared>>
        tpu.enqueue_dma source(%arg9 : memref<64x128xf32, #tpu.memory_space<vmem>>) target(%dma_start3A_79 : memref<64x128xf32, #tpu.memory_space<vmem_shared>>) target_semaphore(%run_scoped3A_76 : memref<!tpu.dma_semaphore, #tpu.memory_space<semaphore_mem>>)
        %dma_wait3A = arith.constant 0 : i32
        %dma_wait3A_80 = tpu.memref_slice %arg11[%add3A_75, %dma_wait3A] : memref<10240x128xf32, #tpu.memory_space<vmem_shared>> -> memref<64x128xf32, #tpu.memory_space<vmem_shared>>
        %dma_wait3A_81 = arith.constant 0 : i32
        %dma_wait3A_82 = tpu.memref_slice %arg11[%add3A_75, %dma_wait3A_81] : memref<10240x128xf32, #tpu.memory_space<vmem_shared>> -> memref<64x128xf32, #tpu.memory_space<vmem_shared>>
        tpu.wait_dma2 semaphore(%run_scoped3A_76 : memref<!tpu.dma_semaphore, #tpu.memory_space<semaphore_mem>>) src(%arg9 : memref<64x128xf32, #tpu.memory_space<vmem>>) dst(%dma_wait3A_82 : memref<64x128xf32, #tpu.memory_space<vmem_shared>>)
        tpu.yield
      }) : () -> ()
    }
    %scan3A_31 = arith.constant 10 : i32
    %barrier3A_32 = arith.constant 0 : index
    tpu.barrier barrier_id(%barrier3A_32)
    %run_scoped3A_33 = arith.constant 1 : i32
    "tpu.region"() ({
      %run_scoped3A_70 = tpu.sem_alloc : memref<!tpu.dma_semaphore, #tpu.memory_space<semaphore_mem>>
      %dma_start3A = arith.constant 0 : i32
      %dma_start3A_71 = arith.constant 0 : i32
      %dma_start3A_72 = tpu.memref_slice %arg3[%run_scoped3A_33, %add3A, %dma_start3A, %dma_start3A_71] : memref<3x32x40x128xi32, #tpu.memory_space<hbm>> -> memref<1x1x40x128xi32, #tpu.memory_space<hbm>>
      %dma_start3A_73 = tpu.memref_squeeze %dma_start3A_72 : memref<1x1x40x128xi32, #tpu.memory_space<hbm>> -> memref<40x128xi32, #tpu.memory_space<hbm>>
      %dma_start3A_74 = arith.constant 0 : i32
      %dma_start3A_75 = arith.constant 0 : i32
      %dma_start3A_76 = tpu.memref_slice %arg3[%run_scoped3A_33, %add3A, %dma_start3A_74, %dma_start3A_75] : memref<3x32x40x128xi32, #tpu.memory_space<hbm>> -> memref<1x1x40x128xi32, #tpu.memory_space<hbm>>
      %dma_start3A_77 = tpu.memref_squeeze %dma_start3A_76 : memref<1x1x40x128xi32, #tpu.memory_space<hbm>> -> memref<40x128xi32, #tpu.memory_space<hbm>>
      tpu.enqueue_dma source(%dma_start3A_77 : memref<40x128xi32, #tpu.memory_space<hbm>>) target(%arg6 : memref<40x128xi32, #tpu.memory_space<vmem>>) target_semaphore(%run_scoped3A_70 : memref<!tpu.dma_semaphore, #tpu.memory_space<semaphore_mem>>)
      %dma_wait3A = arith.constant 0 : i32
      %dma_wait3A_78 = arith.constant 0 : i32
      %dma_wait3A_79 = tpu.memref_slice %arg3[%run_scoped3A_33, %add3A, %dma_wait3A, %dma_wait3A_78] : memref<3x32x40x128xi32, #tpu.memory_space<hbm>> -> memref<1x1x40x128xi32, #tpu.memory_space<hbm>>
      %dma_wait3A_80 = tpu.memref_squeeze %dma_wait3A_79 : memref<1x1x40x128xi32, #tpu.memory_space<hbm>> -> memref<40x128xi32, #tpu.memory_space<hbm>>
      %dma_wait3A_81 = arith.constant 0 : i32
      %dma_wait3A_82 = arith.constant 0 : i32
      %dma_wait3A_83 = tpu.memref_slice %arg3[%run_scoped3A_33, %add3A, %dma_wait3A_81, %dma_wait3A_82] : memref<3x32x40x128xi32, #tpu.memory_space<hbm>> -> memref<1x1x40x128xi32, #tpu.memory_space<hbm>>
      %dma_wait3A_84 = tpu.memref_squeeze %dma_wait3A_83 : memref<1x1x40x128xi32, #tpu.memory_space<hbm>> -> memref<40x128xi32, #tpu.memory_space<hbm>>
      tpu.wait_dma2 semaphore(%run_scoped3A_70 : memref<!tpu.dma_semaphore, #tpu.memory_space<semaphore_mem>>) src(%dma_wait3A_84 : memref<40x128xi32, #tpu.memory_space<hbm>>) dst(%arg6 : memref<40x128xi32, #tpu.memory_space<vmem>>)
      tpu.yield
    }) : () -> ()
    %run_scoped3A_34 = arith.constant 1 : i32
    "tpu.region"() ({
      %run_scoped3A_70 = tpu.sem_alloc : memref<!tpu.dma_semaphore, #tpu.memory_space<semaphore_mem>>
      %dma_start3A = arith.constant 0 : i32
      %dma_start3A_71 = arith.constant 0 : i32
      %dma_start3A_72 = tpu.memref_slice %arg4[%run_scoped3A_34, %add3A, %dma_start3A, %dma_start3A_71] : memref<3x32x40x128xi32, #tpu.memory_space<hbm>> -> memref<1x1x40x128xi32, #tpu.memory_space<hbm>>
      %dma_start3A_73 = tpu.memref_squeeze %dma_start3A_72 : memref<1x1x40x128xi32, #tpu.memory_space<hbm>> -> memref<40x128xi32, #tpu.memory_space<hbm>>
      %dma_start3A_74 = arith.constant 0 : i32
      %dma_start3A_75 = arith.constant 0 : i32
      %dma_start3A_76 = tpu.memref_slice %arg4[%run_scoped3A_34, %add3A, %dma_start3A_74, %dma_start3A_75] : memref<3x32x40x128xi32, #tpu.memory_space<hbm>> -> memref<1x1x40x128xi32, #tpu.memory_space<hbm>>
      %dma_start3A_77 = tpu.memref_squeeze %dma_start3A_76 : memref<1x1x40x128xi32, #tpu.memory_space<hbm>> -> memref<40x128xi32, #tpu.memory_space<hbm>>
      tpu.enqueue_dma source(%dma_start3A_77 : memref<40x128xi32, #tpu.memory_space<hbm>>) target(%arg7 : memref<40x128xi32, #tpu.memory_space<vmem>>) target_semaphore(%run_scoped3A_70 : memref<!tpu.dma_semaphore, #tpu.memory_space<semaphore_mem>>)
      %dma_wait3A = arith.constant 0 : i32
      %dma_wait3A_78 = arith.constant 0 : i32
      %dma_wait3A_79 = tpu.memref_slice %arg4[%run_scoped3A_34, %add3A, %dma_wait3A, %dma_wait3A_78] : memref<3x32x40x128xi32, #tpu.memory_space<hbm>> -> memref<1x1x40x128xi32, #tpu.memory_space<hbm>>
      %dma_wait3A_80 = tpu.memref_squeeze %dma_wait3A_79 : memref<1x1x40x128xi32, #tpu.memory_space<hbm>> -> memref<40x128xi32, #tpu.memory_space<hbm>>
      %dma_wait3A_81 = arith.constant 0 : i32
      %dma_wait3A_82 = arith.constant 0 : i32
      %dma_wait3A_83 = tpu.memref_slice %arg4[%run_scoped3A_34, %add3A, %dma_wait3A_81, %dma_wait3A_82] : memref<3x32x40x128xi32, #tpu.memory_space<hbm>> -> memref<1x1x40x128xi32, #tpu.memory_space<hbm>>
      %dma_wait3A_84 = tpu.memref_squeeze %dma_wait3A_83 : memref<1x1x40x128xi32, #tpu.memory_space<hbm>> -> memref<40x128xi32, #tpu.memory_space<hbm>>
      tpu.wait_dma2 semaphore(%run_scoped3A_70 : memref<!tpu.dma_semaphore, #tpu.memory_space<semaphore_mem>>) src(%dma_wait3A_84 : memref<40x128xi32, #tpu.memory_space<hbm>>) dst(%arg7 : memref<40x128xi32, #tpu.memory_space<vmem>>)
      tpu.yield
    }) : () -> ()
    %scan3A_35 = arith.constant 0 : i32
    %scan3A_36 = arith.constant 0 : i32
    %scan3A_37 = arith.constant 40 : i32
    %scan3A_38 = arith.addi %scan3A_36, %scan3A_37 : i32
    %scan3A_39 = arith.constant 1 : i32
    scf.for %scan3A_70 = %scan3A_36 to %scan3A_38 step %scan3A_39  : i32 {
      %dma_start3A = arith.constant 0 : i32
      %dma_start3A_71 = tpu.memref_slice %arg6[%scan3A_70, %dma_start3A] : memref<40x128xi32, #tpu.memory_space<vmem>> -> memref<1x128xi32, #tpu.memory_space<vmem>>
      %dma_start3A_72 = tpu.memref_squeeze %dma_start3A_71 : memref<1x128xi32, #tpu.memory_space<vmem>> -> memref<128xi32, #tpu.memory_space<vmem>>
      %dma_start3A_73 = arith.constant 0 : i32
      %dma_start3A_74 = arith.constant 0 : i32
      %dma_start3A_75 = tpu.memref_slice %arg2[%dma_start3A_73, %dma_start3A_74] : memref<30720x128xf32, #tpu.memory_space<hbm>> -> memref<30720x128xf32, #tpu.memory_space<hbm>>
      tpu.enqueue_indirect_dma source(%dma_start3A_75 : memref<30720x128xf32, #tpu.memory_space<hbm>>) target(%arg8 : memref<128x128xf32, #tpu.memory_space<vmem>>) offsets(%dma_start3A_72 : memref<128xi32, #tpu.memory_space<vmem>>) semaphore(%arg12 : memref<!tpu.dma_semaphore, #tpu.memory_space<semaphore_mem>>)
      %dma_wait3A = arith.constant 0 : i32
      %dma_wait3A_76 = tpu.memref_slice %arg6[%scan3A_70, %dma_wait3A] : memref<40x128xi32, #tpu.memory_space<vmem>> -> memref<1x128xi32, #tpu.memory_space<vmem>>
      %dma_wait3A_77 = tpu.memref_squeeze %dma_wait3A_76 : memref<1x128xi32, #tpu.memory_space<vmem>> -> memref<128xi32, #tpu.memory_space<vmem>>
      %dma_wait3A_78 = arith.constant 0 : i32
      %dma_wait3A_79 = arith.constant 0 : i32
      %dma_wait3A_80 = tpu.memref_slice %arg2[%dma_wait3A_78, %dma_wait3A_79] : memref<30720x128xf32, #tpu.memory_space<hbm>> -> memref<30720x128xf32, #tpu.memory_space<hbm>>
      tpu.wait_indirect_dma semaphore(%arg12 : memref<!tpu.dma_semaphore, #tpu.memory_space<semaphore_mem>>) src(%dma_wait3A_80 : memref<30720x128xf32, #tpu.memory_space<hbm>>) dst(%arg8 : memref<128x128xf32, #tpu.memory_space<vmem>>)
      "tpu.region"() ({
        %run_scoped3A_81 = tpu.sem_alloc : memref<!tpu.dma_semaphore, #tpu.memory_space<semaphore_mem>>
        %dma_start3A_82 = arith.constant 0 : i32
        %dma_start3A_83 = tpu.memref_slice %arg7[%scan3A_70, %dma_start3A_82] : memref<40x128xi32, #tpu.memory_space<vmem>> -> memref<1x128xi32, #tpu.memory_space<vmem>>
        %dma_start3A_84 = tpu.memref_squeeze %dma_start3A_83 : memref<1x128xi32, #tpu.memory_space<vmem>> -> memref<128xi32, #tpu.memory_space<vmem>>
        %dma_start3A_85 = arith.constant 0 : i32
        %dma_start3A_86 = arith.constant 0 : i32
        %dma_start3A_87 = tpu.memref_slice %arg11[%dma_start3A_85, %dma_start3A_86] : memref<10240x128xf32, #tpu.memory_space<vmem_shared>> -> memref<10240x128xf32, #tpu.memory_space<vmem_shared>>
        tpu.enqueue_indirect_dma source(%arg8 : memref<128x128xf32, #tpu.memory_space<vmem>>) target(%dma_start3A_87 : memref<10240x128xf32, #tpu.memory_space<vmem_shared>>) offsets(%dma_start3A_84 : memref<128xi32, #tpu.memory_space<vmem>>) semaphore(%run_scoped3A_81 : memref<!tpu.dma_semaphore, #tpu.memory_space<semaphore_mem>>) {add = true}
        %dma_wait3A_88 = arith.constant 0 : i32
        %dma_wait3A_89 = tpu.memref_slice %arg7[%scan3A_70, %dma_wait3A_88] : memref<40x128xi32, #tpu.memory_space<vmem>> -> memref<1x128xi32, #tpu.memory_space<vmem>>
        %dma_wait3A_90 = tpu.memref_squeeze %dma_wait3A_89 : memref<1x128xi32, #tpu.memory_space<vmem>> -> memref<128xi32, #tpu.memory_space<vmem>>
        %dma_wait3A_91 = arith.constant 0 : i32
        %dma_wait3A_92 = arith.constant 0 : i32
        %dma_wait3A_93 = tpu.memref_slice %arg11[%dma_wait3A_91, %dma_wait3A_92] : memref<10240x128xf32, #tpu.memory_space<vmem_shared>> -> memref<10240x128xf32, #tpu.memory_space<vmem_shared>>
        tpu.wait_indirect_dma semaphore(%run_scoped3A_81 : memref<!tpu.dma_semaphore, #tpu.memory_space<semaphore_mem>>) src(%arg8 : memref<128x128xf32, #tpu.memory_space<vmem>>) dst(%dma_wait3A_93 : memref<10240x128xf32, #tpu.memory_space<vmem_shared>>)
        tpu.yield
      }) : () -> ()
    }
    %scan3A_40 = arith.constant 40 : i32
    %barrier3A_41 = arith.constant 0 : index
    tpu.barrier barrier_id(%barrier3A_41)
    %scan3A_42 = arith.constant 0 : i32
    %scan3A_43 = arith.constant 0 : i32
    %scan3A_44 = arith.constant 10 : i32
    %scan3A_45 = arith.addi %scan3A_43, %scan3A_44 : i32
    %scan3A_46 = arith.constant 1 : i32
    scf.for %scan3A_70 = %scan3A_43 to %scan3A_45 step %scan3A_46  : i32 {
      %mul3A_71 = arith.constant 640 : i32
      %mul3A_72 = arith.muli %arg1, %mul3A_71 : i32
      %mul3A_73 = arith.constant 64 : i32
      %mul3A_74 = arith.muli %scan3A_70, %mul3A_73 : i32
      %add3A_75 = arith.addi %mul3A_72, %mul3A_74 : i32
      "tpu.region"() ({
        %run_scoped3A_82 = tpu.sem_alloc : memref<!tpu.dma_semaphore, #tpu.memory_space<semaphore_mem>>
        %dma_start3A = arith.constant 0 : i32
        %dma_start3A_83 = tpu.memref_slice %arg11[%add3A_75, %dma_start3A] : memref<10240x128xf32, #tpu.memory_space<vmem_shared>> -> memref<64x128xf32, #tpu.memory_space<vmem_shared>>
        %dma_start3A_84 = arith.constant 0 : i32
        %dma_start3A_85 = tpu.memref_slice %arg11[%add3A_75, %dma_start3A_84] : memref<10240x128xf32, #tpu.memory_space<vmem_shared>> -> memref<64x128xf32, #tpu.memory_space<vmem_shared>>
        tpu.enqueue_dma source(%dma_start3A_85 : memref<64x128xf32, #tpu.memory_space<vmem_shared>>) target(%arg10 : memref<64x128xf32, #tpu.memory_space<vmem>>) target_semaphore(%run_scoped3A_82 : memref<!tpu.dma_semaphore, #tpu.memory_space<semaphore_mem>>)
        %dma_wait3A = arith.constant 0 : i32
        %dma_wait3A_86 = tpu.memref_slice %arg11[%add3A_75, %dma_wait3A] : memref<10240x128xf32, #tpu.memory_space<vmem_shared>> -> memref<64x128xf32, #tpu.memory_space<vmem_shared>>
        %dma_wait3A_87 = arith.constant 0 : i32
        %dma_wait3A_88 = tpu.memref_slice %arg11[%add3A_75, %dma_wait3A_87] : memref<10240x128xf32, #tpu.memory_space<vmem_shared>> -> memref<64x128xf32, #tpu.memory_space<vmem_shared>>
        tpu.wait_dma2 semaphore(%run_scoped3A_82 : memref<!tpu.dma_semaphore, #tpu.memory_space<semaphore_mem>>) src(%dma_wait3A_88 : memref<64x128xf32, #tpu.memory_space<vmem_shared>>) dst(%arg10 : memref<64x128xf32, #tpu.memory_space<vmem>>)
        tpu.yield
      }) : () -> ()
      %mul3A_76 = arith.constant 640 : i32
      %mul3A_77 = arith.muli %arg1, %mul3A_76 : i32
      %mul3A_78 = arith.constant 64 : i32
      %mul3A_79 = arith.muli %scan3A_70, %mul3A_78 : i32
      %add3A_80 = arith.addi %mul3A_77, %mul3A_79 : i32
      %run_scoped3A_81 = arith.constant 1 : i32
      "tpu.region"() ({
        %run_scoped3A_82 = tpu.sem_alloc : memref<!tpu.dma_semaphore, #tpu.memory_space<semaphore_mem>>
        %dma_start3A = arith.constant 0 : i32
        %dma_start3A_83 = tpu.memref_slice %arg5[%run_scoped3A_81, %arg0, %add3A_80, %dma_start3A] : memref<3x2x10240x128xf32, #tpu.memory_space<hbm>> -> memref<1x1x64x128xf32, #tpu.memory_space<hbm>>
        %dma_start3A_84 = tpu.memref_squeeze %dma_start3A_83 : memref<1x1x64x128xf32, #tpu.memory_space<hbm>> -> memref<64x128xf32, #tpu.memory_space<hbm>>
        %dma_start3A_85 = arith.constant 0 : i32
        %dma_start3A_86 = tpu.memref_slice %arg5[%run_scoped3A_81, %arg0, %add3A_80, %dma_start3A_85] : memref<3x2x10240x128xf32, #tpu.memory_space<hbm>> -> memref<1x1x64x128xf32, #tpu.memory_space<hbm>>
        %dma_start3A_87 = tpu.memref_squeeze %dma_start3A_86 : memref<1x1x64x128xf32, #tpu.memory_space<hbm>> -> memref<64x128xf32, #tpu.memory_space<hbm>>
        tpu.enqueue_dma source(%arg10 : memref<64x128xf32, #tpu.memory_space<vmem>>) target(%dma_start3A_87 : memref<64x128xf32, #tpu.memory_space<hbm>>) target_semaphore(%run_scoped3A_82 : memref<!tpu.dma_semaphore, #tpu.memory_space<semaphore_mem>>)
        %dma_wait3A = arith.constant 0 : i32
        %dma_wait3A_88 = tpu.memref_slice %arg5[%run_scoped3A_81, %arg0, %add3A_80, %dma_wait3A] : memref<3x2x10240x128xf32, #tpu.memory_space<hbm>> -> memref<1x1x64x128xf32, #tpu.memory_space<hbm>>
        %dma_wait3A_89 = tpu.memref_squeeze %dma_wait3A_88 : memref<1x1x64x128xf32, #tpu.memory_space<hbm>> -> memref<64x128xf32, #tpu.memory_space<hbm>>
        %dma_wait3A_90 = arith.constant 0 : i32
        %dma_wait3A_91 = tpu.memref_slice %arg5[%run_scoped3A_81, %arg0, %add3A_80, %dma_wait3A_90] : memref<3x2x10240x128xf32, #tpu.memory_space<hbm>> -> memref<1x1x64x128xf32, #tpu.memory_space<hbm>>
        %dma_wait3A_92 = tpu.memref_squeeze %dma_wait3A_91 : memref<1x1x64x128xf32, #tpu.memory_space<hbm>> -> memref<64x128xf32, #tpu.memory_space<hbm>>
        tpu.wait_dma2 semaphore(%run_scoped3A_82 : memref<!tpu.dma_semaphore, #tpu.memory_space<semaphore_mem>>) src(%arg10 : memref<64x128xf32, #tpu.memory_space<vmem>>) dst(%dma_wait3A_92 : memref<64x128xf32, #tpu.memory_space<hbm>>)
        tpu.yield
      }) : () -> ()
    }
    %scan3A_47 = arith.constant 10 : i32
    %scan3A_48 = arith.constant 0 : i32
    %scan3A_49 = arith.constant 0 : i32
    %scan3A_50 = arith.constant 10 : i32
    %scan3A_51 = arith.addi %scan3A_49, %scan3A_50 : i32
    %scan3A_52 = arith.constant 1 : i32
    scf.for %scan3A_70 = %scan3A_49 to %scan3A_51 step %scan3A_52  : i32 {
      %mul3A_71 = arith.constant 640 : i32
      %mul3A_72 = arith.muli %arg1, %mul3A_71 : i32
      %mul3A_73 = arith.constant 64 : i32
      %mul3A_74 = arith.muli %scan3A_70, %mul3A_73 : i32
      %add3A_75 = arith.addi %mul3A_72, %mul3A_74 : i32
      "tpu.region"() ({
        %run_scoped3A_76 = tpu.sem_alloc : memref<!tpu.dma_semaphore, #tpu.memory_space<semaphore_mem>>
        %dma_start3A = arith.constant 0 : i32
        %dma_start3A_77 = tpu.memref_slice %arg11[%add3A_75, %dma_start3A] : memref<10240x128xf32, #tpu.memory_space<vmem_shared>> -> memref<64x128xf32, #tpu.memory_space<vmem_shared>>
        %dma_start3A_78 = arith.constant 0 : i32
        %dma_start3A_79 = tpu.memref_slice %arg11[%add3A_75, %dma_start3A_78] : memref<10240x128xf32, #tpu.memory_space<vmem_shared>> -> memref<64x128xf32, #tpu.memory_space<vmem_shared>>
        tpu.enqueue_dma source(%arg9 : memref<64x128xf32, #tpu.memory_space<vmem>>) target(%dma_start3A_79 : memref<64x128xf32, #tpu.memory_space<vmem_shared>>) target_semaphore(%run_scoped3A_76 : memref<!tpu.dma_semaphore, #tpu.memory_space<semaphore_mem>>)
        %dma_wait3A = arith.constant 0 : i32
        %dma_wait3A_80 = tpu.memref_slice %arg11[%add3A_75, %dma_wait3A] : memref<10240x128xf32, #tpu.memory_space<vmem_shared>> -> memref<64x128xf32, #tpu.memory_space<vmem_shared>>
        %dma_wait3A_81 = arith.constant 0 : i32
        %dma_wait3A_82 = tpu.memref_slice %arg11[%add3A_75, %dma_wait3A_81] : memref<10240x128xf32, #tpu.memory_space<vmem_shared>> -> memref<64x128xf32, #tpu.memory_space<vmem_shared>>
        tpu.wait_dma2 semaphore(%run_scoped3A_76 : memref<!tpu.dma_semaphore, #tpu.memory_space<semaphore_mem>>) src(%arg9 : memref<64x128xf32, #tpu.memory_space<vmem>>) dst(%dma_wait3A_82 : memref<64x128xf32, #tpu.memory_space<vmem_shared>>)
        tpu.yield
      }) : () -> ()
    }
    %scan3A_53 = arith.constant 10 : i32
    %barrier3A_54 = arith.constant 0 : index
    tpu.barrier barrier_id(%barrier3A_54)
    %run_scoped3A_55 = arith.constant 2 : i32
    "tpu.region"() ({
      %run_scoped3A_70 = tpu.sem_alloc : memref<!tpu.dma_semaphore, #tpu.memory_space<semaphore_mem>>
      %dma_start3A = arith.constant 0 : i32
      %dma_start3A_71 = arith.constant 0 : i32
      %dma_start3A_72 = tpu.memref_slice %arg3[%run_scoped3A_55, %add3A, %dma_start3A, %dma_start3A_71] : memref<3x32x40x128xi32, #tpu.memory_space<hbm>> -> memref<1x1x40x128xi32, #tpu.memory_space<hbm>>
      %dma_start3A_73 = tpu.memref_squeeze %dma_start3A_72 : memref<1x1x40x128xi32, #tpu.memory_space<hbm>> -> memref<40x128xi32, #tpu.memory_space<hbm>>
      %dma_start3A_74 = arith.constant 0 : i32
      %dma_start3A_75 = arith.constant 0 : i32
      %dma_start3A_76 = tpu.memref_slice %arg3[%run_scoped3A_55, %add3A, %dma_start3A_74, %dma_start3A_75] : memref<3x32x40x128xi32, #tpu.memory_space<hbm>> -> memref<1x1x40x128xi32, #tpu.memory_space<hbm>>
      %dma_start3A_77 = tpu.memref_squeeze %dma_start3A_76 : memref<1x1x40x128xi32, #tpu.memory_space<hbm>> -> memref<40x128xi32, #tpu.memory_space<hbm>>
      tpu.enqueue_dma source(%dma_start3A_77 : memref<40x128xi32, #tpu.memory_space<hbm>>) target(%arg6 : memref<40x128xi32, #tpu.memory_space<vmem>>) target_semaphore(%run_scoped3A_70 : memref<!tpu.dma_semaphore, #tpu.memory_space<semaphore_mem>>)
      %dma_wait3A = arith.constant 0 : i32
      %dma_wait3A_78 = arith.constant 0 : i32
      %dma_wait3A_79 = tpu.memref_slice %arg3[%run_scoped3A_55, %add3A, %dma_wait3A, %dma_wait3A_78] : memref<3x32x40x128xi32, #tpu.memory_space<hbm>> -> memref<1x1x40x128xi32, #tpu.memory_space<hbm>>
      %dma_wait3A_80 = tpu.memref_squeeze %dma_wait3A_79 : memref<1x1x40x128xi32, #tpu.memory_space<hbm>> -> memref<40x128xi32, #tpu.memory_space<hbm>>
      %dma_wait3A_81 = arith.constant 0 : i32
      %dma_wait3A_82 = arith.constant 0 : i32
      %dma_wait3A_83 = tpu.memref_slice %arg3[%run_scoped3A_55, %add3A, %dma_wait3A_81, %dma_wait3A_82] : memref<3x32x40x128xi32, #tpu.memory_space<hbm>> -> memref<1x1x40x128xi32, #tpu.memory_space<hbm>>
      %dma_wait3A_84 = tpu.memref_squeeze %dma_wait3A_83 : memref<1x1x40x128xi32, #tpu.memory_space<hbm>> -> memref<40x128xi32, #tpu.memory_space<hbm>>
      tpu.wait_dma2 semaphore(%run_scoped3A_70 : memref<!tpu.dma_semaphore, #tpu.memory_space<semaphore_mem>>) src(%dma_wait3A_84 : memref<40x128xi32, #tpu.memory_space<hbm>>) dst(%arg6 : memref<40x128xi32, #tpu.memory_space<vmem>>)
      tpu.yield
    }) : () -> ()
    %run_scoped3A_56 = arith.constant 2 : i32
    "tpu.region"() ({
      %run_scoped3A_70 = tpu.sem_alloc : memref<!tpu.dma_semaphore, #tpu.memory_space<semaphore_mem>>
      %dma_start3A = arith.constant 0 : i32
      %dma_start3A_71 = arith.constant 0 : i32
      %dma_start3A_72 = tpu.memref_slice %arg4[%run_scoped3A_56, %add3A, %dma_start3A, %dma_start3A_71] : memref<3x32x40x128xi32, #tpu.memory_space<hbm>> -> memref<1x1x40x128xi32, #tpu.memory_space<hbm>>
      %dma_start3A_73 = tpu.memref_squeeze %dma_start3A_72 : memref<1x1x40x128xi32, #tpu.memory_space<hbm>> -> memref<40x128xi32, #tpu.memory_space<hbm>>
      %dma_start3A_74 = arith.constant 0 : i32
      %dma_start3A_75 = arith.constant 0 : i32
      %dma_start3A_76 = tpu.memref_slice %arg4[%run_scoped3A_56, %add3A, %dma_start3A_74, %dma_start3A_75] : memref<3x32x40x128xi32, #tpu.memory_space<hbm>> -> memref<1x1x40x128xi32, #tpu.memory_space<hbm>>
      %dma_start3A_77 = tpu.memref_squeeze %dma_start3A_76 : memref<1x1x40x128xi32, #tpu.memory_space<hbm>> -> memref<40x128xi32, #tpu.memory_space<hbm>>
      tpu.enqueue_dma source(%dma_start3A_77 : memref<40x128xi32, #tpu.memory_space<hbm>>) target(%arg7 : memref<40x128xi32, #tpu.memory_space<vmem>>) target_semaphore(%run_scoped3A_70 : memref<!tpu.dma_semaphore, #tpu.memory_space<semaphore_mem>>)
      %dma_wait3A = arith.constant 0 : i32
      %dma_wait3A_78 = arith.constant 0 : i32
      %dma_wait3A_79 = tpu.memref_slice %arg4[%run_scoped3A_56, %add3A, %dma_wait3A, %dma_wait3A_78] : memref<3x32x40x128xi32, #tpu.memory_space<hbm>> -> memref<1x1x40x128xi32, #tpu.memory_space<hbm>>
      %dma_wait3A_80 = tpu.memref_squeeze %dma_wait3A_79 : memref<1x1x40x128xi32, #tpu.memory_space<hbm>> -> memref<40x128xi32, #tpu.memory_space<hbm>>
      %dma_wait3A_81 = arith.constant 0 : i32
      %dma_wait3A_82 = arith.constant 0 : i32
      %dma_wait3A_83 = tpu.memref_slice %arg4[%run_scoped3A_56, %add3A, %dma_wait3A_81, %dma_wait3A_82] : memref<3x32x40x128xi32, #tpu.memory_space<hbm>> -> memref<1x1x40x128xi32, #tpu.memory_space<hbm>>
      %dma_wait3A_84 = tpu.memref_squeeze %dma_wait3A_83 : memref<1x1x40x128xi32, #tpu.memory_space<hbm>> -> memref<40x128xi32, #tpu.memory_space<hbm>>
      tpu.wait_dma2 semaphore(%run_scoped3A_70 : memref<!tpu.dma_semaphore, #tpu.memory_space<semaphore_mem>>) src(%dma_wait3A_84 : memref<40x128xi32, #tpu.memory_space<hbm>>) dst(%arg7 : memref<40x128xi32, #tpu.memory_space<vmem>>)
      tpu.yield
    }) : () -> ()
    %scan3A_57 = arith.constant 0 : i32
    %scan3A_58 = arith.constant 0 : i32
    %scan3A_59 = arith.constant 40 : i32
    %scan3A_60 = arith.addi %scan3A_58, %scan3A_59 : i32
    %scan3A_61 = arith.constant 1 : i32
    scf.for %scan3A_70 = %scan3A_58 to %scan3A_60 step %scan3A_61  : i32 {
      %dma_start3A = arith.constant 0 : i32
      %dma_start3A_71 = tpu.memref_slice %arg6[%scan3A_70, %dma_start3A] : memref<40x128xi32, #tpu.memory_space<vmem>> -> memref<1x128xi32, #tpu.memory_space<vmem>>
      %dma_start3A_72 = tpu.memref_squeeze %dma_start3A_71 : memref<1x128xi32, #tpu.memory_space<vmem>> -> memref<128xi32, #tpu.memory_space<vmem>>
      %dma_start3A_73 = arith.constant 0 : i32
      %dma_start3A_74 = arith.constant 0 : i32
      %dma_start3A_75 = tpu.memref_slice %arg2[%dma_start3A_73, %dma_start3A_74] : memref<30720x128xf32, #tpu.memory_space<hbm>> -> memref<30720x128xf32, #tpu.memory_space<hbm>>
      tpu.enqueue_indirect_dma source(%dma_start3A_75 : memref<30720x128xf32, #tpu.memory_space<hbm>>) target(%arg8 : memref<128x128xf32, #tpu.memory_space<vmem>>) offsets(%dma_start3A_72 : memref<128xi32, #tpu.memory_space<vmem>>) semaphore(%arg12 : memref<!tpu.dma_semaphore, #tpu.memory_space<semaphore_mem>>)
      %dma_wait3A = arith.constant 0 : i32
      %dma_wait3A_76 = tpu.memref_slice %arg6[%scan3A_70, %dma_wait3A] : memref<40x128xi32, #tpu.memory_space<vmem>> -> memref<1x128xi32, #tpu.memory_space<vmem>>
      %dma_wait3A_77 = tpu.memref_squeeze %dma_wait3A_76 : memref<1x128xi32, #tpu.memory_space<vmem>> -> memref<128xi32, #tpu.memory_space<vmem>>
      %dma_wait3A_78 = arith.constant 0 : i32
      %dma_wait3A_79 = arith.constant 0 : i32
      %dma_wait3A_80 = tpu.memref_slice %arg2[%dma_wait3A_78, %dma_wait3A_79] : memref<30720x128xf32, #tpu.memory_space<hbm>> -> memref<30720x128xf32, #tpu.memory_space<hbm>>
      tpu.wait_indirect_dma semaphore(%arg12 : memref<!tpu.dma_semaphore, #tpu.memory_space<semaphore_mem>>) src(%dma_wait3A_80 : memref<30720x128xf32, #tpu.memory_space<hbm>>) dst(%arg8 : memref<128x128xf32, #tpu.memory_space<vmem>>)
      "tpu.region"() ({
        %run_scoped3A_81 = tpu.sem_alloc : memref<!tpu.dma_semaphore, #tpu.memory_space<semaphore_mem>>
        %dma_start3A_82 = arith.constant 0 : i32
        %dma_start3A_83 = tpu.memref_slice %arg7[%scan3A_70, %dma_start3A_82] : memref<40x128xi32, #tpu.memory_space<vmem>> -> memref<1x128xi32, #tpu.memory_space<vmem>>
        %dma_start3A_84 = tpu.memref_squeeze %dma_start3A_83 : memref<1x128xi32, #tpu.memory_space<vmem>> -> memref<128xi32, #tpu.memory_space<vmem>>
        %dma_start3A_85 = arith.constant 0 : i32
        %dma_start3A_86 = arith.constant 0 : i32
        %dma_start3A_87 = tpu.memref_slice %arg11[%dma_start3A_85, %dma_start3A_86] : memref<10240x128xf32, #tpu.memory_space<vmem_shared>> -> memref<10240x128xf32, #tpu.memory_space<vmem_shared>>
        tpu.enqueue_indirect_dma source(%arg8 : memref<128x128xf32, #tpu.memory_space<vmem>>) target(%dma_start3A_87 : memref<10240x128xf32, #tpu.memory_space<vmem_shared>>) offsets(%dma_start3A_84 : memref<128xi32, #tpu.memory_space<vmem>>) semaphore(%run_scoped3A_81 : memref<!tpu.dma_semaphore, #tpu.memory_space<semaphore_mem>>) {add = true}
        %dma_wait3A_88 = arith.constant 0 : i32
        %dma_wait3A_89 = tpu.memref_slice %arg7[%scan3A_70, %dma_wait3A_88] : memref<40x128xi32, #tpu.memory_space<vmem>> -> memref<1x128xi32, #tpu.memory_space<vmem>>
        %dma_wait3A_90 = tpu.memref_squeeze %dma_wait3A_89 : memref<1x128xi32, #tpu.memory_space<vmem>> -> memref<128xi32, #tpu.memory_space<vmem>>
        %dma_wait3A_91 = arith.constant 0 : i32
        %dma_wait3A_92 = arith.constant 0 : i32
        %dma_wait3A_93 = tpu.memref_slice %arg11[%dma_wait3A_91, %dma_wait3A_92] : memref<10240x128xf32, #tpu.memory_space<vmem_shared>> -> memref<10240x128xf32, #tpu.memory_space<vmem_shared>>
        tpu.wait_indirect_dma semaphore(%run_scoped3A_81 : memref<!tpu.dma_semaphore, #tpu.memory_space<semaphore_mem>>) src(%arg8 : memref<128x128xf32, #tpu.memory_space<vmem>>) dst(%dma_wait3A_93 : memref<10240x128xf32, #tpu.memory_space<vmem_shared>>)
        tpu.yield
      }) : () -> ()
    }
    %scan3A_62 = arith.constant 40 : i32
    %barrier3A_63 = arith.constant 0 : index
    tpu.barrier barrier_id(%barrier3A_63)
    %scan3A_64 = arith.constant 0 : i32
    %scan3A_65 = arith.constant 0 : i32
    %scan3A_66 = arith.constant 10 : i32
    %scan3A_67 = arith.addi %scan3A_65, %scan3A_66 : i32
    %scan3A_68 = arith.constant 1 : i32
    scf.for %scan3A_70 = %scan3A_65 to %scan3A_67 step %scan3A_68  : i32 {
      %mul3A_71 = arith.constant 640 : i32
      %mul3A_72 = arith.muli %arg1, %mul3A_71 : i32
      %mul3A_73 = arith.constant 64 : i32
      %mul3A_74 = arith.muli %scan3A_70, %mul3A_73 : i32
      %add3A_75 = arith.addi %mul3A_72, %mul3A_74 : i32
      "tpu.region"() ({
        %run_scoped3A_82 = tpu.sem_alloc : memref<!tpu.dma_semaphore, #tpu.memory_space<semaphore_mem>>
        %dma_start3A = arith.constant 0 : i32
        %dma_start3A_83 = tpu.memref_slice %arg11[%add3A_75, %dma_start3A] : memref<10240x128xf32, #tpu.memory_space<vmem_shared>> -> memref<64x128xf32, #tpu.memory_space<vmem_shared>>
        %dma_start3A_84 = arith.constant 0 : i32
        %dma_start3A_85 = tpu.memref_slice %arg11[%add3A_75, %dma_start3A_84] : memref<10240x128xf32, #tpu.memory_space<vmem_shared>> -> memref<64x128xf32, #tpu.memory_space<vmem_shared>>
        tpu.enqueue_dma source(%dma_start3A_85 : memref<64x128xf32, #tpu.memory_space<vmem_shared>>) target(%arg10 : memref<64x128xf32, #tpu.memory_space<vmem>>) target_semaphore(%run_scoped3A_82 : memref<!tpu.dma_semaphore, #tpu.memory_space<semaphore_mem>>)
        %dma_wait3A = arith.constant 0 : i32
        %dma_wait3A_86 = tpu.memref_slice %arg11[%add3A_75, %dma_wait3A] : memref<10240x128xf32, #tpu.memory_space<vmem_shared>> -> memref<64x128xf32, #tpu.memory_space<vmem_shared>>
        %dma_wait3A_87 = arith.constant 0 : i32
        %dma_wait3A_88 = tpu.memref_slice %arg11[%add3A_75, %dma_wait3A_87] : memref<10240x128xf32, #tpu.memory_space<vmem_shared>> -> memref<64x128xf32, #tpu.memory_space<vmem_shared>>
        tpu.wait_dma2 semaphore(%run_scoped3A_82 : memref<!tpu.dma_semaphore, #tpu.memory_space<semaphore_mem>>) src(%dma_wait3A_88 : memref<64x128xf32, #tpu.memory_space<vmem_shared>>) dst(%arg10 : memref<64x128xf32, #tpu.memory_space<vmem>>)
        tpu.yield
      }) : () -> ()
      %mul3A_76 = arith.constant 640 : i32
      %mul3A_77 = arith.muli %arg1, %mul3A_76 : i32
      %mul3A_78 = arith.constant 64 : i32
      %mul3A_79 = arith.muli %scan3A_70, %mul3A_78 : i32
      %add3A_80 = arith.addi %mul3A_77, %mul3A_79 : i32
      %run_scoped3A_81 = arith.constant 2 : i32
      "tpu.region"() ({
        %run_scoped3A_82 = tpu.sem_alloc : memref<!tpu.dma_semaphore, #tpu.memory_space<semaphore_mem>>
        %dma_start3A = arith.constant 0 : i32
        %dma_start3A_83 = tpu.memref_slice %arg5[%run_scoped3A_81, %arg0, %add3A_80, %dma_start3A] : memref<3x2x10240x128xf32, #tpu.memory_space<hbm>> -> memref<1x1x64x128xf32, #tpu.memory_space<hbm>>
        %dma_start3A_84 = tpu.memref_squeeze %dma_start3A_83 : memref<1x1x64x128xf32, #tpu.memory_space<hbm>> -> memref<64x128xf32, #tpu.memory_space<hbm>>
        %dma_start3A_85 = arith.constant 0 : i32
        %dma_start3A_86 = tpu.memref_slice %arg5[%run_scoped3A_81, %arg0, %add3A_80, %dma_start3A_85] : memref<3x2x10240x128xf32, #tpu.memory_space<hbm>> -> memref<1x1x64x128xf32, #tpu.memory_space<hbm>>
        %dma_start3A_87 = tpu.memref_squeeze %dma_start3A_86 : memref<1x1x64x128xf32, #tpu.memory_space<hbm>> -> memref<64x128xf32, #tpu.memory_space<hbm>>
        tpu.enqueue_dma source(%arg10 : memref<64x128xf32, #tpu.memory_space<vmem>>) target(%dma_start3A_87 : memref<64x128xf32, #tpu.memory_space<hbm>>) target_semaphore(%run_scoped3A_82 : memref<!tpu.dma_semaphore, #tpu.memory_space<semaphore_mem>>)
        %dma_wait3A = arith.constant 0 : i32
        %dma_wait3A_88 = tpu.memref_slice %arg5[%run_scoped3A_81, %arg0, %add3A_80, %dma_wait3A] : memref<3x2x10240x128xf32, #tpu.memory_space<hbm>> -> memref<1x1x64x128xf32, #tpu.memory_space<hbm>>
        %dma_wait3A_89 = tpu.memref_squeeze %dma_wait3A_88 : memref<1x1x64x128xf32, #tpu.memory_space<hbm>> -> memref<64x128xf32, #tpu.memory_space<hbm>>
        %dma_wait3A_90 = arith.constant 0 : i32
        %dma_wait3A_91 = tpu.memref_slice %arg5[%run_scoped3A_81, %arg0, %add3A_80, %dma_wait3A_90] : memref<3x2x10240x128xf32, #tpu.memory_space<hbm>> -> memref<1x1x64x128xf32, #tpu.memory_space<hbm>>
        %dma_wait3A_92 = tpu.memref_squeeze %dma_wait3A_91 : memref<1x1x64x128xf32, #tpu.memory_space<hbm>> -> memref<64x128xf32, #tpu.memory_space<hbm>>
        tpu.wait_dma2 semaphore(%run_scoped3A_82 : memref<!tpu.dma_semaphore, #tpu.memory_space<semaphore_mem>>) src(%arg10 : memref<64x128xf32, #tpu.memory_space<vmem>>) dst(%dma_wait3A_92 : memref<64x128xf32, #tpu.memory_space<hbm>>)
        tpu.yield
      }) : () -> ()
    }
    %scan3A_69 = arith.constant 10 : i32
    return
  }
}

#map = affine_map<(d0, d1) -> (0, 0, 0, 0)>
#map1 = affine_map<(d0, d1) -> (0, 0)>
module attributes {stable_mosaic.version = 14 : i64} {
  func.func @_hist(%arg0: i32, %arg1: i32, %arg2: memref<6x16x80x128xi32, #tpu.memory_space<hbm>>, %arg3: memref<6x10240xf32, #tpu.memory_space<hbm>>, %arg4: memref<80x128xi32, #tpu.memory_space<vmem>>, %arg5: memref<128xf32, #tpu.memory_space<vmem>>, %arg6: memref<640xf32, #tpu.memory_space<vmem>>, %arg7: memref<30720xf32, #tpu.memory_space<vmem_shared>>) attributes {dimension_semantics = [#tpu.dimension_semantics<core_parallel>, #tpu.dimension_semantics<subcore_parallel>], iteration_bounds = array<i64: 2, 16>, scalar_prefetch = 0 : i64, scratch_operands = 4 : i64, tpu.core_type = #tpu.core_type<sc_vector_subcore>, window_params = [{transform_indices = #map}, {transform_indices = #map1}]} {
    %broadcast_in_dim3A = arith.constant 1.000000e+00 : f32
    %broadcast_in_dim3A_0 = vector.broadcast %broadcast_in_dim3A : f32 to vector<16xf32>
    %swap3A = arith.constant 0 : index
    %swap3A_1 = tpu.vector_load %arg5[%swap3A] {strides = array<i32>} : memref<128xf32, #tpu.memory_space<vmem>>, vector<16xf32>,
    %swap3A_2 = vector.shape_cast %swap3A_1 : vector<16xf32> to vector<16xf32>
    %swap3A_3 = vector.shape_cast %broadcast_in_dim3A_0 : vector<16xf32> to vector<16xf32>
    tpu.vector_store %arg5[%swap3A], %swap3A_3 {strides = array<i32>} : memref<128xf32, #tpu.memory_space<vmem>>, vector<16xf32>,
    %broadcast_in_dim3A_4 = arith.constant 1.000000e+00 : f32
    %broadcast_in_dim3A_5 = vector.broadcast %broadcast_in_dim3A_4 : f32 to vector<16xf32>
    %swap3A_6 = arith.constant 16 : index
    %swap3A_7 = tpu.vector_load %arg5[%swap3A_6] {strides = array<i32>} : memref<128xf32, #tpu.memory_space<vmem>>, vector<16xf32>,
    %swap3A_8 = vector.shape_cast %swap3A_7 : vector<16xf32> to vector<16xf32>
    %swap3A_9 = vector.shape_cast %broadcast_in_dim3A_5 : vector<16xf32> to vector<16xf32>
    tpu.vector_store %arg5[%swap3A_6], %swap3A_9 {strides = array<i32>} : memref<128xf32, #tpu.memory_space<vmem>>, vector<16xf32>,
    %broadcast_in_dim3A_10 = arith.constant 1.000000e+00 : f32
    %broadcast_in_dim3A_11 = vector.broadcast %broadcast_in_dim3A_10 : f32 to vector<16xf32>
    %swap3A_12 = arith.constant 32 : index
    %swap3A_13 = tpu.vector_load %arg5[%swap3A_12] {strides = array<i32>} : memref<128xf32, #tpu.memory_space<vmem>>, vector<16xf32>,
    %swap3A_14 = vector.shape_cast %swap3A_13 : vector<16xf32> to vector<16xf32>
    %swap3A_15 = vector.shape_cast %broadcast_in_dim3A_11 : vector<16xf32> to vector<16xf32>
    tpu.vector_store %arg5[%swap3A_12], %swap3A_15 {strides = array<i32>} : memref<128xf32, #tpu.memory_space<vmem>>, vector<16xf32>,
    %broadcast_in_dim3A_16 = arith.constant 1.000000e+00 : f32
    %broadcast_in_dim3A_17 = vector.broadcast %broadcast_in_dim3A_16 : f32 to vector<16xf32>
    %swap3A_18 = arith.constant 48 : index
    %swap3A_19 = tpu.vector_load %arg5[%swap3A_18] {strides = array<i32>} : memref<128xf32, #tpu.memory_space<vmem>>, vector<16xf32>,
    %swap3A_20 = vector.shape_cast %swap3A_19 : vector<16xf32> to vector<16xf32>
    %swap3A_21 = vector.shape_cast %broadcast_in_dim3A_17 : vector<16xf32> to vector<16xf32>
    tpu.vector_store %arg5[%swap3A_18], %swap3A_21 {strides = array<i32>} : memref<128xf32, #tpu.memory_space<vmem>>, vector<16xf32>,
    %broadcast_in_dim3A_22 = arith.constant 1.000000e+00 : f32
    %broadcast_in_dim3A_23 = vector.broadcast %broadcast_in_dim3A_22 : f32 to vector<16xf32>
    %swap3A_24 = arith.constant 64 : index
    %swap3A_25 = tpu.vector_load %arg5[%swap3A_24] {strides = array<i32>} : memref<128xf32, #tpu.memory_space<vmem>>, vector<16xf32>,
    %swap3A_26 = vector.shape_cast %swap3A_25 : vector<16xf32> to vector<16xf32>
    %swap3A_27 = vector.shape_cast %broadcast_in_dim3A_23 : vector<16xf32> to vector<16xf32>
    tpu.vector_store %arg5[%swap3A_24], %swap3A_27 {strides = array<i32>} : memref<128xf32, #tpu.memory_space<vmem>>, vector<16xf32>,
    %broadcast_in_dim3A_28 = arith.constant 1.000000e+00 : f32
    %broadcast_in_dim3A_29 = vector.broadcast %broadcast_in_dim3A_28 : f32 to vector<16xf32>
    %swap3A_30 = arith.constant 80 : index
    %swap3A_31 = tpu.vector_load %arg5[%swap3A_30] {strides = array<i32>} : memref<128xf32, #tpu.memory_space<vmem>>, vector<16xf32>,
    %swap3A_32 = vector.shape_cast %swap3A_31 : vector<16xf32> to vector<16xf32>
    %swap3A_33 = vector.shape_cast %broadcast_in_dim3A_29 : vector<16xf32> to vector<16xf32>
    tpu.vector_store %arg5[%swap3A_30], %swap3A_33 {strides = array<i32>} : memref<128xf32, #tpu.memory_space<vmem>>, vector<16xf32>,
    %broadcast_in_dim3A_34 = arith.constant 1.000000e+00 : f32
    %broadcast_in_dim3A_35 = vector.broadcast %broadcast_in_dim3A_34 : f32 to vector<16xf32>
    %swap3A_36 = arith.constant 96 : index
    %swap3A_37 = tpu.vector_load %arg5[%swap3A_36] {strides = array<i32>} : memref<128xf32, #tpu.memory_space<vmem>>, vector<16xf32>,
    %swap3A_38 = vector.shape_cast %swap3A_37 : vector<16xf32> to vector<16xf32>
    %swap3A_39 = vector.shape_cast %broadcast_in_dim3A_35 : vector<16xf32> to vector<16xf32>
    tpu.vector_store %arg5[%swap3A_36], %swap3A_39 {strides = array<i32>} : memref<128xf32, #tpu.memory_space<vmem>>, vector<16xf32>,
    %broadcast_in_dim3A_40 = arith.constant 1.000000e+00 : f32
    %broadcast_in_dim3A_41 = vector.broadcast %broadcast_in_dim3A_40 : f32 to vector<16xf32>
    %swap3A_42 = arith.constant 112 : index
    %swap3A_43 = tpu.vector_load %arg5[%swap3A_42] {strides = array<i32>} : memref<128xf32, #tpu.memory_space<vmem>>, vector<16xf32>,
    %swap3A_44 = vector.shape_cast %swap3A_43 : vector<16xf32> to vector<16xf32>
    %swap3A_45 = vector.shape_cast %broadcast_in_dim3A_41 : vector<16xf32> to vector<16xf32>
    tpu.vector_store %arg5[%swap3A_42], %swap3A_45 {strides = array<i32>} : memref<128xf32, #tpu.memory_space<vmem>>, vector<16xf32>,
    %broadcast_in_dim3A_46 = arith.constant 0.000000e+00 : f32
    %broadcast_in_dim3A_47 = vector.broadcast %broadcast_in_dim3A_46 : f32 to vector<16xf32>
    %swap3A_48 = arith.constant 0 : index
    %swap3A_49 = tpu.vector_load %arg6[%swap3A_48] {strides = array<i32>} : memref<640xf32, #tpu.memory_space<vmem>>, vector<16xf32>,
    %swap3A_50 = vector.shape_cast %swap3A_49 : vector<16xf32> to vector<16xf32>
    %swap3A_51 = vector.shape_cast %broadcast_in_dim3A_47 : vector<16xf32> to vector<16xf32>
    tpu.vector_store %arg6[%swap3A_48], %swap3A_51 {strides = array<i32>} : memref<640xf32, #tpu.memory_space<vmem>>, vector<16xf32>,
    %broadcast_in_dim3A_52 = arith.constant 0.000000e+00 : f32
    %broadcast_in_dim3A_53 = vector.broadcast %broadcast_in_dim3A_52 : f32 to vector<16xf32>
    %swap3A_54 = arith.constant 16 : index
    %swap3A_55 = tpu.vector_load %arg6[%swap3A_54] {strides = array<i32>} : memref<640xf32, #tpu.memory_space<vmem>>, vector<16xf32>,
    %swap3A_56 = vector.shape_cast %swap3A_55 : vector<16xf32> to vector<16xf32>
    %swap3A_57 = vector.shape_cast %broadcast_in_dim3A_53 : vector<16xf32> to vector<16xf32>
    tpu.vector_store %arg6[%swap3A_54], %swap3A_57 {strides = array<i32>} : memref<640xf32, #tpu.memory_space<vmem>>, vector<16xf32>,
    %broadcast_in_dim3A_58 = arith.constant 0.000000e+00 : f32
    %broadcast_in_dim3A_59 = vector.broadcast %broadcast_in_dim3A_58 : f32 to vector<16xf32>
    %swap3A_60 = arith.constant 32 : index
    %swap3A_61 = tpu.vector_load %arg6[%swap3A_60] {strides = array<i32>} : memref<640xf32, #tpu.memory_space<vmem>>, vector<16xf32>,
    %swap3A_62 = vector.shape_cast %swap3A_61 : vector<16xf32> to vector<16xf32>
    %swap3A_63 = vector.shape_cast %broadcast_in_dim3A_59 : vector<16xf32> to vector<16xf32>
    tpu.vector_store %arg6[%swap3A_60], %swap3A_63 {strides = array<i32>} : memref<640xf32, #tpu.memory_space<vmem>>, vector<16xf32>,
    %broadcast_in_dim3A_64 = arith.constant 0.000000e+00 : f32
    %broadcast_in_dim3A_65 = vector.broadcast %broadcast_in_dim3A_64 : f32 to vector<16xf32>
    %swap3A_66 = arith.constant 48 : index
    %swap3A_67 = tpu.vector_load %arg6[%swap3A_66] {strides = array<i32>} : memref<640xf32, #tpu.memory_space<vmem>>, vector<16xf32>,
    %swap3A_68 = vector.shape_cast %swap3A_67 : vector<16xf32> to vector<16xf32>
    %swap3A_69 = vector.shape_cast %broadcast_in_dim3A_65 : vector<16xf32> to vector<16xf32>
    tpu.vector_store %arg6[%swap3A_66], %swap3A_69 {strides = array<i32>} : memref<640xf32, #tpu.memory_space<vmem>>, vector<16xf32>,
    %broadcast_in_dim3A_70 = arith.constant 0.000000e+00 : f32
    %broadcast_in_dim3A_71 = vector.broadcast %broadcast_in_dim3A_70 : f32 to vector<16xf32>
    %swap3A_72 = arith.constant 64 : index
    %swap3A_73 = tpu.vector_load %arg6[%swap3A_72] {strides = array<i32>} : memref<640xf32, #tpu.memory_space<vmem>>, vector<16xf32>,
    %swap3A_74 = vector.shape_cast %swap3A_73 : vector<16xf32> to vector<16xf32>
    %swap3A_75 = vector.shape_cast %broadcast_in_dim3A_71 : vector<16xf32> to vector<16xf32>
    tpu.vector_store %arg6[%swap3A_72], %swap3A_75 {strides = array<i32>} : memref<640xf32, #tpu.memory_space<vmem>>, vector<16xf32>,
    %broadcast_in_dim3A_76 = arith.constant 0.000000e+00 : f32
    %broadcast_in_dim3A_77 = vector.broadcast %broadcast_in_dim3A_76 : f32 to vector<16xf32>
    %swap3A_78 = arith.constant 80 : index
    %swap3A_79 = tpu.vector_load %arg6[%swap3A_78] {strides = array<i32>} : memref<640xf32, #tpu.memory_space<vmem>>, vector<16xf32>,
    %swap3A_80 = vector.shape_cast %swap3A_79 : vector<16xf32> to vector<16xf32>
    %swap3A_81 = vector.shape_cast %broadcast_in_dim3A_77 : vector<16xf32> to vector<16xf32>
    tpu.vector_store %arg6[%swap3A_78], %swap3A_81 {strides = array<i32>} : memref<640xf32, #tpu.memory_space<vmem>>, vector<16xf32>,
    %broadcast_in_dim3A_82 = arith.constant 0.000000e+00 : f32
    %broadcast_in_dim3A_83 = vector.broadcast %broadcast_in_dim3A_82 : f32 to vector<16xf32>
    %swap3A_84 = arith.constant 96 : index
    %swap3A_85 = tpu.vector_load %arg6[%swap3A_84] {strides = array<i32>} : memref<640xf32, #tpu.memory_space<vmem>>, vector<16xf32>,
    %swap3A_86 = vector.shape_cast %swap3A_85 : vector<16xf32> to vector<16xf32>
    %swap3A_87 = vector.shape_cast %broadcast_in_dim3A_83 : vector<16xf32> to vector<16xf32>
    tpu.vector_store %arg6[%swap3A_84], %swap3A_87 {strides = array<i32>} : memref<640xf32, #tpu.memory_space<vmem>>, vector<16xf32>,
    %broadcast_in_dim3A_88 = arith.constant 0.000000e+00 : f32
    %broadcast_in_dim3A_89 = vector.broadcast %broadcast_in_dim3A_88 : f32 to vector<16xf32>
    %swap3A_90 = arith.constant 112 : index
    %swap3A_91 = tpu.vector_load %arg6[%swap3A_90] {strides = array<i32>} : memref<640xf32, #tpu.memory_space<vmem>>, vector<16xf32>,
    %swap3A_92 = vector.shape_cast %swap3A_91 : vector<16xf32> to vector<16xf32>
    %swap3A_93 = vector.shape_cast %broadcast_in_dim3A_89 : vector<16xf32> to vector<16xf32>
    tpu.vector_store %arg6[%swap3A_90], %swap3A_93 {strides = array<i32>} : memref<640xf32, #tpu.memory_space<vmem>>, vector<16xf32>,
    %broadcast_in_dim3A_94 = arith.constant 0.000000e+00 : f32
    %broadcast_in_dim3A_95 = vector.broadcast %broadcast_in_dim3A_94 : f32 to vector<16xf32>
    %swap3A_96 = arith.constant 128 : index
    %swap3A_97 = tpu.vector_load %arg6[%swap3A_96] {strides = array<i32>} : memref<640xf32, #tpu.memory_space<vmem>>, vector<16xf32>,
    %swap3A_98 = vector.shape_cast %swap3A_97 : vector<16xf32> to vector<16xf32>
    %swap3A_99 = vector.shape_cast %broadcast_in_dim3A_95 : vector<16xf32> to vector<16xf32>
    tpu.vector_store %arg6[%swap3A_96], %swap3A_99 {strides = array<i32>} : memref<640xf32, #tpu.memory_space<vmem>>, vector<16xf32>,
    %broadcast_in_dim3A_100 = arith.constant 0.000000e+00 : f32
    %broadcast_in_dim3A_101 = vector.broadcast %broadcast_in_dim3A_100 : f32 to vector<16xf32>
    %swap3A_102 = arith.constant 144 : index
    %swap3A_103 = tpu.vector_load %arg6[%swap3A_102] {strides = array<i32>} : memref<640xf32, #tpu.memory_space<vmem>>, vector<16xf32>,
    %swap3A_104 = vector.shape_cast %swap3A_103 : vector<16xf32> to vector<16xf32>
    %swap3A_105 = vector.shape_cast %broadcast_in_dim3A_101 : vector<16xf32> to vector<16xf32>
    tpu.vector_store %arg6[%swap3A_102], %swap3A_105 {strides = array<i32>} : memref<640xf32, #tpu.memory_space<vmem>>, vector<16xf32>,
    %broadcast_in_dim3A_106 = arith.constant 0.000000e+00 : f32
    %broadcast_in_dim3A_107 = vector.broadcast %broadcast_in_dim3A_106 : f32 to vector<16xf32>
    %swap3A_108 = arith.constant 160 : index
    %swap3A_109 = tpu.vector_load %arg6[%swap3A_108] {strides = array<i32>} : memref<640xf32, #tpu.memory_space<vmem>>, vector<16xf32>,
    %swap3A_110 = vector.shape_cast %swap3A_109 : vector<16xf32> to vector<16xf32>
    %swap3A_111 = vector.shape_cast %broadcast_in_dim3A_107 : vector<16xf32> to vector<16xf32>
    tpu.vector_store %arg6[%swap3A_108], %swap3A_111 {strides = array<i32>} : memref<640xf32, #tpu.memory_space<vmem>>, vector<16xf32>,
    %broadcast_in_dim3A_112 = arith.constant 0.000000e+00 : f32
    %broadcast_in_dim3A_113 = vector.broadcast %broadcast_in_dim3A_112 : f32 to vector<16xf32>
    %swap3A_114 = arith.constant 176 : index
    %swap3A_115 = tpu.vector_load %arg6[%swap3A_114] {strides = array<i32>} : memref<640xf32, #tpu.memory_space<vmem>>, vector<16xf32>,
    %swap3A_116 = vector.shape_cast %swap3A_115 : vector<16xf32> to vector<16xf32>
    %swap3A_117 = vector.shape_cast %broadcast_in_dim3A_113 : vector<16xf32> to vector<16xf32>
    tpu.vector_store %arg6[%swap3A_114], %swap3A_117 {strides = array<i32>} : memref<640xf32, #tpu.memory_space<vmem>>, vector<16xf32>,
    %broadcast_in_dim3A_118 = arith.constant 0.000000e+00 : f32
    %broadcast_in_dim3A_119 = vector.broadcast %broadcast_in_dim3A_118 : f32 to vector<16xf32>
    %swap3A_120 = arith.constant 192 : index
    %swap3A_121 = tpu.vector_load %arg6[%swap3A_120] {strides = array<i32>} : memref<640xf32, #tpu.memory_space<vmem>>, vector<16xf32>,
    %swap3A_122 = vector.shape_cast %swap3A_121 : vector<16xf32> to vector<16xf32>
    %swap3A_123 = vector.shape_cast %broadcast_in_dim3A_119 : vector<16xf32> to vector<16xf32>
    tpu.vector_store %arg6[%swap3A_120], %swap3A_123 {strides = array<i32>} : memref<640xf32, #tpu.memory_space<vmem>>, vector<16xf32>,
    %broadcast_in_dim3A_124 = arith.constant 0.000000e+00 : f32
    %broadcast_in_dim3A_125 = vector.broadcast %broadcast_in_dim3A_124 : f32 to vector<16xf32>
    %swap3A_126 = arith.constant 208 : index
    %swap3A_127 = tpu.vector_load %arg6[%swap3A_126] {strides = array<i32>} : memref<640xf32, #tpu.memory_space<vmem>>, vector<16xf32>,
    %swap3A_128 = vector.shape_cast %swap3A_127 : vector<16xf32> to vector<16xf32>
    %swap3A_129 = vector.shape_cast %broadcast_in_dim3A_125 : vector<16xf32> to vector<16xf32>
    tpu.vector_store %arg6[%swap3A_126], %swap3A_129 {strides = array<i32>} : memref<640xf32, #tpu.memory_space<vmem>>, vector<16xf32>,
    %broadcast_in_dim3A_130 = arith.constant 0.000000e+00 : f32
    %broadcast_in_dim3A_131 = vector.broadcast %broadcast_in_dim3A_130 : f32 to vector<16xf32>
    %swap3A_132 = arith.constant 224 : index
    %swap3A_133 = tpu.vector_load %arg6[%swap3A_132] {strides = array<i32>} : memref<640xf32, #tpu.memory_space<vmem>>, vector<16xf32>,
    %swap3A_134 = vector.shape_cast %swap3A_133 : vector<16xf32> to vector<16xf32>
    %swap3A_135 = vector.shape_cast %broadcast_in_dim3A_131 : vector<16xf32> to vector<16xf32>
    tpu.vector_store %arg6[%swap3A_132], %swap3A_135 {strides = array<i32>} : memref<640xf32, #tpu.memory_space<vmem>>, vector<16xf32>,
    %broadcast_in_dim3A_136 = arith.constant 0.000000e+00 : f32
    %broadcast_in_dim3A_137 = vector.broadcast %broadcast_in_dim3A_136 : f32 to vector<16xf32>
    %swap3A_138 = arith.constant 240 : index
    %swap3A_139 = tpu.vector_load %arg6[%swap3A_138] {strides = array<i32>} : memref<640xf32, #tpu.memory_space<vmem>>, vector<16xf32>,
    %swap3A_140 = vector.shape_cast %swap3A_139 : vector<16xf32> to vector<16xf32>
    %swap3A_141 = vector.shape_cast %broadcast_in_dim3A_137 : vector<16xf32> to vector<16xf32>
    tpu.vector_store %arg6[%swap3A_138], %swap3A_141 {strides = array<i32>} : memref<640xf32, #tpu.memory_space<vmem>>, vector<16xf32>,
    %broadcast_in_dim3A_142 = arith.constant 0.000000e+00 : f32
    %broadcast_in_dim3A_143 = vector.broadcast %broadcast_in_dim3A_142 : f32 to vector<16xf32>
    %swap3A_144 = arith.constant 256 : index
    %swap3A_145 = tpu.vector_load %arg6[%swap3A_144] {strides = array<i32>} : memref<640xf32, #tpu.memory_space<vmem>>, vector<16xf32>,
    %swap3A_146 = vector.shape_cast %swap3A_145 : vector<16xf32> to vector<16xf32>
    %swap3A_147 = vector.shape_cast %broadcast_in_dim3A_143 : vector<16xf32> to vector<16xf32>
    tpu.vector_store %arg6[%swap3A_144], %swap3A_147 {strides = array<i32>} : memref<640xf32, #tpu.memory_space<vmem>>, vector<16xf32>,
    %broadcast_in_dim3A_148 = arith.constant 0.000000e+00 : f32
    %broadcast_in_dim3A_149 = vector.broadcast %broadcast_in_dim3A_148 : f32 to vector<16xf32>
    %swap3A_150 = arith.constant 272 : index
    %swap3A_151 = tpu.vector_load %arg6[%swap3A_150] {strides = array<i32>} : memref<640xf32, #tpu.memory_space<vmem>>, vector<16xf32>,
    %swap3A_152 = vector.shape_cast %swap3A_151 : vector<16xf32> to vector<16xf32>
    %swap3A_153 = vector.shape_cast %broadcast_in_dim3A_149 : vector<16xf32> to vector<16xf32>
    tpu.vector_store %arg6[%swap3A_150], %swap3A_153 {strides = array<i32>} : memref<640xf32, #tpu.memory_space<vmem>>, vector<16xf32>,
    %broadcast_in_dim3A_154 = arith.constant 0.000000e+00 : f32
    %broadcast_in_dim3A_155 = vector.broadcast %broadcast_in_dim3A_154 : f32 to vector<16xf32>
    %swap3A_156 = arith.constant 288 : index
    %swap3A_157 = tpu.vector_load %arg6[%swap3A_156] {strides = array<i32>} : memref<640xf32, #tpu.memory_space<vmem>>, vector<16xf32>,
    %swap3A_158 = vector.shape_cast %swap3A_157 : vector<16xf32> to vector<16xf32>
    %swap3A_159 = vector.shape_cast %broadcast_in_dim3A_155 : vector<16xf32> to vector<16xf32>
    tpu.vector_store %arg6[%swap3A_156], %swap3A_159 {strides = array<i32>} : memref<640xf32, #tpu.memory_space<vmem>>, vector<16xf32>,
    %broadcast_in_dim3A_160 = arith.constant 0.000000e+00 : f32
    %broadcast_in_dim3A_161 = vector.broadcast %broadcast_in_dim3A_160 : f32 to vector<16xf32>
    %swap3A_162 = arith.constant 304 : index
    %swap3A_163 = tpu.vector_load %arg6[%swap3A_162] {strides = array<i32>} : memref<640xf32, #tpu.memory_space<vmem>>, vector<16xf32>,
    %swap3A_164 = vector.shape_cast %swap3A_163 : vector<16xf32> to vector<16xf32>
    %swap3A_165 = vector.shape_cast %broadcast_in_dim3A_161 : vector<16xf32> to vector<16xf32>
    tpu.vector_store %arg6[%swap3A_162], %swap3A_165 {strides = array<i32>} : memref<640xf32, #tpu.memory_space<vmem>>, vector<16xf32>,
    %broadcast_in_dim3A_166 = arith.constant 0.000000e+00 : f32
    %broadcast_in_dim3A_167 = vector.broadcast %broadcast_in_dim3A_166 : f32 to vector<16xf32>
    %swap3A_168 = arith.constant 320 : index
    %swap3A_169 = tpu.vector_load %arg6[%swap3A_168] {strides = array<i32>} : memref<640xf32, #tpu.memory_space<vmem>>, vector<16xf32>,
    %swap3A_170 = vector.shape_cast %swap3A_169 : vector<16xf32> to vector<16xf32>
    %swap3A_171 = vector.shape_cast %broadcast_in_dim3A_167 : vector<16xf32> to vector<16xf32>
    tpu.vector_store %arg6[%swap3A_168], %swap3A_171 {strides = array<i32>} : memref<640xf32, #tpu.memory_space<vmem>>, vector<16xf32>,
    %broadcast_in_dim3A_172 = arith.constant 0.000000e+00 : f32
    %broadcast_in_dim3A_173 = vector.broadcast %broadcast_in_dim3A_172 : f32 to vector<16xf32>
    %swap3A_174 = arith.constant 336 : index
    %swap3A_175 = tpu.vector_load %arg6[%swap3A_174] {strides = array<i32>} : memref<640xf32, #tpu.memory_space<vmem>>, vector<16xf32>,
    %swap3A_176 = vector.shape_cast %swap3A_175 : vector<16xf32> to vector<16xf32>
    %swap3A_177 = vector.shape_cast %broadcast_in_dim3A_173 : vector<16xf32> to vector<16xf32>
    tpu.vector_store %arg6[%swap3A_174], %swap3A_177 {strides = array<i32>} : memref<640xf32, #tpu.memory_space<vmem>>, vector<16xf32>,
    %broadcast_in_dim3A_178 = arith.constant 0.000000e+00 : f32
    %broadcast_in_dim3A_179 = vector.broadcast %broadcast_in_dim3A_178 : f32 to vector<16xf32>
    %swap3A_180 = arith.constant 352 : index
    %swap3A_181 = tpu.vector_load %arg6[%swap3A_180] {strides = array<i32>} : memref<640xf32, #tpu.memory_space<vmem>>, vector<16xf32>,
    %swap3A_182 = vector.shape_cast %swap3A_181 : vector<16xf32> to vector<16xf32>
    %swap3A_183 = vector.shape_cast %broadcast_in_dim3A_179 : vector<16xf32> to vector<16xf32>
    tpu.vector_store %arg6[%swap3A_180], %swap3A_183 {strides = array<i32>} : memref<640xf32, #tpu.memory_space<vmem>>, vector<16xf32>,
    %broadcast_in_dim3A_184 = arith.constant 0.000000e+00 : f32
    %broadcast_in_dim3A_185 = vector.broadcast %broadcast_in_dim3A_184 : f32 to vector<16xf32>
    %swap3A_186 = arith.constant 368 : index
    %swap3A_187 = tpu.vector_load %arg6[%swap3A_186] {strides = array<i32>} : memref<640xf32, #tpu.memory_space<vmem>>, vector<16xf32>,
    %swap3A_188 = vector.shape_cast %swap3A_187 : vector<16xf32> to vector<16xf32>
    %swap3A_189 = vector.shape_cast %broadcast_in_dim3A_185 : vector<16xf32> to vector<16xf32>
    tpu.vector_store %arg6[%swap3A_186], %swap3A_189 {strides = array<i32>} : memref<640xf32, #tpu.memory_space<vmem>>, vector<16xf32>,
    %broadcast_in_dim3A_190 = arith.constant 0.000000e+00 : f32
    %broadcast_in_dim3A_191 = vector.broadcast %broadcast_in_dim3A_190 : f32 to vector<16xf32>
    %swap3A_192 = arith.constant 384 : index
    %swap3A_193 = tpu.vector_load %arg6[%swap3A_192] {strides = array<i32>} : memref<640xf32, #tpu.memory_space<vmem>>, vector<16xf32>,
    %swap3A_194 = vector.shape_cast %swap3A_193 : vector<16xf32> to vector<16xf32>
    %swap3A_195 = vector.shape_cast %broadcast_in_dim3A_191 : vector<16xf32> to vector<16xf32>
    tpu.vector_store %arg6[%swap3A_192], %swap3A_195 {strides = array<i32>} : memref<640xf32, #tpu.memory_space<vmem>>, vector<16xf32>,
    %broadcast_in_dim3A_196 = arith.constant 0.000000e+00 : f32
    %broadcast_in_dim3A_197 = vector.broadcast %broadcast_in_dim3A_196 : f32 to vector<16xf32>
    %swap3A_198 = arith.constant 400 : index
    %swap3A_199 = tpu.vector_load %arg6[%swap3A_198] {strides = array<i32>} : memref<640xf32, #tpu.memory_space<vmem>>, vector<16xf32>,
    %swap3A_200 = vector.shape_cast %swap3A_199 : vector<16xf32> to vector<16xf32>
    %swap3A_201 = vector.shape_cast %broadcast_in_dim3A_197 : vector<16xf32> to vector<16xf32>
    tpu.vector_store %arg6[%swap3A_198], %swap3A_201 {strides = array<i32>} : memref<640xf32, #tpu.memory_space<vmem>>, vector<16xf32>,
    %broadcast_in_dim3A_202 = arith.constant 0.000000e+00 : f32
    %broadcast_in_dim3A_203 = vector.broadcast %broadcast_in_dim3A_202 : f32 to vector<16xf32>
    %swap3A_204 = arith.constant 416 : index
    %swap3A_205 = tpu.vector_load %arg6[%swap3A_204] {strides = array<i32>} : memref<640xf32, #tpu.memory_space<vmem>>, vector<16xf32>,
    %swap3A_206 = vector.shape_cast %swap3A_205 : vector<16xf32> to vector<16xf32>
    %swap3A_207 = vector.shape_cast %broadcast_in_dim3A_203 : vector<16xf32> to vector<16xf32>
    tpu.vector_store %arg6[%swap3A_204], %swap3A_207 {strides = array<i32>} : memref<640xf32, #tpu.memory_space<vmem>>, vector<16xf32>,
    %broadcast_in_dim3A_208 = arith.constant 0.000000e+00 : f32
    %broadcast_in_dim3A_209 = vector.broadcast %broadcast_in_dim3A_208 : f32 to vector<16xf32>
    %swap3A_210 = arith.constant 432 : index
    %swap3A_211 = tpu.vector_load %arg6[%swap3A_210] {strides = array<i32>} : memref<640xf32, #tpu.memory_space<vmem>>, vector<16xf32>,
    %swap3A_212 = vector.shape_cast %swap3A_211 : vector<16xf32> to vector<16xf32>
    %swap3A_213 = vector.shape_cast %broadcast_in_dim3A_209 : vector<16xf32> to vector<16xf32>
    tpu.vector_store %arg6[%swap3A_210], %swap3A_213 {strides = array<i32>} : memref<640xf32, #tpu.memory_space<vmem>>, vector<16xf32>,
    %broadcast_in_dim3A_214 = arith.constant 0.000000e+00 : f32
    %broadcast_in_dim3A_215 = vector.broadcast %broadcast_in_dim3A_214 : f32 to vector<16xf32>
    %swap3A_216 = arith.constant 448 : index
    %swap3A_217 = tpu.vector_load %arg6[%swap3A_216] {strides = array<i32>} : memref<640xf32, #tpu.memory_space<vmem>>, vector<16xf32>,
    %swap3A_218 = vector.shape_cast %swap3A_217 : vector<16xf32> to vector<16xf32>
    %swap3A_219 = vector.shape_cast %broadcast_in_dim3A_215 : vector<16xf32> to vector<16xf32>
    tpu.vector_store %arg6[%swap3A_216], %swap3A_219 {strides = array<i32>} : memref<640xf32, #tpu.memory_space<vmem>>, vector<16xf32>,
    %broadcast_in_dim3A_220 = arith.constant 0.000000e+00 : f32
    %broadcast_in_dim3A_221 = vector.broadcast %broadcast_in_dim3A_220 : f32 to vector<16xf32>
    %swap3A_222 = arith.constant 464 : index
    %swap3A_223 = tpu.vector_load %arg6[%swap3A_222] {strides = array<i32>} : memref<640xf32, #tpu.memory_space<vmem>>, vector<16xf32>,
    %swap3A_224 = vector.shape_cast %swap3A_223 : vector<16xf32> to vector<16xf32>
    %swap3A_225 = vector.shape_cast %broadcast_in_dim3A_221 : vector<16xf32> to vector<16xf32>
    tpu.vector_store %arg6[%swap3A_222], %swap3A_225 {strides = array<i32>} : memref<640xf32, #tpu.memory_space<vmem>>, vector<16xf32>,
    %broadcast_in_dim3A_226 = arith.constant 0.000000e+00 : f32
    %broadcast_in_dim3A_227 = vector.broadcast %broadcast_in_dim3A_226 : f32 to vector<16xf32>
    %swap3A_228 = arith.constant 480 : index
    %swap3A_229 = tpu.vector_load %arg6[%swap3A_228] {strides = array<i32>} : memref<640xf32, #tpu.memory_space<vmem>>, vector<16xf32>,
    %swap3A_230 = vector.shape_cast %swap3A_229 : vector<16xf32> to vector<16xf32>
    %swap3A_231 = vector.shape_cast %broadcast_in_dim3A_227 : vector<16xf32> to vector<16xf32>
    tpu.vector_store %arg6[%swap3A_228], %swap3A_231 {strides = array<i32>} : memref<640xf32, #tpu.memory_space<vmem>>, vector<16xf32>,
    %broadcast_in_dim3A_232 = arith.constant 0.000000e+00 : f32
    %broadcast_in_dim3A_233 = vector.broadcast %broadcast_in_dim3A_232 : f32 to vector<16xf32>
    %swap3A_234 = arith.constant 496 : index
    %swap3A_235 = tpu.vector_load %arg6[%swap3A_234] {strides = array<i32>} : memref<640xf32, #tpu.memory_space<vmem>>, vector<16xf32>,
    %swap3A_236 = vector.shape_cast %swap3A_235 : vector<16xf32> to vector<16xf32>
    %swap3A_237 = vector.shape_cast %broadcast_in_dim3A_233 : vector<16xf32> to vector<16xf32>
    tpu.vector_store %arg6[%swap3A_234], %swap3A_237 {strides = array<i32>} : memref<640xf32, #tpu.memory_space<vmem>>, vector<16xf32>,
    %broadcast_in_dim3A_238 = arith.constant 0.000000e+00 : f32
    %broadcast_in_dim3A_239 = vector.broadcast %broadcast_in_dim3A_238 : f32 to vector<16xf32>
    %swap3A_240 = arith.constant 512 : index
    %swap3A_241 = tpu.vector_load %arg6[%swap3A_240] {strides = array<i32>} : memref<640xf32, #tpu.memory_space<vmem>>, vector<16xf32>,
    %swap3A_242 = vector.shape_cast %swap3A_241 : vector<16xf32> to vector<16xf32>
    %swap3A_243 = vector.shape_cast %broadcast_in_dim3A_239 : vector<16xf32> to vector<16xf32>
    tpu.vector_store %arg6[%swap3A_240], %swap3A_243 {strides = array<i32>} : memref<640xf32, #tpu.memory_space<vmem>>, vector<16xf32>,
    %broadcast_in_dim3A_244 = arith.constant 0.000000e+00 : f32
    %broadcast_in_dim3A_245 = vector.broadcast %broadcast_in_dim3A_244 : f32 to vector<16xf32>
    %swap3A_246 = arith.constant 528 : index
    %swap3A_247 = tpu.vector_load %arg6[%swap3A_246] {strides = array<i32>} : memref<640xf32, #tpu.memory_space<vmem>>, vector<16xf32>,
    %swap3A_248 = vector.shape_cast %swap3A_247 : vector<16xf32> to vector<16xf32>
    %swap3A_249 = vector.shape_cast %broadcast_in_dim3A_245 : vector<16xf32> to vector<16xf32>
    tpu.vector_store %arg6[%swap3A_246], %swap3A_249 {strides = array<i32>} : memref<640xf32, #tpu.memory_space<vmem>>, vector<16xf32>,
    %broadcast_in_dim3A_250 = arith.constant 0.000000e+00 : f32
    %broadcast_in_dim3A_251 = vector.broadcast %broadcast_in_dim3A_250 : f32 to vector<16xf32>
    %swap3A_252 = arith.constant 544 : index
    %swap3A_253 = tpu.vector_load %arg6[%swap3A_252] {strides = array<i32>} : memref<640xf32, #tpu.memory_space<vmem>>, vector<16xf32>,
    %swap3A_254 = vector.shape_cast %swap3A_253 : vector<16xf32> to vector<16xf32>
    %swap3A_255 = vector.shape_cast %broadcast_in_dim3A_251 : vector<16xf32> to vector<16xf32>
    tpu.vector_store %arg6[%swap3A_252], %swap3A_255 {strides = array<i32>} : memref<640xf32, #tpu.memory_space<vmem>>, vector<16xf32>,
    %broadcast_in_dim3A_256 = arith.constant 0.000000e+00 : f32
    %broadcast_in_dim3A_257 = vector.broadcast %broadcast_in_dim3A_256 : f32 to vector<16xf32>
    %swap3A_258 = arith.constant 560 : index
    %swap3A_259 = tpu.vector_load %arg6[%swap3A_258] {strides = array<i32>} : memref<640xf32, #tpu.memory_space<vmem>>, vector<16xf32>,
    %swap3A_260 = vector.shape_cast %swap3A_259 : vector<16xf32> to vector<16xf32>
    %swap3A_261 = vector.shape_cast %broadcast_in_dim3A_257 : vector<16xf32> to vector<16xf32>
    tpu.vector_store %arg6[%swap3A_258], %swap3A_261 {strides = array<i32>} : memref<640xf32, #tpu.memory_space<vmem>>, vector<16xf32>,
    %broadcast_in_dim3A_262 = arith.constant 0.000000e+00 : f32
    %broadcast_in_dim3A_263 = vector.broadcast %broadcast_in_dim3A_262 : f32 to vector<16xf32>
    %swap3A_264 = arith.constant 576 : index
    %swap3A_265 = tpu.vector_load %arg6[%swap3A_264] {strides = array<i32>} : memref<640xf32, #tpu.memory_space<vmem>>, vector<16xf32>,
    %swap3A_266 = vector.shape_cast %swap3A_265 : vector<16xf32> to vector<16xf32>
    %swap3A_267 = vector.shape_cast %broadcast_in_dim3A_263 : vector<16xf32> to vector<16xf32>
    tpu.vector_store %arg6[%swap3A_264], %swap3A_267 {strides = array<i32>} : memref<640xf32, #tpu.memory_space<vmem>>, vector<16xf32>,
    %broadcast_in_dim3A_268 = arith.constant 0.000000e+00 : f32
    %broadcast_in_dim3A_269 = vector.broadcast %broadcast_in_dim3A_268 : f32 to vector<16xf32>
    %swap3A_270 = arith.constant 592 : index
    %swap3A_271 = tpu.vector_load %arg6[%swap3A_270] {strides = array<i32>} : memref<640xf32, #tpu.memory_space<vmem>>, vector<16xf32>,
    %swap3A_272 = vector.shape_cast %swap3A_271 : vector<16xf32> to vector<16xf32>
    %swap3A_273 = vector.shape_cast %broadcast_in_dim3A_269 : vector<16xf32> to vector<16xf32>
    tpu.vector_store %arg6[%swap3A_270], %swap3A_273 {strides = array<i32>} : memref<640xf32, #tpu.memory_space<vmem>>, vector<16xf32>,
    %broadcast_in_dim3A_274 = arith.constant 0.000000e+00 : f32
    %broadcast_in_dim3A_275 = vector.broadcast %broadcast_in_dim3A_274 : f32 to vector<16xf32>
    %swap3A_276 = arith.constant 608 : index
    %swap3A_277 = tpu.vector_load %arg6[%swap3A_276] {strides = array<i32>} : memref<640xf32, #tpu.memory_space<vmem>>, vector<16xf32>,
    %swap3A_278 = vector.shape_cast %swap3A_277 : vector<16xf32> to vector<16xf32>
    %swap3A_279 = vector.shape_cast %broadcast_in_dim3A_275 : vector<16xf32> to vector<16xf32>
    tpu.vector_store %arg6[%swap3A_276], %swap3A_279 {strides = array<i32>} : memref<640xf32, #tpu.memory_space<vmem>>, vector<16xf32>,
    %broadcast_in_dim3A_280 = arith.constant 0.000000e+00 : f32
    %broadcast_in_dim3A_281 = vector.broadcast %broadcast_in_dim3A_280 : f32 to vector<16xf32>
    %swap3A_282 = arith.constant 624 : index
    %swap3A_283 = tpu.vector_load %arg6[%swap3A_282] {strides = array<i32>} : memref<640xf32, #tpu.memory_space<vmem>>, vector<16xf32>,
    %swap3A_284 = vector.shape_cast %swap3A_283 : vector<16xf32> to vector<16xf32>
    %swap3A_285 = vector.shape_cast %broadcast_in_dim3A_281 : vector<16xf32> to vector<16xf32>
    tpu.vector_store %arg6[%swap3A_282], %swap3A_285 {strides = array<i32>} : memref<640xf32, #tpu.memory_space<vmem>>, vector<16xf32>,
    %mul3A = arith.constant 640 : i32
    %mul3A_286 = arith.muli %arg1, %mul3A : i32
    %add3A = arith.constant 0 : i32
    %add3A_287 = arith.addi %add3A, %mul3A_286 : i32
    "tpu.region"() ({
      %run_scoped3A = tpu.sem_alloc : memref<!tpu.dma_semaphore, #tpu.memory_space<semaphore_mem>>
      %dma_start3A = tpu.memref_slice %arg7[%add3A_287] : memref<30720xf32, #tpu.memory_space<vmem_shared>> -> memref<640xf32, #tpu.memory_space<vmem_shared>>
      %dma_start3A_356 = tpu.memref_slice %arg7[%add3A_287] : memref<30720xf32, #tpu.memory_space<vmem_shared>> -> memref<640xf32, #tpu.memory_space<vmem_shared>>
      tpu.enqueue_dma source(%arg6 : memref<640xf32, #tpu.memory_space<vmem>>) target(%dma_start3A_356 : memref<640xf32, #tpu.memory_space<vmem_shared>>) target_semaphore(%run_scoped3A : memref<!tpu.dma_semaphore, #tpu.memory_space<semaphore_mem>>)
      %dma_wait3A = tpu.memref_slice %arg7[%add3A_287] : memref<30720xf32, #tpu.memory_space<vmem_shared>> -> memref<640xf32, #tpu.memory_space<vmem_shared>>
      %dma_wait3A_357 = tpu.memref_slice %arg7[%add3A_287] : memref<30720xf32, #tpu.memory_space<vmem_shared>> -> memref<640xf32, #tpu.memory_space<vmem_shared>>
      tpu.wait_dma2 semaphore(%run_scoped3A : memref<!tpu.dma_semaphore, #tpu.memory_space<semaphore_mem>>) src(%arg6 : memref<640xf32, #tpu.memory_space<vmem>>) dst(%dma_wait3A_357 : memref<640xf32, #tpu.memory_space<vmem_shared>>)
      tpu.yield
    }) : () -> ()
    %mul3A_288 = arith.constant 640 : i32
    %mul3A_289 = arith.muli %arg1, %mul3A_288 : i32
    %add3A_290 = arith.constant 10240 : i32
    %add3A_291 = arith.addi %add3A_290, %mul3A_289 : i32
    "tpu.region"() ({
      %run_scoped3A = tpu.sem_alloc : memref<!tpu.dma_semaphore, #tpu.memory_space<semaphore_mem>>
      %dma_start3A = tpu.memref_slice %arg7[%add3A_291] : memref<30720xf32, #tpu.memory_space<vmem_shared>> -> memref<640xf32, #tpu.memory_space<vmem_shared>>
      %dma_start3A_356 = tpu.memref_slice %arg7[%add3A_291] : memref<30720xf32, #tpu.memory_space<vmem_shared>> -> memref<640xf32, #tpu.memory_space<vmem_shared>>
      tpu.enqueue_dma source(%arg6 : memref<640xf32, #tpu.memory_space<vmem>>) target(%dma_start3A_356 : memref<640xf32, #tpu.memory_space<vmem_shared>>) target_semaphore(%run_scoped3A : memref<!tpu.dma_semaphore, #tpu.memory_space<semaphore_mem>>)
      %dma_wait3A = tpu.memref_slice %arg7[%add3A_291] : memref<30720xf32, #tpu.memory_space<vmem_shared>> -> memref<640xf32, #tpu.memory_space<vmem_shared>>
      %dma_wait3A_357 = tpu.memref_slice %arg7[%add3A_291] : memref<30720xf32, #tpu.memory_space<vmem_shared>> -> memref<640xf32, #tpu.memory_space<vmem_shared>>
      tpu.wait_dma2 semaphore(%run_scoped3A : memref<!tpu.dma_semaphore, #tpu.memory_space<semaphore_mem>>) src(%arg6 : memref<640xf32, #tpu.memory_space<vmem>>) dst(%dma_wait3A_357 : memref<640xf32, #tpu.memory_space<vmem_shared>>)
      tpu.yield
    }) : () -> ()
    %mul3A_292 = arith.constant 640 : i32
    %mul3A_293 = arith.muli %arg1, %mul3A_292 : i32
    %add3A_294 = arith.constant 20480 : i32
    %add3A_295 = arith.addi %add3A_294, %mul3A_293 : i32
    "tpu.region"() ({
      %run_scoped3A = tpu.sem_alloc : memref<!tpu.dma_semaphore, #tpu.memory_space<semaphore_mem>>
      %dma_start3A = tpu.memref_slice %arg7[%add3A_295] : memref<30720xf32, #tpu.memory_space<vmem_shared>> -> memref<640xf32, #tpu.memory_space<vmem_shared>>
      %dma_start3A_356 = tpu.memref_slice %arg7[%add3A_295] : memref<30720xf32, #tpu.memory_space<vmem_shared>> -> memref<640xf32, #tpu.memory_space<vmem_shared>>
      tpu.enqueue_dma source(%arg6 : memref<640xf32, #tpu.memory_space<vmem>>) target(%dma_start3A_356 : memref<640xf32, #tpu.memory_space<vmem_shared>>) target_semaphore(%run_scoped3A : memref<!tpu.dma_semaphore, #tpu.memory_space<semaphore_mem>>)
      %dma_wait3A = tpu.memref_slice %arg7[%add3A_295] : memref<30720xf32, #tpu.memory_space<vmem_shared>> -> memref<640xf32, #tpu.memory_space<vmem_shared>>
      %dma_wait3A_357 = tpu.memref_slice %arg7[%add3A_295] : memref<30720xf32, #tpu.memory_space<vmem_shared>> -> memref<640xf32, #tpu.memory_space<vmem_shared>>
      tpu.wait_dma2 semaphore(%run_scoped3A : memref<!tpu.dma_semaphore, #tpu.memory_space<semaphore_mem>>) src(%arg6 : memref<640xf32, #tpu.memory_space<vmem>>) dst(%dma_wait3A_357 : memref<640xf32, #tpu.memory_space<vmem_shared>>)
      tpu.yield
    }) : () -> ()
    %barrier3A = arith.constant 0 : index
    tpu.barrier barrier_id(%barrier3A)
    %mul3A_296 = arith.constant 3 : i32
    %mul3A_297 = arith.muli %mul3A_296, %arg0 : i32
    %add3A_298 = arith.constant 0 : i32
    %add3A_299 = arith.addi %mul3A_297, %add3A_298 : i32
    "tpu.region"() ({
      %run_scoped3A = tpu.sem_alloc : memref<!tpu.dma_semaphore, #tpu.memory_space<semaphore_mem>>
      %dma_start3A = arith.constant 0 : i32
      %dma_start3A_356 = arith.constant 0 : i32
      %dma_start3A_357 = tpu.memref_slice %arg2[%add3A_299, %arg1, %dma_start3A, %dma_start3A_356] : memref<6x16x80x128xi32, #tpu.memory_space<hbm>> -> memref<1x1x80x128xi32, #tpu.memory_space<hbm>>
      %dma_start3A_358 = tpu.memref_squeeze %dma_start3A_357 : memref<1x1x80x128xi32, #tpu.memory_space<hbm>> -> memref<80x128xi32, #tpu.memory_space<hbm>>
      %dma_start3A_359 = arith.constant 0 : i32
      %dma_start3A_360 = arith.constant 0 : i32
      %dma_start3A_361 = tpu.memref_slice %arg2[%add3A_299, %arg1, %dma_start3A_359, %dma_start3A_360] : memref<6x16x80x128xi32, #tpu.memory_space<hbm>> -> memref<1x1x80x128xi32, #tpu.memory_space<hbm>>
      %dma_start3A_362 = tpu.memref_squeeze %dma_start3A_361 : memref<1x1x80x128xi32, #tpu.memory_space<hbm>> -> memref<80x128xi32, #tpu.memory_space<hbm>>
      tpu.enqueue_dma source(%dma_start3A_362 : memref<80x128xi32, #tpu.memory_space<hbm>>) target(%arg4 : memref<80x128xi32, #tpu.memory_space<vmem>>) target_semaphore(%run_scoped3A : memref<!tpu.dma_semaphore, #tpu.memory_space<semaphore_mem>>)
      %dma_wait3A = arith.constant 0 : i32
      %dma_wait3A_363 = arith.constant 0 : i32
      %dma_wait3A_364 = tpu.memref_slice %arg2[%add3A_299, %arg1, %dma_wait3A, %dma_wait3A_363] : memref<6x16x80x128xi32, #tpu.memory_space<hbm>> -> memref<1x1x80x128xi32, #tpu.memory_space<hbm>>
      %dma_wait3A_365 = tpu.memref_squeeze %dma_wait3A_364 : memref<1x1x80x128xi32, #tpu.memory_space<hbm>> -> memref<80x128xi32, #tpu.memory_space<hbm>>
      %dma_wait3A_366 = arith.constant 0 : i32
      %dma_wait3A_367 = arith.constant 0 : i32
      %dma_wait3A_368 = tpu.memref_slice %arg2[%add3A_299, %arg1, %dma_wait3A_366, %dma_wait3A_367] : memref<6x16x80x128xi32, #tpu.memory_space<hbm>> -> memref<1x1x80x128xi32, #tpu.memory_space<hbm>>
      %dma_wait3A_369 = tpu.memref_squeeze %dma_wait3A_368 : memref<1x1x80x128xi32, #tpu.memory_space<hbm>> -> memref<80x128xi32, #tpu.memory_space<hbm>>
      tpu.wait_dma2 semaphore(%run_scoped3A : memref<!tpu.dma_semaphore, #tpu.memory_space<semaphore_mem>>) src(%dma_wait3A_369 : memref<80x128xi32, #tpu.memory_space<hbm>>) dst(%arg4 : memref<80x128xi32, #tpu.memory_space<vmem>>)
      tpu.yield
    }) : () -> ()
    %scan3A = arith.constant 0 : i32
    %scan3A_300 = arith.constant 0 : i32
    %scan3A_301 = arith.constant 80 : i32
    %scan3A_302 = arith.addi %scan3A_300, %scan3A_301 : i32
    %scan3A_303 = arith.constant 1 : i32
    scf.for %scan3A_356 = %scan3A_300 to %scan3A_302 step %scan3A_303  : i32 {
      "tpu.region"() ({
        %run_scoped3A = tpu.sem_alloc : memref<!tpu.dma_semaphore, #tpu.memory_space<semaphore_mem>>
        %dma_start3A = arith.constant 0 : i32
        %dma_start3A_357 = tpu.memref_slice %arg4[%scan3A_356, %dma_start3A] : memref<80x128xi32, #tpu.memory_space<vmem>> -> memref<1x128xi32, #tpu.memory_space<vmem>>
        %dma_start3A_358 = tpu.memref_squeeze %dma_start3A_357 : memref<1x128xi32, #tpu.memory_space<vmem>> -> memref<128xi32, #tpu.memory_space<vmem>>
        %dma_start3A_359 = arith.constant 0 : i32
        %dma_start3A_360 = tpu.memref_slice %arg7[%dma_start3A_359] : memref<30720xf32, #tpu.memory_space<vmem_shared>> -> memref<30720xf32, #tpu.memory_space<vmem_shared>>
        tpu.enqueue_indirect_dma source(%arg5 : memref<128xf32, #tpu.memory_space<vmem>>) target(%dma_start3A_360 : memref<30720xf32, #tpu.memory_space<vmem_shared>>) offsets(%dma_start3A_358 : memref<128xi32, #tpu.memory_space<vmem>>) semaphore(%run_scoped3A : memref<!tpu.dma_semaphore, #tpu.memory_space<semaphore_mem>>) {add = true}
        %dma_wait3A = arith.constant 0 : i32
        %dma_wait3A_361 = tpu.memref_slice %arg4[%scan3A_356, %dma_wait3A] : memref<80x128xi32, #tpu.memory_space<vmem>> -> memref<1x128xi32, #tpu.memory_space<vmem>>
        %dma_wait3A_362 = tpu.memref_squeeze %dma_wait3A_361 : memref<1x128xi32, #tpu.memory_space<vmem>> -> memref<128xi32, #tpu.memory_space<vmem>>
        %dma_wait3A_363 = arith.constant 0 : i32
        %dma_wait3A_364 = tpu.memref_slice %arg7[%dma_wait3A_363] : memref<30720xf32, #tpu.memory_space<vmem_shared>> -> memref<30720xf32, #tpu.memory_space<vmem_shared>>
        tpu.wait_indirect_dma semaphore(%run_scoped3A : memref<!tpu.dma_semaphore, #tpu.memory_space<semaphore_mem>>) src(%arg5 : memref<128xf32, #tpu.memory_space<vmem>>) dst(%dma_wait3A_364 : memref<30720xf32, #tpu.memory_space<vmem_shared>>)
        tpu.yield
      }) : () -> ()
    }
    %scan3A_304 = arith.constant 80 : i32
    %mul3A_305 = arith.constant 3 : i32
    %mul3A_306 = arith.muli %mul3A_305, %arg0 : i32
    %add3A_307 = arith.constant 1 : i32
    %add3A_308 = arith.addi %mul3A_306, %add3A_307 : i32
    "tpu.region"() ({
      %run_scoped3A = tpu.sem_alloc : memref<!tpu.dma_semaphore, #tpu.memory_space<semaphore_mem>>
      %dma_start3A = arith.constant 0 : i32
      %dma_start3A_356 = arith.constant 0 : i32
      %dma_start3A_357 = tpu.memref_slice %arg2[%add3A_308, %arg1, %dma_start3A, %dma_start3A_356] : memref<6x16x80x128xi32, #tpu.memory_space<hbm>> -> memref<1x1x80x128xi32, #tpu.memory_space<hbm>>
      %dma_start3A_358 = tpu.memref_squeeze %dma_start3A_357 : memref<1x1x80x128xi32, #tpu.memory_space<hbm>> -> memref<80x128xi32, #tpu.memory_space<hbm>>
      %dma_start3A_359 = arith.constant 0 : i32
      %dma_start3A_360 = arith.constant 0 : i32
      %dma_start3A_361 = tpu.memref_slice %arg2[%add3A_308, %arg1, %dma_start3A_359, %dma_start3A_360] : memref<6x16x80x128xi32, #tpu.memory_space<hbm>> -> memref<1x1x80x128xi32, #tpu.memory_space<hbm>>
      %dma_start3A_362 = tpu.memref_squeeze %dma_start3A_361 : memref<1x1x80x128xi32, #tpu.memory_space<hbm>> -> memref<80x128xi32, #tpu.memory_space<hbm>>
      tpu.enqueue_dma source(%dma_start3A_362 : memref<80x128xi32, #tpu.memory_space<hbm>>) target(%arg4 : memref<80x128xi32, #tpu.memory_space<vmem>>) target_semaphore(%run_scoped3A : memref<!tpu.dma_semaphore, #tpu.memory_space<semaphore_mem>>)
      %dma_wait3A = arith.constant 0 : i32
      %dma_wait3A_363 = arith.constant 0 : i32
      %dma_wait3A_364 = tpu.memref_slice %arg2[%add3A_308, %arg1, %dma_wait3A, %dma_wait3A_363] : memref<6x16x80x128xi32, #tpu.memory_space<hbm>> -> memref<1x1x80x128xi32, #tpu.memory_space<hbm>>
      %dma_wait3A_365 = tpu.memref_squeeze %dma_wait3A_364 : memref<1x1x80x128xi32, #tpu.memory_space<hbm>> -> memref<80x128xi32, #tpu.memory_space<hbm>>
      %dma_wait3A_366 = arith.constant 0 : i32
      %dma_wait3A_367 = arith.constant 0 : i32
      %dma_wait3A_368 = tpu.memref_slice %arg2[%add3A_308, %arg1, %dma_wait3A_366, %dma_wait3A_367] : memref<6x16x80x128xi32, #tpu.memory_space<hbm>> -> memref<1x1x80x128xi32, #tpu.memory_space<hbm>>
      %dma_wait3A_369 = tpu.memref_squeeze %dma_wait3A_368 : memref<1x1x80x128xi32, #tpu.memory_space<hbm>> -> memref<80x128xi32, #tpu.memory_space<hbm>>
      tpu.wait_dma2 semaphore(%run_scoped3A : memref<!tpu.dma_semaphore, #tpu.memory_space<semaphore_mem>>) src(%dma_wait3A_369 : memref<80x128xi32, #tpu.memory_space<hbm>>) dst(%arg4 : memref<80x128xi32, #tpu.memory_space<vmem>>)
      tpu.yield
    }) : () -> ()
    %scan3A_309 = arith.constant 0 : i32
    %scan3A_310 = arith.constant 0 : i32
    %scan3A_311 = arith.constant 80 : i32
    %scan3A_312 = arith.addi %scan3A_310, %scan3A_311 : i32
    %scan3A_313 = arith.constant 1 : i32
    scf.for %scan3A_356 = %scan3A_310 to %scan3A_312 step %scan3A_313  : i32 {
      "tpu.region"() ({
        %run_scoped3A = tpu.sem_alloc : memref<!tpu.dma_semaphore, #tpu.memory_space<semaphore_mem>>
        %dma_start3A = arith.constant 0 : i32
        %dma_start3A_357 = tpu.memref_slice %arg4[%scan3A_356, %dma_start3A] : memref<80x128xi32, #tpu.memory_space<vmem>> -> memref<1x128xi32, #tpu.memory_space<vmem>>
        %dma_start3A_358 = tpu.memref_squeeze %dma_start3A_357 : memref<1x128xi32, #tpu.memory_space<vmem>> -> memref<128xi32, #tpu.memory_space<vmem>>
        %dma_start3A_359 = arith.constant 0 : i32
        %dma_start3A_360 = tpu.memref_slice %arg7[%dma_start3A_359] : memref<30720xf32, #tpu.memory_space<vmem_shared>> -> memref<30720xf32, #tpu.memory_space<vmem_shared>>
        tpu.enqueue_indirect_dma source(%arg5 : memref<128xf32, #tpu.memory_space<vmem>>) target(%dma_start3A_360 : memref<30720xf32, #tpu.memory_space<vmem_shared>>) offsets(%dma_start3A_358 : memref<128xi32, #tpu.memory_space<vmem>>) semaphore(%run_scoped3A : memref<!tpu.dma_semaphore, #tpu.memory_space<semaphore_mem>>) {add = true}
        %dma_wait3A = arith.constant 0 : i32
        %dma_wait3A_361 = tpu.memref_slice %arg4[%scan3A_356, %dma_wait3A] : memref<80x128xi32, #tpu.memory_space<vmem>> -> memref<1x128xi32, #tpu.memory_space<vmem>>
        %dma_wait3A_362 = tpu.memref_squeeze %dma_wait3A_361 : memref<1x128xi32, #tpu.memory_space<vmem>> -> memref<128xi32, #tpu.memory_space<vmem>>
        %dma_wait3A_363 = arith.constant 0 : i32
        %dma_wait3A_364 = tpu.memref_slice %arg7[%dma_wait3A_363] : memref<30720xf32, #tpu.memory_space<vmem_shared>> -> memref<30720xf32, #tpu.memory_space<vmem_shared>>
        tpu.wait_indirect_dma semaphore(%run_scoped3A : memref<!tpu.dma_semaphore, #tpu.memory_space<semaphore_mem>>) src(%arg5 : memref<128xf32, #tpu.memory_space<vmem>>) dst(%dma_wait3A_364 : memref<30720xf32, #tpu.memory_space<vmem_shared>>)
        tpu.yield
      }) : () -> ()
    }
    %scan3A_314 = arith.constant 80 : i32
    %mul3A_315 = arith.constant 3 : i32
    %mul3A_316 = arith.muli %mul3A_315, %arg0 : i32
    %add3A_317 = arith.constant 2 : i32
    %add3A_318 = arith.addi %mul3A_316, %add3A_317 : i32
    "tpu.region"() ({
      %run_scoped3A = tpu.sem_alloc : memref<!tpu.dma_semaphore, #tpu.memory_space<semaphore_mem>>
      %dma_start3A = arith.constant 0 : i32
      %dma_start3A_356 = arith.constant 0 : i32
      %dma_start3A_357 = tpu.memref_slice %arg2[%add3A_318, %arg1, %dma_start3A, %dma_start3A_356] : memref<6x16x80x128xi32, #tpu.memory_space<hbm>> -> memref<1x1x80x128xi32, #tpu.memory_space<hbm>>
      %dma_start3A_358 = tpu.memref_squeeze %dma_start3A_357 : memref<1x1x80x128xi32, #tpu.memory_space<hbm>> -> memref<80x128xi32, #tpu.memory_space<hbm>>
      %dma_start3A_359 = arith.constant 0 : i32
      %dma_start3A_360 = arith.constant 0 : i32
      %dma_start3A_361 = tpu.memref_slice %arg2[%add3A_318, %arg1, %dma_start3A_359, %dma_start3A_360] : memref<6x16x80x128xi32, #tpu.memory_space<hbm>> -> memref<1x1x80x128xi32, #tpu.memory_space<hbm>>
      %dma_start3A_362 = tpu.memref_squeeze %dma_start3A_361 : memref<1x1x80x128xi32, #tpu.memory_space<hbm>> -> memref<80x128xi32, #tpu.memory_space<hbm>>
      tpu.enqueue_dma source(%dma_start3A_362 : memref<80x128xi32, #tpu.memory_space<hbm>>) target(%arg4 : memref<80x128xi32, #tpu.memory_space<vmem>>) target_semaphore(%run_scoped3A : memref<!tpu.dma_semaphore, #tpu.memory_space<semaphore_mem>>)
      %dma_wait3A = arith.constant 0 : i32
      %dma_wait3A_363 = arith.constant 0 : i32
      %dma_wait3A_364 = tpu.memref_slice %arg2[%add3A_318, %arg1, %dma_wait3A, %dma_wait3A_363] : memref<6x16x80x128xi32, #tpu.memory_space<hbm>> -> memref<1x1x80x128xi32, #tpu.memory_space<hbm>>
      %dma_wait3A_365 = tpu.memref_squeeze %dma_wait3A_364 : memref<1x1x80x128xi32, #tpu.memory_space<hbm>> -> memref<80x128xi32, #tpu.memory_space<hbm>>
      %dma_wait3A_366 = arith.constant 0 : i32
      %dma_wait3A_367 = arith.constant 0 : i32
      %dma_wait3A_368 = tpu.memref_slice %arg2[%add3A_318, %arg1, %dma_wait3A_366, %dma_wait3A_367] : memref<6x16x80x128xi32, #tpu.memory_space<hbm>> -> memref<1x1x80x128xi32, #tpu.memory_space<hbm>>
      %dma_wait3A_369 = tpu.memref_squeeze %dma_wait3A_368 : memref<1x1x80x128xi32, #tpu.memory_space<hbm>> -> memref<80x128xi32, #tpu.memory_space<hbm>>
      tpu.wait_dma2 semaphore(%run_scoped3A : memref<!tpu.dma_semaphore, #tpu.memory_space<semaphore_mem>>) src(%dma_wait3A_369 : memref<80x128xi32, #tpu.memory_space<hbm>>) dst(%arg4 : memref<80x128xi32, #tpu.memory_space<vmem>>)
      tpu.yield
    }) : () -> ()
    %scan3A_319 = arith.constant 0 : i32
    %scan3A_320 = arith.constant 0 : i32
    %scan3A_321 = arith.constant 80 : i32
    %scan3A_322 = arith.addi %scan3A_320, %scan3A_321 : i32
    %scan3A_323 = arith.constant 1 : i32
    scf.for %scan3A_356 = %scan3A_320 to %scan3A_322 step %scan3A_323  : i32 {
      "tpu.region"() ({
        %run_scoped3A = tpu.sem_alloc : memref<!tpu.dma_semaphore, #tpu.memory_space<semaphore_mem>>
        %dma_start3A = arith.constant 0 : i32
        %dma_start3A_357 = tpu.memref_slice %arg4[%scan3A_356, %dma_start3A] : memref<80x128xi32, #tpu.memory_space<vmem>> -> memref<1x128xi32, #tpu.memory_space<vmem>>
        %dma_start3A_358 = tpu.memref_squeeze %dma_start3A_357 : memref<1x128xi32, #tpu.memory_space<vmem>> -> memref<128xi32, #tpu.memory_space<vmem>>
        %dma_start3A_359 = arith.constant 0 : i32
        %dma_start3A_360 = tpu.memref_slice %arg7[%dma_start3A_359] : memref<30720xf32, #tpu.memory_space<vmem_shared>> -> memref<30720xf32, #tpu.memory_space<vmem_shared>>
        tpu.enqueue_indirect_dma source(%arg5 : memref<128xf32, #tpu.memory_space<vmem>>) target(%dma_start3A_360 : memref<30720xf32, #tpu.memory_space<vmem_shared>>) offsets(%dma_start3A_358 : memref<128xi32, #tpu.memory_space<vmem>>) semaphore(%run_scoped3A : memref<!tpu.dma_semaphore, #tpu.memory_space<semaphore_mem>>) {add = true}
        %dma_wait3A = arith.constant 0 : i32
        %dma_wait3A_361 = tpu.memref_slice %arg4[%scan3A_356, %dma_wait3A] : memref<80x128xi32, #tpu.memory_space<vmem>> -> memref<1x128xi32, #tpu.memory_space<vmem>>
        %dma_wait3A_362 = tpu.memref_squeeze %dma_wait3A_361 : memref<1x128xi32, #tpu.memory_space<vmem>> -> memref<128xi32, #tpu.memory_space<vmem>>
        %dma_wait3A_363 = arith.constant 0 : i32
        %dma_wait3A_364 = tpu.memref_slice %arg7[%dma_wait3A_363] : memref<30720xf32, #tpu.memory_space<vmem_shared>> -> memref<30720xf32, #tpu.memory_space<vmem_shared>>
        tpu.wait_indirect_dma semaphore(%run_scoped3A : memref<!tpu.dma_semaphore, #tpu.memory_space<semaphore_mem>>) src(%arg5 : memref<128xf32, #tpu.memory_space<vmem>>) dst(%dma_wait3A_364 : memref<30720xf32, #tpu.memory_space<vmem_shared>>)
        tpu.yield
      }) : () -> ()
    }
    %scan3A_324 = arith.constant 80 : i32
    %barrier3A_325 = arith.constant 0 : index
    tpu.barrier barrier_id(%barrier3A_325)
    %mul3A_326 = arith.constant 640 : i32
    %mul3A_327 = arith.muli %arg1, %mul3A_326 : i32
    %add3A_328 = arith.constant 0 : i32
    %add3A_329 = arith.addi %add3A_328, %mul3A_327 : i32
    "tpu.region"() ({
      %run_scoped3A = tpu.sem_alloc : memref<!tpu.dma_semaphore, #tpu.memory_space<semaphore_mem>>
      %dma_start3A = tpu.memref_slice %arg7[%add3A_329] : memref<30720xf32, #tpu.memory_space<vmem_shared>> -> memref<640xf32, #tpu.memory_space<vmem_shared>>
      %dma_start3A_356 = tpu.memref_slice %arg7[%add3A_329] : memref<30720xf32, #tpu.memory_space<vmem_shared>> -> memref<640xf32, #tpu.memory_space<vmem_shared>>
      tpu.enqueue_dma source(%dma_start3A_356 : memref<640xf32, #tpu.memory_space<vmem_shared>>) target(%arg6 : memref<640xf32, #tpu.memory_space<vmem>>) target_semaphore(%run_scoped3A : memref<!tpu.dma_semaphore, #tpu.memory_space<semaphore_mem>>)
      %dma_wait3A = tpu.memref_slice %arg7[%add3A_329] : memref<30720xf32, #tpu.memory_space<vmem_shared>> -> memref<640xf32, #tpu.memory_space<vmem_shared>>
      %dma_wait3A_357 = tpu.memref_slice %arg7[%add3A_329] : memref<30720xf32, #tpu.memory_space<vmem_shared>> -> memref<640xf32, #tpu.memory_space<vmem_shared>>
      tpu.wait_dma2 semaphore(%run_scoped3A : memref<!tpu.dma_semaphore, #tpu.memory_space<semaphore_mem>>) src(%dma_wait3A_357 : memref<640xf32, #tpu.memory_space<vmem_shared>>) dst(%arg6 : memref<640xf32, #tpu.memory_space<vmem>>)
      tpu.yield
    }) : () -> ()
    %mul3A_330 = arith.constant 3 : i32
    %mul3A_331 = arith.muli %mul3A_330, %arg0 : i32
    %add3A_332 = arith.constant 0 : i32
    %add3A_333 = arith.addi %mul3A_331, %add3A_332 : i32
    %mul3A_334 = arith.constant 640 : i32
    %mul3A_335 = arith.muli %arg1, %mul3A_334 : i32
    "tpu.region"() ({
      %run_scoped3A = tpu.sem_alloc : memref<!tpu.dma_semaphore, #tpu.memory_space<semaphore_mem>>
      %dma_start3A = tpu.memref_slice %arg3[%add3A_333, %mul3A_335] : memref<6x10240xf32, #tpu.memory_space<hbm>> -> memref<1x640xf32, #tpu.memory_space<hbm>>
      %dma_start3A_356 = tpu.memref_squeeze %dma_start3A : memref<1x640xf32, #tpu.memory_space<hbm>> -> memref<640xf32, #tpu.memory_space<hbm>>
      %dma_start3A_357 = tpu.memref_slice %arg3[%add3A_333, %mul3A_335] : memref<6x10240xf32, #tpu.memory_space<hbm>> -> memref<1x640xf32, #tpu.memory_space<hbm>>
      %dma_start3A_358 = tpu.memref_squeeze %dma_start3A_357 : memref<1x640xf32, #tpu.memory_space<hbm>> -> memref<640xf32, #tpu.memory_space<hbm>>
      tpu.enqueue_dma source(%arg6 : memref<640xf32, #tpu.memory_space<vmem>>) target(%dma_start3A_358 : memref<640xf32, #tpu.memory_space<hbm>>) target_semaphore(%run_scoped3A : memref<!tpu.dma_semaphore, #tpu.memory_space<semaphore_mem>>)
      %dma_wait3A = tpu.memref_slice %arg3[%add3A_333, %mul3A_335] : memref<6x10240xf32, #tpu.memory_space<hbm>> -> memref<1x640xf32, #tpu.memory_space<hbm>>
      %dma_wait3A_359 = tpu.memref_squeeze %dma_wait3A : memref<1x640xf32, #tpu.memory_space<hbm>> -> memref<640xf32, #tpu.memory_space<hbm>>
      %dma_wait3A_360 = tpu.memref_slice %arg3[%add3A_333, %mul3A_335] : memref<6x10240xf32, #tpu.memory_space<hbm>> -> memref<1x640xf32, #tpu.memory_space<hbm>>
      %dma_wait3A_361 = tpu.memref_squeeze %dma_wait3A_360 : memref<1x640xf32, #tpu.memory_space<hbm>> -> memref<640xf32, #tpu.memory_space<hbm>>
      tpu.wait_dma2 semaphore(%run_scoped3A : memref<!tpu.dma_semaphore, #tpu.memory_space<semaphore_mem>>) src(%arg6 : memref<640xf32, #tpu.memory_space<vmem>>) dst(%dma_wait3A_361 : memref<640xf32, #tpu.memory_space<hbm>>)
      tpu.yield
    }) : () -> ()
    %mul3A_336 = arith.constant 640 : i32
    %mul3A_337 = arith.muli %arg1, %mul3A_336 : i32
    %add3A_338 = arith.constant 10240 : i32
    %add3A_339 = arith.addi %add3A_338, %mul3A_337 : i32
    "tpu.region"() ({
      %run_scoped3A = tpu.sem_alloc : memref<!tpu.dma_semaphore, #tpu.memory_space<semaphore_mem>>
      %dma_start3A = tpu.memref_slice %arg7[%add3A_339] : memref<30720xf32, #tpu.memory_space<vmem_shared>> -> memref<640xf32, #tpu.memory_space<vmem_shared>>
      %dma_start3A_356 = tpu.memref_slice %arg7[%add3A_339] : memref<30720xf32, #tpu.memory_space<vmem_shared>> -> memref<640xf32, #tpu.memory_space<vmem_shared>>
      tpu.enqueue_dma source(%dma_start3A_356 : memref<640xf32, #tpu.memory_space<vmem_shared>>) target(%arg6 : memref<640xf32, #tpu.memory_space<vmem>>) target_semaphore(%run_scoped3A : memref<!tpu.dma_semaphore, #tpu.memory_space<semaphore_mem>>)
      %dma_wait3A = tpu.memref_slice %arg7[%add3A_339] : memref<30720xf32, #tpu.memory_space<vmem_shared>> -> memref<640xf32, #tpu.memory_space<vmem_shared>>
      %dma_wait3A_357 = tpu.memref_slice %arg7[%add3A_339] : memref<30720xf32, #tpu.memory_space<vmem_shared>> -> memref<640xf32, #tpu.memory_space<vmem_shared>>
      tpu.wait_dma2 semaphore(%run_scoped3A : memref<!tpu.dma_semaphore, #tpu.memory_space<semaphore_mem>>) src(%dma_wait3A_357 : memref<640xf32, #tpu.memory_space<vmem_shared>>) dst(%arg6 : memref<640xf32, #tpu.memory_space<vmem>>)
      tpu.yield
    }) : () -> ()
    %mul3A_340 = arith.constant 3 : i32
    %mul3A_341 = arith.muli %mul3A_340, %arg0 : i32
    %add3A_342 = arith.constant 1 : i32
    %add3A_343 = arith.addi %mul3A_341, %add3A_342 : i32
    %mul3A_344 = arith.constant 640 : i32
    %mul3A_345 = arith.muli %arg1, %mul3A_344 : i32
    "tpu.region"() ({
      %run_scoped3A = tpu.sem_alloc : memref<!tpu.dma_semaphore, #tpu.memory_space<semaphore_mem>>
      %dma_start3A = tpu.memref_slice %arg3[%add3A_343, %mul3A_345] : memref<6x10240xf32, #tpu.memory_space<hbm>> -> memref<1x640xf32, #tpu.memory_space<hbm>>
      %dma_start3A_356 = tpu.memref_squeeze %dma_start3A : memref<1x640xf32, #tpu.memory_space<hbm>> -> memref<640xf32, #tpu.memory_space<hbm>>
      %dma_start3A_357 = tpu.memref_slice %arg3[%add3A_343, %mul3A_345] : memref<6x10240xf32, #tpu.memory_space<hbm>> -> memref<1x640xf32, #tpu.memory_space<hbm>>
      %dma_start3A_358 = tpu.memref_squeeze %dma_start3A_357 : memref<1x640xf32, #tpu.memory_space<hbm>> -> memref<640xf32, #tpu.memory_space<hbm>>
      tpu.enqueue_dma source(%arg6 : memref<640xf32, #tpu.memory_space<vmem>>) target(%dma_start3A_358 : memref<640xf32, #tpu.memory_space<hbm>>) target_semaphore(%run_scoped3A : memref<!tpu.dma_semaphore, #tpu.memory_space<semaphore_mem>>)
      %dma_wait3A = tpu.memref_slice %arg3[%add3A_343, %mul3A_345] : memref<6x10240xf32, #tpu.memory_space<hbm>> -> memref<1x640xf32, #tpu.memory_space<hbm>>
      %dma_wait3A_359 = tpu.memref_squeeze %dma_wait3A : memref<1x640xf32, #tpu.memory_space<hbm>> -> memref<640xf32, #tpu.memory_space<hbm>>
      %dma_wait3A_360 = tpu.memref_slice %arg3[%add3A_343, %mul3A_345] : memref<6x10240xf32, #tpu.memory_space<hbm>> -> memref<1x640xf32, #tpu.memory_space<hbm>>
      %dma_wait3A_361 = tpu.memref_squeeze %dma_wait3A_360 : memref<1x640xf32, #tpu.memory_space<hbm>> -> memref<640xf32, #tpu.memory_space<hbm>>
      tpu.wait_dma2 semaphore(%run_scoped3A : memref<!tpu.dma_semaphore, #tpu.memory_space<semaphore_mem>>) src(%arg6 : memref<640xf32, #tpu.memory_space<vmem>>) dst(%dma_wait3A_361 : memref<640xf32, #tpu.memory_space<hbm>>)
      tpu.yield
    }) : () -> ()
    %mul3A_346 = arith.constant 640 : i32
    %mul3A_347 = arith.muli %arg1, %mul3A_346 : i32
    %add3A_348 = arith.constant 20480 : i32
    %add3A_349 = arith.addi %add3A_348, %mul3A_347 : i32
    "tpu.region"() ({
      %run_scoped3A = tpu.sem_alloc : memref<!tpu.dma_semaphore, #tpu.memory_space<semaphore_mem>>
      %dma_start3A = tpu.memref_slice %arg7[%add3A_349] : memref<30720xf32, #tpu.memory_space<vmem_shared>> -> memref<640xf32, #tpu.memory_space<vmem_shared>>
      %dma_start3A_356 = tpu.memref_slice %arg7[%add3A_349] : memref<30720xf32, #tpu.memory_space<vmem_shared>> -> memref<640xf32, #tpu.memory_space<vmem_shared>>
      tpu.enqueue_dma source(%dma_start3A_356 : memref<640xf32, #tpu.memory_space<vmem_shared>>) target(%arg6 : memref<640xf32, #tpu.memory_space<vmem>>) target_semaphore(%run_scoped3A : memref<!tpu.dma_semaphore, #tpu.memory_space<semaphore_mem>>)
      %dma_wait3A = tpu.memref_slice %arg7[%add3A_349] : memref<30720xf32, #tpu.memory_space<vmem_shared>> -> memref<640xf32, #tpu.memory_space<vmem_shared>>
      %dma_wait3A_357 = tpu.memref_slice %arg7[%add3A_349] : memref<30720xf32, #tpu.memory_space<vmem_shared>> -> memref<640xf32, #tpu.memory_space<vmem_shared>>
      tpu.wait_dma2 semaphore(%run_scoped3A : memref<!tpu.dma_semaphore, #tpu.memory_space<semaphore_mem>>) src(%dma_wait3A_357 : memref<640xf32, #tpu.memory_space<vmem_shared>>) dst(%arg6 : memref<640xf32, #tpu.memory_space<vmem>>)
      tpu.yield
    }) : () -> ()
    %mul3A_350 = arith.constant 3 : i32
    %mul3A_351 = arith.muli %mul3A_350, %arg0 : i32
    %add3A_352 = arith.constant 2 : i32
    %add3A_353 = arith.addi %mul3A_351, %add3A_352 : i32
    %mul3A_354 = arith.constant 640 : i32
    %mul3A_355 = arith.muli %arg1, %mul3A_354 : i32
    "tpu.region"() ({
      %run_scoped3A = tpu.sem_alloc : memref<!tpu.dma_semaphore, #tpu.memory_space<semaphore_mem>>
      %dma_start3A = tpu.memref_slice %arg3[%add3A_353, %mul3A_355] : memref<6x10240xf32, #tpu.memory_space<hbm>> -> memref<1x640xf32, #tpu.memory_space<hbm>>
      %dma_start3A_356 = tpu.memref_squeeze %dma_start3A : memref<1x640xf32, #tpu.memory_space<hbm>> -> memref<640xf32, #tpu.memory_space<hbm>>
      %dma_start3A_357 = tpu.memref_slice %arg3[%add3A_353, %mul3A_355] : memref<6x10240xf32, #tpu.memory_space<hbm>> -> memref<1x640xf32, #tpu.memory_space<hbm>>
      %dma_start3A_358 = tpu.memref_squeeze %dma_start3A_357 : memref<1x640xf32, #tpu.memory_space<hbm>> -> memref<640xf32, #tpu.memory_space<hbm>>
      tpu.enqueue_dma source(%arg6 : memref<640xf32, #tpu.memory_space<vmem>>) target(%dma_start3A_358 : memref<640xf32, #tpu.memory_space<hbm>>) target_semaphore(%run_scoped3A : memref<!tpu.dma_semaphore, #tpu.memory_space<semaphore_mem>>)
      %dma_wait3A = tpu.memref_slice %arg3[%add3A_353, %mul3A_355] : memref<6x10240xf32, #tpu.memory_space<hbm>> -> memref<1x640xf32, #tpu.memory_space<hbm>>
      %dma_wait3A_359 = tpu.memref_squeeze %dma_wait3A : memref<1x640xf32, #tpu.memory_space<hbm>> -> memref<640xf32, #tpu.memory_space<hbm>>
      %dma_wait3A_360 = tpu.memref_slice %arg3[%add3A_353, %mul3A_355] : memref<6x10240xf32, #tpu.memory_space<hbm>> -> memref<1x640xf32, #tpu.memory_space<hbm>>
      %dma_wait3A_361 = tpu.memref_squeeze %dma_wait3A_360 : memref<1x640xf32, #tpu.memory_space<hbm>> -> memref<640xf32, #tpu.memory_space<hbm>>
      tpu.wait_dma2 semaphore(%run_scoped3A : memref<!tpu.dma_semaphore, #tpu.memory_space<semaphore_mem>>) src(%arg6 : memref<640xf32, #tpu.memory_space<vmem>>) dst(%dma_wait3A_361 : memref<640xf32, #tpu.memory_space<hbm>>)
      tpu.yield
    }) : () -> ()
    return
  }
}

module attributes {stable_mosaic.version = 14 : i64} {
  func.func @_prep_body(%arg0: i32, %arg1: memref<256x6xf32, #tpu.memory_space<vmem>>, %arg2: memref<256x128xf32, #tpu.memory_space<vmem>>, %arg3: memref<3x256x128xf32, #tpu.memory_space<vmem>>, %arg4: memref<256x3xf32, #tpu.memory_space<vmem>>, %arg5: memref<256x1xf32, #tpu.memory_space<vmem>>, %arg6: memref<256x1xf32, #tpu.memory_space<vmem>>) attributes {dimension_semantics = [#tpu.dimension_semantics<arbitrary>], iteration_bounds = array<i64: 40>, scalar_prefetch = 0 : i64, scratch_operands = 0 : i64, tpu.core_type = #tpu.core_type<tc>, window_params = [{transform_indices = @transform_0, window_bounds = array<i64: 256, 6>}, {transform_indices = @transform_1, window_bounds = array<i64: 256, 128>}, {transform_indices = @transform_2, window_bounds = array<i64: 3, 256, 128>}, {transform_indices = @transform_3, window_bounds = array<i64: 256, 3>}, {transform_indices = @transform_4, window_bounds = array<i64: 256, 1>}, {transform_indices = @transform_5, window_bounds = array<i64: 256, 1>}]} {
    %get3A = arith.constant 0 : index
    %get3A_0 = arith.constant 0 : index
    %get3A_1 = vector.load %arg1[%get3A, %get3A_0] : memref<256x6xf32, #tpu.memory_space<vmem>>, vector<256x6xf32>
    %get3A_2 = arith.constant 0 : index
    %get3A_3 = arith.constant 0 : index
    %get3A_4 = vector.load %arg2[%get3A_2, %get3A_3] : memref<256x128xf32, #tpu.memory_space<vmem>>, vector<256x128xf32>
    %slice3A = vector.extract_strided_slice %get3A_1 {offsets = [0, 0], sizes = [256, 1], strides = [1, 1]} : vector<256x6xf32> to vector<256x1xf32>
    %add3A = arith.constant 1.000000e+00 : f32
    %add3A_5 = vector.broadcast %add3A : f32 to vector<256x1xf32>
    %add3A_6 = arith.addf %slice3A, %add3A_5 : vector<256x1xf32>
    %rsqrt3A = math.rsqrt %add3A_6 : vector<256x1xf32>
    %mul3A = vector.broadcast %rsqrt3A : vector<256x1xf32> to vector<256x128xf32>
    %mul3A_7 = arith.mulf %get3A_4, %mul3A : vector<256x128xf32>
    %swap3A = arith.constant 0 : index
    %swap3A_8 = arith.constant 0 : index
    %swap3A_9 = arith.constant 0 : index
    %swap3A_10 = vector.load %arg3[%swap3A, %swap3A_8, %swap3A_9] : memref<3x256x128xf32, #tpu.memory_space<vmem>>, vector<1x256x128xf32>
    %swap3A_11 = vector.shape_cast %swap3A_10 : vector<1x256x128xf32> to vector<256x128xf32>
    %swap3A_12 = vector.shape_cast %mul3A_7 : vector<256x128xf32> to vector<1x256x128xf32>
    tpu.vector_store %arg3[%swap3A, %swap3A_8, %swap3A_9], %swap3A_12 {strides = array<i32>} : memref<3x256x128xf32, #tpu.memory_space<vmem>>, vector<1x256x128xf32>,
    %slice3A_13 = vector.extract_strided_slice %get3A_1 {offsets = [0, 1], sizes = [256, 1], strides = [1, 1]} : vector<256x6xf32> to vector<256x1xf32>
    %add3A_14 = arith.constant 1.000000e+00 : f32
    %add3A_15 = vector.broadcast %add3A_14 : f32 to vector<256x1xf32>
    %add3A_16 = arith.addf %slice3A_13, %add3A_15 : vector<256x1xf32>
    %rsqrt3A_17 = math.rsqrt %add3A_16 : vector<256x1xf32>
    %swap3A_18 = arith.constant 0 : index
    %swap3A_19 = arith.constant 0 : index
    %swap3A_20 = vector.load %arg4[%swap3A_18, %swap3A_19] : memref<256x3xf32, #tpu.memory_space<vmem>>, vector<256x1xf32>
    tpu.vector_store %arg4[%swap3A_18, %swap3A_19], %rsqrt3A_17 {strides = array<i32>} : memref<256x3xf32, #tpu.memory_space<vmem>>, vector<256x1xf32>,
    %slice3A_21 = vector.extract_strided_slice %get3A_1 {offsets = [0, 2], sizes = [256, 1], strides = [1, 1]} : vector<256x6xf32> to vector<256x1xf32>
    %add3A_22 = arith.constant 1.000000e+00 : f32
    %add3A_23 = vector.broadcast %add3A_22 : f32 to vector<256x1xf32>
    %add3A_24 = arith.addf %slice3A_21, %add3A_23 : vector<256x1xf32>
    %rsqrt3A_25 = math.rsqrt %add3A_24 : vector<256x1xf32>
    %mul3A_26 = vector.broadcast %rsqrt3A_25 : vector<256x1xf32> to vector<256x128xf32>
    %mul3A_27 = arith.mulf %get3A_4, %mul3A_26 : vector<256x128xf32>
    %swap3A_28 = arith.constant 1 : index
    %swap3A_29 = arith.constant 0 : index
    %swap3A_30 = arith.constant 0 : index
    %swap3A_31 = vector.load %arg3[%swap3A_28, %swap3A_29, %swap3A_30] : memref<3x256x128xf32, #tpu.memory_space<vmem>>, vector<1x256x128xf32>
    %swap3A_32 = vector.shape_cast %swap3A_31 : vector<1x256x128xf32> to vector<256x128xf32>
    %swap3A_33 = vector.shape_cast %mul3A_27 : vector<256x128xf32> to vector<1x256x128xf32>
    tpu.vector_store %arg3[%swap3A_28, %swap3A_29, %swap3A_30], %swap3A_33 {strides = array<i32>} : memref<3x256x128xf32, #tpu.memory_space<vmem>>, vector<1x256x128xf32>,
    %slice3A_34 = vector.extract_strided_slice %get3A_1 {offsets = [0, 3], sizes = [256, 1], strides = [1, 1]} : vector<256x6xf32> to vector<256x1xf32>
    %add3A_35 = arith.constant 1.000000e+00 : f32
    %add3A_36 = vector.broadcast %add3A_35 : f32 to vector<256x1xf32>
    %add3A_37 = arith.addf %slice3A_34, %add3A_36 : vector<256x1xf32>
    %rsqrt3A_38 = math.rsqrt %add3A_37 : vector<256x1xf32>
    %swap3A_39 = arith.constant 0 : index
    %swap3A_40 = arith.constant 1 : index
    %swap3A_41 = vector.load %arg4[%swap3A_39, %swap3A_40] : memref<256x3xf32, #tpu.memory_space<vmem>>, vector<256x1xf32>
    tpu.vector_store %arg4[%swap3A_39, %swap3A_40], %rsqrt3A_38 {strides = array<i32>} : memref<256x3xf32, #tpu.memory_space<vmem>>, vector<256x1xf32>,
    %slice3A_42 = vector.extract_strided_slice %get3A_1 {offsets = [0, 4], sizes = [256, 1], strides = [1, 1]} : vector<256x6xf32> to vector<256x1xf32>
    %add3A_43 = arith.constant 1.000000e+00 : f32
    %add3A_44 = vector.broadcast %add3A_43 : f32 to vector<256x1xf32>
    %add3A_45 = arith.addf %slice3A_42, %add3A_44 : vector<256x1xf32>
    %rsqrt3A_46 = math.rsqrt %add3A_45 : vector<256x1xf32>
    %mul3A_47 = vector.broadcast %rsqrt3A_46 : vector<256x1xf32> to vector<256x128xf32>
    %mul3A_48 = arith.mulf %get3A_4, %mul3A_47 : vector<256x128xf32>
    %swap3A_49 = arith.constant 2 : index
    %swap3A_50 = arith.constant 0 : index
    %swap3A_51 = arith.constant 0 : index
    %swap3A_52 = vector.load %arg3[%swap3A_49, %swap3A_50, %swap3A_51] : memref<3x256x128xf32, #tpu.memory_space<vmem>>, vector<1x256x128xf32>
    %swap3A_53 = vector.shape_cast %swap3A_52 : vector<1x256x128xf32> to vector<256x128xf32>
    %swap3A_54 = vector.shape_cast %mul3A_48 : vector<256x128xf32> to vector<1x256x128xf32>
    tpu.vector_store %arg3[%swap3A_49, %swap3A_50, %swap3A_51], %swap3A_54 {strides = array<i32>} : memref<3x256x128xf32, #tpu.memory_space<vmem>>, vector<1x256x128xf32>,
    %slice3A_55 = vector.extract_strided_slice %get3A_1 {offsets = [0, 5], sizes = [256, 1], strides = [1, 1]} : vector<256x6xf32> to vector<256x1xf32>
    %add3A_56 = arith.constant 1.000000e+00 : f32
    %add3A_57 = vector.broadcast %add3A_56 : f32 to vector<256x1xf32>
    %add3A_58 = arith.addf %slice3A_55, %add3A_57 : vector<256x1xf32>
    %rsqrt3A_59 = math.rsqrt %add3A_58 : vector<256x1xf32>
    %swap3A_60 = arith.constant 0 : index
    %swap3A_61 = arith.constant 2 : index
    %swap3A_62 = vector.load %arg4[%swap3A_60, %swap3A_61] : memref<256x3xf32, #tpu.memory_space<vmem>>, vector<256x1xf32>
    tpu.vector_store %arg4[%swap3A_60, %swap3A_61], %rsqrt3A_59 {strides = array<i32>} : memref<256x3xf32, #tpu.memory_space<vmem>>, vector<256x1xf32>,
    %slice3A_63 = vector.extract_strided_slice %get3A_1 {offsets = [0, 0], sizes = [256, 1], strides = [1, 1]} : vector<256x6xf32> to vector<256x1xf32>
    %slice3A_64 = vector.extract_strided_slice %get3A_1 {offsets = [0, 2], sizes = [256, 1], strides = [1, 1]} : vector<256x6xf32> to vector<256x1xf32>
    %add3A_65 = arith.addf %slice3A_63, %slice3A_64 : vector<256x1xf32>
    %slice3A_66 = vector.extract_strided_slice %get3A_1 {offsets = [0, 4], sizes = [256, 1], strides = [1, 1]} : vector<256x6xf32> to vector<256x1xf32>
    %add3A_67 = arith.addf %add3A_65, %slice3A_66 : vector<256x1xf32>
    %add3A_68 = arith.constant 1.000000e+00 : f32
    %add3A_69 = vector.broadcast %add3A_68 : f32 to vector<256x1xf32>
    %add3A_70 = arith.addf %add3A_67, %add3A_69 : vector<256x1xf32>
    %rsqrt3A_71 = math.rsqrt %add3A_70 : vector<256x1xf32>
    %swap3A_72 = arith.constant 0 : index
    %swap3A_73 = arith.constant 0 : index
    %swap3A_74 = vector.load %arg5[%swap3A_72, %swap3A_73] : memref<256x1xf32, #tpu.memory_space<vmem>>, vector<256x1xf32>
    tpu.vector_store %arg5[%swap3A_72, %swap3A_73], %rsqrt3A_71 {strides = array<i32>} : memref<256x1xf32, #tpu.memory_space<vmem>>, vector<256x1xf32>,
    %slice3A_75 = vector.extract_strided_slice %get3A_1 {offsets = [0, 1], sizes = [256, 1], strides = [1, 1]} : vector<256x6xf32> to vector<256x1xf32>
    %slice3A_76 = vector.extract_strided_slice %get3A_1 {offsets = [0, 3], sizes = [256, 1], strides = [1, 1]} : vector<256x6xf32> to vector<256x1xf32>
    %add3A_77 = arith.addf %slice3A_75, %slice3A_76 : vector<256x1xf32>
    %slice3A_78 = vector.extract_strided_slice %get3A_1 {offsets = [0, 5], sizes = [256, 1], strides = [1, 1]} : vector<256x6xf32> to vector<256x1xf32>
    %add3A_79 = arith.addf %add3A_77, %slice3A_78 : vector<256x1xf32>
    %add3A_80 = arith.constant 1.000000e+00 : f32
    %add3A_81 = vector.broadcast %add3A_80 : f32 to vector<256x1xf32>
    %add3A_82 = arith.addf %add3A_79, %add3A_81 : vector<256x1xf32>
    %rsqrt3A_83 = math.rsqrt %add3A_82 : vector<256x1xf32>
    %swap3A_84 = arith.constant 0 : index
    %swap3A_85 = arith.constant 0 : index
    %swap3A_86 = vector.load %arg6[%swap3A_84, %swap3A_85] : memref<256x1xf32, #tpu.memory_space<vmem>>, vector<256x1xf32>
    tpu.vector_store %arg6[%swap3A_84, %swap3A_85], %rsqrt3A_83 {strides = array<i32>} : memref<256x1xf32, #tpu.memory_space<vmem>>, vector<256x1xf32>,
    return
  }
  func.func @transform_0(%arg0: i32) -> (i32, i32) {
    %c0_i32 = arith.constant 0 : i32
    %c0_i32_0 = arith.constant 0 : i32
    return %arg0, %c0_i32 : i32, i32
  }
  func.func @transform_1(%arg0: i32) -> (i32, i32) {
    %c0_i32 = arith.constant 0 : i32
    %c0_i32_0 = arith.constant 0 : i32
    return %arg0, %c0_i32 : i32, i32
  }
  func.func @transform_2(%arg0: i32) -> (i32, i32, i32) {
    %c0_i32 = arith.constant 0 : i32
    %c0_i32_0 = arith.constant 0 : i32
    %c0_i32_1 = arith.constant 0 : i32
    return %c0_i32, %arg0, %c0_i32_0 : i32, i32, i32
  }
  func.func @transform_3(%arg0: i32) -> (i32, i32) {
    %c0_i32 = arith.constant 0 : i32
    %c0_i32_0 = arith.constant 0 : i32
    return %arg0, %c0_i32 : i32, i32
  }
  func.func @transform_4(%arg0: i32) -> (i32, i32) {
    %c0_i32 = arith.constant 0 : i32
    %c0_i32_0 = arith.constant 0 : i32
    return %arg0, %c0_i32 : i32, i32
  }
  func.func @transform_5(%arg0: i32) -> (i32, i32) {
    %c0_i32 = arith.constant 0 : i32
    %c0_i32_0 = arith.constant 0 : i32
    return %arg0, %c0_i32 : i32, i32
  }
}

module attributes {stable_mosaic.version = 14 : i64} {
  func.func @_mm_body(%arg0: i32, %arg1: memref<3x2x256x128xf32, #tpu.memory_space<vmem>>, %arg2: memref<3x256x128xf32, #tpu.memory_space<vmem>>, %arg3: memref<256x3xf32, #tpu.memory_space<vmem>>, %arg4: memref<256x1xf32, #tpu.memory_space<vmem>>, %arg5: memref<3x128x256xf32, #tpu.memory_space<vmem>>, %arg6: memref<1x256xf32, #tpu.memory_space<vmem>>, %arg7: memref<256x16xf32, #tpu.memory_space<vmem>>, %arg8: memref<256x16xf32, #tpu.memory_space<vmem>>) attributes {dimension_semantics = [#tpu.dimension_semantics<arbitrary>], iteration_bounds = array<i64: 40>, scalar_prefetch = 0 : i64, scratch_operands = 0 : i64, tpu.core_type = #tpu.core_type<tc>, window_params = [{transform_indices = @transform_0, window_bounds = array<i64: 3, 2, 256, 128>}, {transform_indices = @transform_1, window_bounds = array<i64: 3, 256, 128>}, {transform_indices = @transform_2, window_bounds = array<i64: 256, 3>}, {transform_indices = @transform_3, window_bounds = array<i64: 256, 1>}, {pipeline_mode = #tpu.pipeline_mode<synchronous>, transform_indices = @transform_4, window_bounds = array<i64: 3, 128, 256>}, {pipeline_mode = #tpu.pipeline_mode<synchronous>, transform_indices = @transform_5, window_bounds = array<i64: 1, 256>}, {pipeline_mode = #tpu.pipeline_mode<synchronous>, transform_indices = @transform_6, window_bounds = array<i64: 256, 16>}, {transform_indices = @transform_7, window_bounds = array<i64: 256, 16>}]} {
    %broadcast_in_dim3A = arith.constant 0.000000e+00 : f32
    %broadcast_in_dim3A_0 = vector.broadcast %broadcast_in_dim3A : f32 to vector<256x256xf32>
    %get3A = arith.constant 0 : index
    %get3A_1 = arith.constant 0 : index
    %get3A_2 = arith.constant 0 : index
    %get3A_3 = arith.constant 0 : index
    %get3A_4 = vector.load %arg1[%get3A, %get3A_1, %get3A_2, %get3A_3] : memref<3x2x256x128xf32, #tpu.memory_space<vmem>>, vector<1x1x256x128xf32>
    %get3A_5 = vector.shape_cast %get3A_4 : vector<1x1x256x128xf32> to vector<256x128xf32>
    %get3A_6 = arith.constant 0 : index
    %get3A_7 = arith.constant 1 : index
    %get3A_8 = arith.constant 0 : index
    %get3A_9 = arith.constant 0 : index
    %get3A_10 = vector.load %arg1[%get3A_6, %get3A_7, %get3A_8, %get3A_9] : memref<3x2x256x128xf32, #tpu.memory_space<vmem>>, vector<1x1x256x128xf32>
    %get3A_11 = vector.shape_cast %get3A_10 : vector<1x1x256x128xf32> to vector<256x128xf32>
    %add3A = arith.addf %get3A_5, %get3A_11 : vector<256x128xf32>
    %get3A_12 = arith.constant 0 : index
    %get3A_13 = arith.constant 0 : index
    %get3A_14 = arith.constant 0 : index
    %get3A_15 = vector.load %arg2[%get3A_12, %get3A_13, %get3A_14] : memref<3x256x128xf32, #tpu.memory_space<vmem>>, vector<1x256x128xf32>
    %get3A_16 = vector.shape_cast %get3A_15 : vector<1x256x128xf32> to vector<256x128xf32>
    %add3A_17 = arith.addf %add3A, %get3A_16 : vector<256x128xf32>
    %get3A_18 = arith.constant 0 : index
    %get3A_19 = arith.constant 0 : index
    %get3A_20 = vector.load %arg3[%get3A_18, %get3A_19] : memref<256x3xf32, #tpu.memory_space<vmem>>, vector<256x1xf32>
    %mul3A = vector.broadcast %get3A_20 : vector<256x1xf32> to vector<256x128xf32>
    %mul3A_21 = arith.mulf %add3A_17, %mul3A : vector<256x128xf32>
    %get3A_22 = arith.constant 0 : index
    %get3A_23 = arith.constant 0 : index
    %get3A_24 = arith.constant 0 : index
    %get3A_25 = vector.load %arg5[%get3A_22, %get3A_23, %get3A_24] : memref<3x128x256xf32, #tpu.memory_space<vmem>>, vector<1x128x256xf32>
    %get3A_26 = vector.shape_cast %get3A_25 : vector<1x128x256xf32> to vector<128x256xf32>
    %dot_general3A = arith.constant dense<0.000000e+00> : vector<256x256xf32>
    %dot_general3A_27 = tpu.matmul %mul3A_21, %get3A_26, %dot_general3A {dimension_numbers = #tpu.dot_dimension_numbers<[1], [0], [0], [1], [0, 0, 1, 1], [], []>, transpose_lhs_hint = false} : vector<256x128xf32>, vector<128x256xf32>, vector<256x256xf32> -> vector<256x256xf32>
    %add3A_28 = arith.addf %broadcast_in_dim3A_0, %dot_general3A_27 : vector<256x256xf32>
    %get3A_29 = arith.constant 1 : index
    %get3A_30 = arith.constant 0 : index
    %get3A_31 = arith.constant 0 : index
    %get3A_32 = arith.constant 0 : index
    %get3A_33 = vector.load %arg1[%get3A_29, %get3A_30, %get3A_31, %get3A_32] : memref<3x2x256x128xf32, #tpu.memory_space<vmem>>, vector<1x1x256x128xf32>
    %get3A_34 = vector.shape_cast %get3A_33 : vector<1x1x256x128xf32> to vector<256x128xf32>
    %get3A_35 = arith.constant 1 : index
    %get3A_36 = arith.constant 1 : index
    %get3A_37 = arith.constant 0 : index
    %get3A_38 = arith.constant 0 : index
    %get3A_39 = vector.load %arg1[%get3A_35, %get3A_36, %get3A_37, %get3A_38] : memref<3x2x256x128xf32, #tpu.memory_space<vmem>>, vector<1x1x256x128xf32>
    %get3A_40 = vector.shape_cast %get3A_39 : vector<1x1x256x128xf32> to vector<256x128xf32>
    %add3A_41 = arith.addf %get3A_34, %get3A_40 : vector<256x128xf32>
    %get3A_42 = arith.constant 1 : index
    %get3A_43 = arith.constant 0 : index
    %get3A_44 = arith.constant 0 : index
    %get3A_45 = vector.load %arg2[%get3A_42, %get3A_43, %get3A_44] : memref<3x256x128xf32, #tpu.memory_space<vmem>>, vector<1x256x128xf32>
    %get3A_46 = vector.shape_cast %get3A_45 : vector<1x256x128xf32> to vector<256x128xf32>
    %add3A_47 = arith.addf %add3A_41, %get3A_46 : vector<256x128xf32>
    %get3A_48 = arith.constant 0 : index
    %get3A_49 = arith.constant 1 : index
    %get3A_50 = vector.load %arg3[%get3A_48, %get3A_49] : memref<256x3xf32, #tpu.memory_space<vmem>>, vector<256x1xf32>
    %mul3A_51 = vector.broadcast %get3A_50 : vector<256x1xf32> to vector<256x128xf32>
    %mul3A_52 = arith.mulf %add3A_47, %mul3A_51 : vector<256x128xf32>
    %get3A_53 = arith.constant 1 : index
    %get3A_54 = arith.constant 0 : index
    %get3A_55 = arith.constant 0 : index
    %get3A_56 = vector.load %arg5[%get3A_53, %get3A_54, %get3A_55] : memref<3x128x256xf32, #tpu.memory_space<vmem>>, vector<1x128x256xf32>
    %get3A_57 = vector.shape_cast %get3A_56 : vector<1x128x256xf32> to vector<128x256xf32>
    %dot_general3A_58 = arith.constant dense<0.000000e+00> : vector<256x256xf32>
    %dot_general3A_59 = tpu.matmul %mul3A_52, %get3A_57, %dot_general3A_58 {dimension_numbers = #tpu.dot_dimension_numbers<[1], [0], [0], [1], [0, 0, 1, 1], [], []>, transpose_lhs_hint = false} : vector<256x128xf32>, vector<128x256xf32>, vector<256x256xf32> -> vector<256x256xf32>
    %add3A_60 = arith.addf %add3A_28, %dot_general3A_59 : vector<256x256xf32>
    %get3A_61 = arith.constant 2 : index
    %get3A_62 = arith.constant 0 : index
    %get3A_63 = arith.constant 0 : index
    %get3A_64 = arith.constant 0 : index
    %get3A_65 = vector.load %arg1[%get3A_61, %get3A_62, %get3A_63, %get3A_64] : memref<3x2x256x128xf32, #tpu.memory_space<vmem>>, vector<1x1x256x128xf32>
    %get3A_66 = vector.shape_cast %get3A_65 : vector<1x1x256x128xf32> to vector<256x128xf32>
    %get3A_67 = arith.constant 2 : index
    %get3A_68 = arith.constant 1 : index
    %get3A_69 = arith.constant 0 : index
    %get3A_70 = arith.constant 0 : index
    %get3A_71 = vector.load %arg1[%get3A_67, %get3A_68, %get3A_69, %get3A_70] : memref<3x2x256x128xf32, #tpu.memory_space<vmem>>, vector<1x1x256x128xf32>
    %get3A_72 = vector.shape_cast %get3A_71 : vector<1x1x256x128xf32> to vector<256x128xf32>
    %add3A_73 = arith.addf %get3A_66, %get3A_72 : vector<256x128xf32>
    %get3A_74 = arith.constant 2 : index
    %get3A_75 = arith.constant 0 : index
    %get3A_76 = arith.constant 0 : index
    %get3A_77 = vector.load %arg2[%get3A_74, %get3A_75, %get3A_76] : memref<3x256x128xf32, #tpu.memory_space<vmem>>, vector<1x256x128xf32>
    %get3A_78 = vector.shape_cast %get3A_77 : vector<1x256x128xf32> to vector<256x128xf32>
    %add3A_79 = arith.addf %add3A_73, %get3A_78 : vector<256x128xf32>
    %get3A_80 = arith.constant 0 : index
    %get3A_81 = arith.constant 2 : index
    %get3A_82 = vector.load %arg3[%get3A_80, %get3A_81] : memref<256x3xf32, #tpu.memory_space<vmem>>, vector<256x1xf32>
    %mul3A_83 = vector.broadcast %get3A_82 : vector<256x1xf32> to vector<256x128xf32>
    %mul3A_84 = arith.mulf %add3A_79, %mul3A_83 : vector<256x128xf32>
    %get3A_85 = arith.constant 2 : index
    %get3A_86 = arith.constant 0 : index
    %get3A_87 = arith.constant 0 : index
    %get3A_88 = vector.load %arg5[%get3A_85, %get3A_86, %get3A_87] : memref<3x128x256xf32, #tpu.memory_space<vmem>>, vector<1x128x256xf32>
    %get3A_89 = vector.shape_cast %get3A_88 : vector<1x128x256xf32> to vector<128x256xf32>
    %dot_general3A_90 = arith.constant dense<0.000000e+00> : vector<256x256xf32>
    %dot_general3A_91 = tpu.matmul %mul3A_84, %get3A_89, %dot_general3A_90 {dimension_numbers = #tpu.dot_dimension_numbers<[1], [0], [0], [1], [0, 0, 1, 1], [], []>, transpose_lhs_hint = false} : vector<256x128xf32>, vector<128x256xf32>, vector<256x256xf32> -> vector<256x256xf32>
    %add3A_92 = arith.addf %add3A_60, %dot_general3A_91 : vector<256x256xf32>
    %mul3A_93 = arith.constant 0.333333343 : f32
    %mul3A_94 = vector.broadcast %mul3A_93 : f32 to vector<256x256xf32>
    %mul3A_95 = arith.mulf %add3A_92, %mul3A_94 : vector<256x256xf32>
    %get3A_96 = arith.constant 0 : index
    %get3A_97 = arith.constant 0 : index
    %get3A_98 = vector.load %arg6[%get3A_96, %get3A_97] : memref<1x256xf32, #tpu.memory_space<vmem>>, vector<1x256xf32>
    %add3A_99 = vector.broadcast %get3A_98 : vector<1x256xf32> to vector<256x256xf32>
    %add3A_100 = arith.addf %mul3A_95, %add3A_99 : vector<256x256xf32>
    %max3A = arith.constant 0.000000e+00 : f32
    %max3A_101 = vector.broadcast %max3A : f32 to vector<256x256xf32>
    %max3A_102 = arith.maximumf %add3A_100, %max3A_101 : vector<256x256xf32>
    %get3A_103 = arith.constant 0 : index
    %get3A_104 = arith.constant 0 : index
    %get3A_105 = vector.load %arg7[%get3A_103, %get3A_104] : memref<256x16xf32, #tpu.memory_space<vmem>>, vector<256x16xf32>
    %dot_general3A_106 = arith.constant dense<0.000000e+00> : vector<256x16xf32>
    %dot_general3A_107 = tpu.matmul %max3A_102, %get3A_105, %dot_general3A_106 {dimension_numbers = #tpu.dot_dimension_numbers<[1], [0], [0], [1], [0, 0, 1, 1], [], []>, transpose_lhs_hint = false} : vector<256x256xf32>, vector<256x16xf32>, vector<256x16xf32> -> vector<256x16xf32>
    %get3A_108 = arith.constant 0 : index
    %get3A_109 = arith.constant 0 : index
    %get3A_110 = vector.load %arg4[%get3A_108, %get3A_109] : memref<256x1xf32, #tpu.memory_space<vmem>>, vector<256x1xf32>
    %mul3A_111 = vector.broadcast %get3A_110 : vector<256x1xf32> to vector<256x16xf32>
    %mul3A_112 = arith.mulf %dot_general3A_107, %mul3A_111 : vector<256x16xf32>
    %swap3A = arith.constant 0 : index
    %swap3A_113 = arith.constant 0 : index
    %swap3A_114 = vector.load %arg8[%swap3A, %swap3A_113] : memref<256x16xf32, #tpu.memory_space<vmem>>, vector<256x16xf32>
    tpu.vector_store %arg8[%swap3A, %swap3A_113], %mul3A_112 {strides = array<i32>} : memref<256x16xf32, #tpu.memory_space<vmem>>, vector<256x16xf32>,
    return
  }
  func.func @transform_0(%arg0: i32) -> (i32, i32, i32, i32) {
    %c0_i32 = arith.constant 0 : i32
    %c0_i32_0 = arith.constant 0 : i32
    %c0_i32_1 = arith.constant 0 : i32
    %c0_i32_2 = arith.constant 0 : i32
    return %c0_i32, %c0_i32_0, %arg0, %c0_i32_1 : i32, i32, i32, i32
  }
  func.func @transform_1(%arg0: i32) -> (i32, i32, i32) {
    %c0_i32 = arith.constant 0 : i32
    %c0_i32_0 = arith.constant 0 : i32
    %c0_i32_1 = arith.constant 0 : i32
    return %c0_i32, %arg0, %c0_i32_0 : i32, i32, i32
  }
  func.func @transform_2(%arg0: i32) -> (i32, i32) {
    %c0_i32 = arith.constant 0 : i32
    %c0_i32_0 = arith.constant 0 : i32
    return %arg0, %c0_i32 : i32, i32
  }
  func.func @transform_3(%arg0: i32) -> (i32, i32) {
    %c0_i32 = arith.constant 0 : i32
    %c0_i32_0 = arith.constant 0 : i32
    return %arg0, %c0_i32 : i32, i32
  }
  func.func @transform_4(%arg0: i32) -> (i32, i32, i32) {
    %c0_i32 = arith.constant 0 : i32
    %c0_i32_0 = arith.constant 0 : i32
    %c0_i32_1 = arith.constant 0 : i32
    %c0_i32_2 = arith.constant 0 : i32
    return %c0_i32, %c0_i32_0, %c0_i32_1 : i32, i32, i32
  }
  func.func @transform_5(%arg0: i32) -> (i32, i32) {
    %c0_i32 = arith.constant 0 : i32
    %c0_i32_0 = arith.constant 0 : i32
    %c0_i32_1 = arith.constant 0 : i32
    return %c0_i32, %c0_i32_0 : i32, i32
  }
  func.func @transform_6(%arg0: i32) -> (i32, i32) {
    %c0_i32 = arith.constant 0 : i32
    %c0_i32_0 = arith.constant 0 : i32
    %c0_i32_1 = arith.constant 0 : i32
    return %c0_i32, %c0_i32_0 : i32, i32
  }
  func.func @transform_7(%arg0: i32) -> (i32, i32) {
    %c0_i32 = arith.constant 0 : i32
    %c0_i32_0 = arith.constant 0 : i32
    return %arg0, %c0_i32 : i32, i32
  }
}

module attributes {stable_mosaic.version = 14 : i64} {
  func.func @_final_body(%arg0: i32, %arg1: memref<2x256x16xf32, #tpu.memory_space<vmem>>, %arg2: memref<256x16xf32, #tpu.memory_space<vmem>>, %arg3: memref<256x1xf32, #tpu.memory_space<vmem>>, %arg4: memref<1x16xf32, #tpu.memory_space<vmem>>, %arg5: memref<256x16xf32, #tpu.memory_space<vmem>>) attributes {dimension_semantics = [#tpu.dimension_semantics<arbitrary>], iteration_bounds = array<i64: 40>, scalar_prefetch = 0 : i64, scratch_operands = 0 : i64, tpu.core_type = #tpu.core_type<tc>, window_params = [{transform_indices = @transform_0, window_bounds = array<i64: 2, 256, 16>}, {transform_indices = @transform_1, window_bounds = array<i64: 256, 16>}, {transform_indices = @transform_2, window_bounds = array<i64: 256, 1>}, {pipeline_mode = #tpu.pipeline_mode<synchronous>, transform_indices = @transform_3, window_bounds = array<i64: 1, 16>}, {transform_indices = @transform_4, window_bounds = array<i64: 256, 16>}]} {
    %get3A = arith.constant 0 : index
    %get3A_0 = arith.constant 0 : index
    %get3A_1 = arith.constant 0 : index
    %get3A_2 = vector.load %arg1[%get3A, %get3A_0, %get3A_1] : memref<2x256x16xf32, #tpu.memory_space<vmem>>, vector<1x256x16xf32>
    %get3A_3 = vector.shape_cast %get3A_2 : vector<1x256x16xf32> to vector<256x16xf32>
    %get3A_4 = arith.constant 1 : index
    %get3A_5 = arith.constant 0 : index
    %get3A_6 = arith.constant 0 : index
    %get3A_7 = vector.load %arg1[%get3A_4, %get3A_5, %get3A_6] : memref<2x256x16xf32, #tpu.memory_space<vmem>>, vector<1x256x16xf32>
    %get3A_8 = vector.shape_cast %get3A_7 : vector<1x256x16xf32> to vector<256x16xf32>
    %add3A = arith.addf %get3A_3, %get3A_8 : vector<256x16xf32>
    %get3A_9 = arith.constant 0 : index
    %get3A_10 = arith.constant 0 : index
    %get3A_11 = vector.load %arg2[%get3A_9, %get3A_10] : memref<256x16xf32, #tpu.memory_space<vmem>>, vector<256x16xf32>
    %add3A_12 = arith.addf %add3A, %get3A_11 : vector<256x16xf32>
    %get3A_13 = arith.constant 0 : index
    %get3A_14 = arith.constant 0 : index
    %get3A_15 = vector.load %arg3[%get3A_13, %get3A_14] : memref<256x1xf32, #tpu.memory_space<vmem>>, vector<256x1xf32>
    %mul3A = vector.broadcast %get3A_15 : vector<256x1xf32> to vector<256x16xf32>
    %mul3A_16 = arith.mulf %add3A_12, %mul3A : vector<256x16xf32>
    %get3A_17 = arith.constant 0 : index
    %get3A_18 = arith.constant 0 : index
    %get3A_19 = vector.load %arg4[%get3A_17, %get3A_18] : memref<1x16xf32, #tpu.memory_space<vmem>>, vector<1x16xf32>
    %add3A_20 = vector.broadcast %get3A_19 : vector<1x16xf32> to vector<256x16xf32>
    %add3A_21 = arith.addf %mul3A_16, %add3A_20 : vector<256x16xf32>
    %swap3A = arith.constant 0 : index
    %swap3A_22 = arith.constant 0 : index
    %swap3A_23 = vector.load %arg5[%swap3A, %swap3A_22] : memref<256x16xf32, #tpu.memory_space<vmem>>, vector<256x16xf32>
    tpu.vector_store %arg5[%swap3A, %swap3A_22], %add3A_21 {strides = array<i32>} : memref<256x16xf32, #tpu.memory_space<vmem>>, vector<256x16xf32>,
    return
  }
  func.func @transform_0(%arg0: i32) -> (i32, i32, i32) {
    %c0_i32 = arith.constant 0 : i32
    %c0_i32_0 = arith.constant 0 : i32
    %c0_i32_1 = arith.constant 0 : i32
    return %c0_i32, %arg0, %c0_i32_0 : i32, i32, i32
  }
  func.func @transform_1(%arg0: i32) -> (i32, i32) {
    %c0_i32 = arith.constant 0 : i32
    %c0_i32_0 = arith.constant 0 : i32
    return %arg0, %c0_i32 : i32, i32
  }
  func.func @transform_2(%arg0: i32) -> (i32, i32) {
    %c0_i32 = arith.constant 0 : i32
    %c0_i32_0 = arith.constant 0 : i32
    return %arg0, %c0_i32 : i32, i32
  }
  func.func @transform_3(%arg0: i32) -> (i32, i32) {
    %c0_i32 = arith.constant 0 : i32
    %c0_i32_0 = arith.constant 0 : i32
    %c0_i32_1 = arith.constant 0 : i32
    return %c0_i32, %c0_i32_0 : i32, i32
  }
  func.func @transform_4(%arg0: i32) -> (i32, i32) {
    %c0_i32 = arith.constant 0 : i32
    %c0_i32_0 = arith.constant 0 : i32
    return %arg0, %c0_i32 : i32, i32
  }
}

</mosaic_0001>

<sc_bundles>
// kernel: kernel.11.cloned.1.call-start
scs
__scs_entry_jumppad:
0x0: {  	(pc) =	sbr.rel $0x88, $3  }
0x1: {  	(tag) =	ssettag $0x0;
	lr =	simm.s32 $0x1  }
0x2: {  	[smem:$0x3F95] =	sst lr;
	_ =	strace $0xD0000000  }
0x3: {  	_ = 	snop  }
0x4: {  	_ = 	snop  }
0x5: {  	_ = 	snop  }
0x6: {  	_ = 	snop  }
0x7: {  	_ = 	snop  }
__scs_overlays_trampoline_lowered:
0x8: {  	[smem:$0x3FA4] =	sst s0  }
0x9: {  	[smem:$0x3FA5] =	sst s1  }
0xa: {  	[smem:$0x3FA6] =	sst s2  }
0xb: {  	[smem:$0x3FA7] =	sst s3  }
0xc: {  	[smem:$0x3FA8] =	sst s4  }
0xd: {  	[smem:$0x3FA9] =	sst s5  }
0xe: {  	[smem:$0x3FAA] =	sst s6  }
0xf: {  	[smem:$0x3FAB] =	sst s7  }
0x10: {  	[smem:$0x3FAC] =	sst s8  }
0x11: {  	[smem:$0x3FAD] =	sst s9;
	s0 =	simm.s32 @!p0 $0x0  }
0x12: {  	s1 =	sld [smem:$0x3F93];
	s0 =	simm.s32 @p0 $0x1  }
0x13: {  	[smem:$0x3FAE] =	sst s0;
	s0 =	simm.s32 @!p1 $0x0  }
0x14: {  	s2 =	sld [smem:$0x3F92];
	s0 =	simm.s32 @p1 $0x1  }
0x15: {  	[smem:$0x3FAF] =	sst s0;
	s0 =	simm.s32 @!p2 $0x0  }
0x16: {  	s3 =	sld [smem:$0x3FDB];
	s0 =	simm.s32 @p2 $0x1  }
0x17: {  	s4 =	simm.s32 $0x1BF5;
	[smem:$0x3FB1] =	sst s0  }
0x18: {  	s0 =	sld [smem:$0x3F94];
	_ =	swait.ge [sflag:s4], $0x0  }
0x19: {  	s7 =	sld [smem:$0x3F95]  }
0x1a: {  	s8 =	sadd.s32 $0xFFFFE003, lr  }
0x1b: {  	s9 =	sadd.s32 $0xFFFFFEF7, lr;
	s5 =	simm.s32 $0xFFFFFFFF;
	p2 =	slt.u32 s8, $0xFFFFF086  }
0x1c: {  	p1 =	slt.u32 s9, $0xF7A;
	s5 =	simm.s32 @!p2 $0x0  }
0x1d: {  	s5 =	simm.s32 @p1 $0x1;
	p0 =	seq.s32 s7, s2  }
0x1e: {  	s7 =	smul.u32 @!p0 $0xF7A, s2;
	p2 =	seq.s32 @!p0 s5, $0x0  }
0x1f: {  	s9 =	smul.u32 $0xF7A, s1;
	s8 =	simm.s32 @!p0 $0x1BF5;
	p2 =	por !p2, p0  }
0x20: {  	[sflag:s8] =	ssyncset.s32 @!p0 $0xFFFFF086;
	s6 =	sadd.s32 @!p0 s3, s7;
	s7 =	simm.s32 @!p0 $0x108  }
0x21: {  	s3 =	sadd.s32 s3, s9;
	s6 =	sadd.s32 @!p0 $0x88, s6;
	s7 =	simm.s32 @p2 $0x1082  }
0x22: {  	[simem:s7], [sflag:s8] =	dma.local @!p0 [hbm:s6], $0xF7A  }
0x23: {  	s9 =	sor.u32 $0xD0000000, s2;
	s6 =	simm.s32 $0x108;
	_ =	swait.ge @!p0 [sflag:s8], $0x0  }
0x24: {  	s3 =	sadd.s32 $0x88, s3;
	s6 =	simm.s32 @!p1 $0x1082;
	[sflag:s4] =	ssyncset.s32 $0xFFFFF086  }
0x25: {  	[simem:s6], [sflag:s4] =	dma.local [hbm:s3], $0xF7A  }
0x26: {  	[smem:$0x3F95] =	sst s1;
	(tag) =	ssettag s2;
	_ =	strace s9  }
0x27: {  	s1 =	sld [smem:$0x3FA5]  }
0x28: {  	s2 =	sld [smem:$0x3FA6]  }
0x29: {  	s4 =	sld [smem:$0x3FA8]  }
0x2a: {  	p0 =	seq.s32 s5, $0x0;
	s5 =	sld [smem:$0x3FA9]  }
0x2b: {  	s6 =	sld [smem:$0x3FAA]  }
0x2c: {  	s7 =	sld [smem:$0x3FAB]  }
0x2d: {  	s3 =	simm.s32 $0x108;
	s8 =	sld [smem:$0x3FAC]  }
0x2e: {  	s3 =	simm.s32 @!p0 $0x1082;
	s9 =	sld [smem:$0x3FAD]  }
0x2f: {  	lr =	sadd.s32 s0, s3;
	s0 =	sld [smem:$0x3FA4]  }
0x30: {  	s3 =	sld [smem:$0x3FA7]  }
0x31: {  	[smem:$0x3FB0] =	sst s10  }
0x32: {  	s10 =	sld [smem:$0x3FAE];
	_ =	sdelay $0x3  }
0x33: {  	p0 =	seq.s32 s10, $0x1;
	s10 =	sld [smem:$0x3FB0];
	_ =	sdelay $0x3  }
0x34: {  	[smem:$0x3FB0] =	sst s10  }
0x35: {  	s10 =	sld [smem:$0x3FAF];
	_ =	sdelay $0x3  }
0x36: {  	p1 =	seq.s32 s10, $0x1;
	s10 =	sld [smem:$0x3FB0];
	_ =	sdelay $0x3  }
0x37: {  	[smem:$0x3FB0] =	sst s10  }
0x38: {  	s10 =	sld [smem:$0x3FB1]  }
0x39: {  	_ = 	snop;
	(pc) =	sbr.ind lr, $3  }
0x3a: {  	_ = 	snop  }
0x3b: {  	_ = 	snop  }
0x3c: {  	p2 =	seq.s32 s10, $0x1;
	s10 =	sld [smem:$0x3FB0]  }
0x3d: {  	_ =	shalt  }
0x3e: {  	_ =	shalt  }
0x3f: {  	_ =	shalt  }
0x40: {  	_ =	shalt  }
0x41: {  	_ =	shalt  }
0x42: {  	_ =	shalt  }
0x43: {  	_ =	shalt  }
0x44: {  	_ =	shalt  }
0x45: {  	_ =	shalt  }
0x46: {  	_ =	shalt  }
0x47: {  	_ =	shalt  }
0x48: {  	_ =	shalt  }
0x49: {  	_ =	shalt  }
0x4a: {  	_ =	shalt  }
0x4b: {  	_ =	shalt  }
0x4c: {  	_ =	shalt  }
0x4d: {  	_ =	shalt  }
0x4e: {  	_ =	shalt  }
0x4f: {  	_ =	shalt  }
0x50: {  	_ =	shalt  }
0x51: {  	_ =	shalt  }
0x52: {  	_ =	shalt  }
0x53: {  	_ =	shalt  }
0x54: {  	_ =	shalt  }
0x55: {  	_ =	shalt  }
0x56: {  	_ =	shalt  }
0x57: {  	_ =	shalt  }
0x58: {  	_ =	shalt  }
0x59: {  	_ =	shalt  }
0x5a: {  	_ =	shalt  }
0x5b: {  	_ =	shalt  }
0x5c: {  	_ =	shalt  }
0x5d: {  	_ =	shalt  }
0x5e: {  	_ =	shalt  }
0x5f: {  	_ =	shalt  }
0x60: {  	_ =	shalt  }
0x61: {  	_ =	shalt  }
0x62: {  	_ =	shalt  }
0x63: {  	_ =	shalt  }
0x64: {  	_ =	shalt  }
0x65: {  	_ =	shalt  }
0x66: {  	_ =	shalt  }
0x67: {  	_ =	shalt  }
0x68: {  	_ =	shalt  }
0x69: {  	_ =	shalt  }
0x6a: {  	_ =	shalt  }
0x6b: {  	_ =	shalt  }
0x6c: {  	_ =	shalt  }
0x6d: {  	_ =	shalt  }
0x6e: {  	_ =	shalt  }
0x6f: {  	_ =	shalt  }
0x70: {  	_ =	shalt  }
0x71: {  	_ =	shalt  }
0x72: {  	_ =	shalt  }
0x73: {  	_ =	shalt  }
0x74: {  	_ =	shalt  }
0x75: {  	_ =	shalt  }
0x76: {  	_ =	shalt  }
0x77: {  	_ =	shalt  }
0x78: {  	_ =	shalt  }
0x79: {  	_ =	shalt  }
0x7a: {  	_ =	shalt  }
0x7b: {  	_ =	shalt  }
0x7c: {  	_ =	shalt  }
0x7d: {  	_ =	shalt  }
0x7e: {  	_ =	shalt  }
0x7f: {  	_ =	shalt  }
0x80: {  	_ =	shalt  }
0x81: {  	_ =	shalt  }
0x82: {  	_ =	shalt  }
0x83: {  	_ =	shalt  }
0x84: {  	_ =	shalt  }
0x85: {  	_ =	shalt  }
0x86: {  	_ =	shalt  }
0x87: {  	_ =	shalt  }
.Lfunc_end0:
.L_simem_size_0:
called_computation.1_lowered:
.L_overlay_start_0:
0x88: {  	s2 =	sld [smem:$0x3FD9]  }
0x89: {  	s3 =	sld [smem:$0x3FFE];
	_ =	sdelay $0x1  }
0x8a: {  	s1 =	srdreg.scid  }
0x8b: {  	s0 =	sand.u32 $0x1, s1  }
0x8c: {  	s16 =	sshll.u32 s0, $0xA;
	s2 =	sadd.s32 s3, s2  }
0x8d: {  	s2 =	sadd.s32 s2, s16  }
0x8e: {  	[smem:$0x3FBC] =	sst s2  }
0x8f: {  	_ = 	snop  }
0x90: {  	(tm) =	ssettm $0x1  }
0x91: {  	s17 =	sld [smem:$0x3FFB];
	_ =	sdelay $0x3  }
0x92: {  	_ =	strace s17  }
0x93: {  	s2 =	sld [smem:$0x3FFC];
	_ =	sdelay $0x3  }
0x94: {  	_ =	strace s2  }
0x95: {  	s2 =	sld [smem:$0x3FFD];
	_ =	sdelay $0x3  }
0x96: {  	_ =	strace s2  }
0x97: {  	_ =	strace $0x8FFFFFFF  }
0x98: {  	s18 =	sld [smem:$0x3FDB];
	_ =	sdelay $0x1  }
0x99: {  	s19 =	simm.s32 $_scs_section_size  }
0x9a: {  	s4 =	simm.s32 $_size__tile_overlayer_lowered;
	s5 =	simm.s32 $_tile_overlayer_lowered  }
0x9b: {  	s22 =	simm.s32 $0x1BFF;
	s21 =	sshll.u32 s5, $0x1;
	s2 =	sadd.s32 s19, s18  }
0x9c: {  	s6 =	simm.s32 $0x0;
	s20 =	sshll.u32 s4, $0x1;
	s4 =	sadd.s32 s21, s2  }
0x9d: {  	[timem:s6], [sflag:s22] =	dma.local [hbm:s4], s20  }
0x9e: {  	_ =	swait.ge [sflag:s22], s20  }
0x9f: {  	s3 =	ssub.s32 $0x0, s20;
	[sflag:s22] =	ssyncset.done $0x0  }
0xa0: {  	[sflag:s22] =	ssyncadd.s32 s3;
	_ =	sdelay $0x1  }
0xa1: {  	s23 =	simm.s32 $0x1B8B  }
0xa2: {  	_ =	swait.ge [sflag:s23], $0x1  }
0xa3: {  	[sflag:s23] =	ssyncset.done $0x0  }
0xa4: {  	s25 =	simm.s32 $0x1B8E;
	s24 =	sld [smem:$0x3FFE];
	[sflag:s23] =	ssyncadd.s32 $0xFFFFFFFF  }
0xa5: {  	s26 =	simm.s32 $execute0_lowered;
	[smem:$0x3FD2] =	sst s25  }
0xa6: {  	s4 =	sshll.u32 s26, $0x1;
	_ =	strace $0x80000049;
	[dreg:$0x1] =	wrdreg $0xFFFFFFFF  }
0xa7: {  	s28 =	simm.s32 $_size_execute0_lowered;
	s2 =	sadd.s32 s2, s4;
	[dreg:$0x0] =	wrdreg $0x0  }
0xa8: {  	s4 =	sshll.u32 s28, $0x1;
	[dreg:$0x2] =	wrdreg s2  }
0xa9: {  	[dreg:$0x3] =	wrdreg s4  }
0xaa: {  	[dreg:$0x4] =	wrdreg $0xC0  }
0xab: {  	_ =	task [dreg:s6], $0x5FFFF  }
0xac: {  	[dreg:$0x1] =	wrdreg $0xFFFFFFFF  }
0xad: {  	[dreg:$0x0] =	wrdreg $0x60  }
0xae: {  	[dreg:$0x2] =	wrdreg s24  }
0xaf: {  	[dreg:$0x3] =	wrdreg $0xA8000  }
0xb0: {  	[dreg:$0x4] =	wrdreg $0x9  }
0xb1: {  	_ =	task.clear_ibuf [dreg:s6], $0x5FFFF;
	_ =	strace $0x90000049  }
0xb2: {  	s29 =	simm.s32 $0x9;
	_ =	strace $0x8000004B  }
0xb3: {  	_ =	swait.ge [sflag:s29], $0x1  }
0xb4: {  	[sflag:s29] =	ssyncadd.s32 $0xFFFFFFFF  }
0xb5: {  	_ =	strace $0x9000004B  }
0xb6: {  	_ =	sfence  }
0xb7: {  	s30 =	sld [smem:$0x0];
	_ =	sdelay $0x2  }
0xb8: {  	s31 =	sshll.u32 s1, $0xD;
	s1 =	sshrl.u32 s1, $0x2  }
0xb9: {  	s3 =	sand.u32 $0x4000, s31;
	s1 =	sadd.s32 s1, s30  }
0xba: {  	s0 =	sor.u32 s3, s0;
	s1 =	sshll.u32 s1, $0x11  }
0xbb: {  	s0 =	sor.u32 s1, s0  }
0xbc: {  	s0 =	sadd.s32 $0x8F2B, s0  }
0xbd: {  	[sflag:s0] =	ssyncadd.remote.s32 $0x1  }
0xbe: {  	_ =	sfence.sel $0xFFFF  }
0xbf: {  	[dreg:$0x0] =	wrdreg $0xFFFFFFFF;
	(pc) =	sbr.abs _section_cstart, $3  }
0xc0: {  	[dreg:$0x1] =	wrdreg $0xFFFFFFFF  }
0xc1: {  	_ =	task.clear_ibuf [dreg:s6], $0x2FFFF;
	_ =	strace $0x9FFFFFFF  }
0xc2: {  	(tm) =	ssettm $0x7FFFFFFF  }
0xc3: {  	_ =	shalt  }
tec
execute0_lowered:
.L_overlay_start_1:
0x0: {  	(tag) =	ssettag $0x1  }
0x1: {  	s1 =	srdreg.scid  }
0x2: {  	s0 =	rddreg [dreg:$0x0];
	s4 =	sand.u32 $0x1, s1  }
0x3: {  	s15 =	stileid.u32;
	s31 =	simm.s32 $0x6800;
	s2 =	sshll.u32 s4, $0x4  }
0x4: {  	s1 =	simm.s32 $0x0;
	s5 =	sadd.s32 $0x47600, s0;
	s2 =	sor.u32 s15, s2  }
0x5: {  	s8 =	sadd.s32 $0x56600, s0;
	s6 =	ssub.s32 $0x2, s4;
	s7 =	smul.u32 $0x1400, s2  }
0x6: {  	s3 =	sadd.s32 $0xDD600, s0;
	[smem:$0x7FF] =	sst s1;
	s22 =	sshrl.u32 s6, $0x1  }
0x7: {  	s10 =	smul.u32 $0x140000, s4;
	s2 =	ssub.s32 s6, s22;
	s23 =	sshrl.u32 s7, $0x3  }
0x8: {  	s7 =	smul.u32 $0x14000, s15;
	s24 =	sadd.s32 s5, s23;
	s25 =	sadd.s32 $0x5000, s23  }
0x9: {  	s9 =	sadd.s32 s8, s23;
	s6 =	sadd.s32 $0xA000, s23;
	[dreg:$0x3] =	wrdreg s24  }
0xa: {  	[dreg:$0x4] =	wrdreg s9;
	s26 =	sadd.s32 s5, s25;
	s4 =	sadd.s32 s8, s25  }
0xb: {  	s11 =	sadd.s32 s10, s7;
	s5 =	sadd.s32 s5, s6;
	[dreg:$0x5] =	wrdreg s26  }
0xc: {  	s6 =	sadd.s32 s8, s6;
	s8 =	sadd.s32 $0x8000, s7;
	[dreg:$0x6] =	wrdreg s4  }
0xd: {  	s4 =	sor.u32 $0x2000, s7;
	[dreg:$0x7] =	wrdreg s5;
	s12 =	sshrl.u32 s11, $0x3  }
0xe: {  	[dreg:$0x8] =	wrdreg s6;
	s6 =	sadd.s32 $0x6000, s7;
	s13 =	sadd.s32 s10, s4  }
0xf: {  	s5 =	sadd.s32 s3, s12;
	s11 =	sadd.s32 s10, s6;
	s14 =	sshrl.u32 s13, $0x3  }
0x10: {  	[dreg:$0x9] =	wrdreg s5;
	s11 =	sshrl.u32 s11, $0x3;
	s5 =	sadd.s32 s3, s14  }
0x11: {  	s17 =	sadd.s32 s3, s11;
	[dreg:$0xa] =	wrdreg s5;
	s5 =	sadd.s32 $0x4000, s7  }
0x12: {  	[dreg:$0xc] =	wrdreg s17;
	s17 =	sadd.s32 $0xC000, s7;
	s16 =	sadd.s32 s10, s5  }
0x13: {  	s12 =	sadd.s32 s10, s8;
	s20 =	sadd.s32 s10, s17;
	s9 =	sshrl.u32 s16, $0x3  }
0x14: {  	s18 =	sshrl.u32 s12, $0x3;
	s12 =	sshrl.u32 s20, $0x3;
	s9 =	sadd.s32 s3, s9  }
0x15: {  	s11 =	sadd.s32 $0xA000, s7;
	s21 =	sadd.s32 s3, s12;
	[dreg:$0xb] =	wrdreg s9  }
0x16: {  	s19 =	sadd.s32 s10, s11;
	s9 =	sadd.s32 s3, s18;
	[dreg:$0xf] =	wrdreg s21  }
0x17: {  	s20 =	sadd.s32 $0x12000, s7;
	s18 =	sadd.s32 $0xE000, s7;
	[dreg:$0xd] =	wrdreg s9  }
0x18: {  	s9 =	sshrl.u32 s19, $0x3;
	s13 =	sadd.s32 s10, s18;
	s19 =	sadd.s32 $0x10000, s7  }
0x19: {  	s9 =	sadd.s32 s3, s9;
	s22 =	sshrl.u32 s13, $0x3;
	s13 =	sadd.s32 $0x280000, s10  }
0x1a: {  	s14 =	sadd.s32 s10, s19;
	[dreg:$0xe] =	wrdreg s9;
	s9 =	sadd.s32 $0x500000, s10  }
0x1b: {  	s10 =	sadd.s32 s10, s20;
	s12 =	sadd.s32 s3, s22;
	s23 =	sshrl.u32 s14, $0x3  }
0x1c: {  	s24 =	sadd.s32 s7, s13;
	s25 =	sadd.s32 s4, s13;
	s26 =	sadd.s32 s5, s13  }
0x1d: {  	s21 =	sadd.s32 s6, s13;
	s22 =	sadd.s32 s8, s13;
	[dreg:$0x10] =	wrdreg s12  }
0x1e: {  	s10 =	sshrl.u32 s10, $0x3;
	s12 =	sadd.s32 s3, s23;
	s14 =	sshrl.u32 s26, $0x3  }
0x1f: {  	s23 =	sadd.s32 s11, s13;
	s7 =	sadd.s32 s7, s9;
	[dreg:$0x11] =	wrdreg s12  }
0x20: {  	s10 =	sadd.s32 s3, s10;
	s12 =	sshrl.u32 s25, $0x3;
	s16 =	sadd.s32 s3, s14  }
0x21: {  	s25 =	sshrl.u32 s23, $0x3;
	s14 =	sadd.s32 s18, s13;
	[dreg:$0x12] =	wrdreg s10  }
0x22: {  	s7 =	sshrl.u32 s7, $0x3;
	s10 =	sshrl.u32 s24, $0x3;
	[dreg:$0x15] =	wrdreg s16  }
0x23: {  	s24 =	sshrl.u32 s22, $0x3;
	s26 =	sadd.s32 s3, s25;
	s16 =	sadd.s32 s19, s13  }
0x24: {  	s25 =	sadd.s32 s4, s9;
	s7 =	sadd.s32 s3, s7;
	s10 =	sadd.s32 s3, s10  }
0x25: {  	[dreg:$0x18] =	wrdreg s26;
	s22 =	sshrl.u32 s16, $0x3;
	s26 =	sshrl.u32 s25, $0x3  }
0x26: {  	[dreg:$0x1d] =	wrdreg s7;
	s16 =	sadd.s32 s8, s9;
	s25 =	sadd.s32 s17, s9  }
0x27: {  	[dreg:$0x13] =	wrdreg s10;
	s10 =	sadd.s32 s3, s12;
	s12 =	sadd.s32 s17, s13  }
0x28: {  	s23 =	sadd.s32 s3, s22;
	s22 =	sshrl.u32 s16, $0x3;
	[dreg:$0x14] =	wrdreg s10  }
0x29: {  	s10 =	sshrl.u32 s21, $0x3;
	[dreg:$0x1b] =	wrdreg s23;
	s23 =	sadd.s32 s3, s22  }
0x2a: {  	s21 =	sshrl.u32 s14, $0x3;
	s10 =	sadd.s32 s3, s10;
	[smem:$0x7F5] =	sst s23  }
0x2b: {  	s14 =	sadd.s32 s6, s9;
	s22 =	smul.u32 $0x50000, s15;
	[dreg:$0x16] =	wrdreg s10  }
0x2c: {  	s10 =	sadd.s32 s3, s24;
	s24 =	sadd.s32 s20, s13;
	s13 =	sadd.s32 s5, s9  }
0x2d: {  	[dreg:$0x17] =	wrdreg s10;
	s10 =	sshrl.u32 s12, $0x3;
	s12 =	sadd.s32 s3, s26  }
0x2e: {  	s7 =	sshrl.u32 s13, $0x3;
	s10 =	sadd.s32 s3, s10;
	[dreg:$0x1e] =	wrdreg s12  }
0x2f: {  	s23 =	sshrl.u32 s22, $0x2;
	s7 =	sadd.s32 s3, s7;
	[dreg:$0x19] =	wrdreg s10  }
0x30: {  	s26 =	sadd.s32 s18, s9;
	s10 =	sadd.s32 s3, s21;
	[dreg:$0x1f] =	wrdreg s7  }
0x31: {  	s21 =	sshrl.u32 s14, $0x3;
	s14 =	sshrl.u32 s26, $0x3;
	[dreg:$0x1a] =	wrdreg s10  }
0x32: {  	s10 =	sshrl.u32 s24, $0x3;
	s7 =	sadd.s32 s3, s21;
	s24 =	sadd.s32 s11, s9  }
0x33: {  	s16 =	sadd.s32 s3, s14;
	[smem:$0x7F4] =	sst s7;
	s7 =	sshrl.u32 s24, $0x3  }
0x34: {  	s13 =	sshrl.u32 s25, $0x3;
	[smem:$0x7F8] =	sst s16;
	s7 =	sadd.s32 s3, s7  }
0x35: {  	s21 =	sadd.s32 s19, s9;
	[smem:$0x7F6] =	sst s7;
	s7 =	sadd.s32 s3, s13  }
0x36: {  	s10 =	sadd.s32 s3, s10;
	[smem:$0x7F7] =	sst s7;
	s7 =	sshrl.u32 s21, $0x3  }
0x37: {  	s9 =	sadd.s32 s20, s9;
	[dreg:$0x1c] =	wrdreg s10;
	s7 =	sadd.s32 s3, s7  }
0x38: {  	s9 =	sshrl.u32 s9, $0x3;
	s24 =	smax.u32 s2, $0x1;
	[smem:$0x7F9] =	sst s7  }
0x39: {  	s3 =	sadd.s32 s3, s9;
	s9 =	sadd.s32 $0x65600, s0;
	s7 =	rddreg [dreg:$0x1]  }
0x3a: {  	s0 =	simm.s32 $0x2;
	[smem:$0x7FA] =	sst s3;
	s3 =	simm.s32 $0x80  }
0x3b: {  	_ =	strace $0x8000004A;
	s10 =	sadd.s32 s23, s7;
	[smem:$0x7FB] =	sst s24  }
0x3c: {  	s25 =	sadd.s32 s4, s7;
	s26 =	sadd.s32 s5, s7;
	s14 =	sadd.s32 s6, s7  }
0x3d: {  	s15 =	sadd.s32 s8, s7;
	s16 =	sadd.s32 s11, s7;
	s17 =	sadd.s32 s17, s7  }
0x3e: {  	s18 =	sadd.s32 s18, s7;
	s19 =	sadd.s32 s19, s7;
	s20 =	sadd.s32 s20, s7  }
0x3f: {  	s4 =	simm.s32 $0x2800;
	s5 =	simm.s32 $0x1;
	[smem:$0x7FC] =	sst s25  }
0x40: {  	s6 =	simm.s32 $0x8800;
	s8 =	simm.s32 $0x0;
	[smem:$0x7FD] =	sst s26  }
0x41: {  	s21 =	sadd.s32 $0x2000, s10;
	s22 =	sadd.s32 $0x4000, s10;
	s23 =	sadd.s32 $0x6000, s10  }
0x42: {  	s24 =	sadd.s32 $0x8000, s10;
	s25 =	sadd.s32 $0xA000, s10;
	s26 =	sadd.s32 $0xC000, s10  }
0x43: {  	v0 =	vimm.f32 $0.0e+00;
	s28 =	sadd.s32 $0xE000, s10;
	s29 =	sadd.s32 $0x10000, s10;
	s30 =	sadd.s32 $0x12000, s10  }
.LBB2_1:
0x44: {  	s11 =	simm.s32 $0x0;
	s2 =	simm.s32 $0x200  }
.LBB2_2:
0x45: {  	p0 =	sne.s32 s2, $0x7E00;
	[tilespmem:s11+$0x6870] =	vst v0  }
0x46: {  	[tilespmem:s11+$0x6800] =	vst v0  }
0x47: {  	[tilespmem:s11+$0x6810] =	vst v0  }
.Ltmp0:
0x48: {  	[tilespmem:s11+$0x6820] =	vst v0;
	(pc) =	sbr.rel @p0 .LBB2_2-.Ltmp0, $4  }
0x49: {  	[tilespmem:s11+$0x6830] =	vst v0  }
0x4a: {  	[tilespmem:s11+$0x6840] =	vst v0  }
0x4b: {  	[tilespmem:s11+$0x6850] =	vst v0  }
0x4c: {  	[tilespmem:s11+$0x6860] =	vst v0;
	s11 =	sshra.s32 s2, $0x2;
	s2 =	sadd.s32 $0x200, s2  }
0x4d: {  	[tilespmem:s11+$0x6870] =	vst v0  }
0x4e: {  	[tilespmem:s11+$0x6800] =	vst v0  }
0x4f: {  	[tilespmem:s11+$0x6810] =	vst v0  }
0x50: {  	[tilespmem:s11+$0x6820] =	vst v0  }
0x51: {  	[tilespmem:s11+$0x6830] =	vst v0  }
0x52: {  	[tilespmem:s11+$0x6840] =	vst v0  }
0x53: {  	[tilespmem:s11+$0x6850] =	vst v0  }
0x54: {  	[tilespmem:s11+$0x6860] =	vst v0  }
0x55: {  	[spmem:s10] =	stream.linear.scatter [tilespmem:s31], [sflag:$0x2], $0x2000, $0x38;
	[tilespmem:$0x1E800] =	vst v63  }
0x56: {  	_ =	swait.ge [sflag:s0], $0x2000  }
0x57: {  	[sflag:s0] =	ssyncset.done $0x0  }
0x58: {  	[sflag:s0] =	ssyncadd.s32 $0xFFFFE000  }
0x59: {  	[spmem:s21] =	stream.linear.scatter [tilespmem:s31], [sflag:$0x2], $0x2000, $0x38;
	[tilespmem:$0x1E800] =	vst v63  }
0x5a: {  	_ =	swait.ge [sflag:s0], $0x2000  }
0x5b: {  	[sflag:s0] =	ssyncset.done $0x0  }
0x5c: {  	[sflag:s0] =	ssyncadd.s32 $0xFFFFE000  }
0x5d: {  	[spmem:s22] =	stream.linear.scatter [tilespmem:s31], [sflag:$0x2], $0x2000, $0x38;
	[tilespmem:$0x1E800] =	vst v63  }
0x5e: {  	_ =	swait.ge [sflag:s0], $0x2000  }
0x5f: {  	[sflag:s0] =	ssyncset.done $0x0  }
0x60: {  	[sflag:s0] =	ssyncadd.s32 $0xFFFFE000  }
0x61: {  	[spmem:s23] =	stream.linear.scatter [tilespmem:s31], [sflag:$0x2], $0x2000, $0x38;
	[tilespmem:$0x1E800] =	vst v63  }
0x62: {  	_ =	swait.ge [sflag:s0], $0x2000  }
0x63: {  	[sflag:s0] =	ssyncset.done $0x0  }
0x64: {  	[sflag:s0] =	ssyncadd.s32 $0xFFFFE000  }
0x65: {  	[spmem:s24] =	stream.linear.scatter [tilespmem:s31], [sflag:$0x2], $0x2000, $0x38;
	[tilespmem:$0x1E800] =	vst v63  }
0x66: {  	_ =	swait.ge [sflag:s0], $0x2000  }
0x67: {  	[sflag:s0] =	ssyncset.done $0x0  }
0x68: {  	[sflag:s0] =	ssyncadd.s32 $0xFFFFE000  }
0x69: {  	[spmem:s25] =	stream.linear.scatter [tilespmem:s31], [sflag:$0x2], $0x2000, $0x38;
	[tilespmem:$0x1E800] =	vst v63  }
0x6a: {  	_ =	swait.ge [sflag:s0], $0x2000  }
0x6b: {  	[sflag:s0] =	ssyncset.done $0x0  }
0x6c: {  	[sflag:s0] =	ssyncadd.s32 $0xFFFFE000  }
0x6d: {  	[spmem:s26] =	stream.linear.scatter [tilespmem:s31], [sflag:$0x2], $0x2000, $0x38;
	[tilespmem:$0x1E800] =	vst v63  }
0x6e: {  	_ =	swait.ge [sflag:s0], $0x2000  }
0x6f: {  	[sflag:s0] =	ssyncset.done $0x0  }
0x70: {  	[sflag:s0] =	ssyncadd.s32 $0xFFFFE000  }
0x71: {  	[spmem:s28] =	stream.linear.scatter [tilespmem:s31], [sflag:$0x2], $0x2000, $0x38;
	[tilespmem:$0x1E800] =	vst v63  }
0x72: {  	_ =	swait.ge [sflag:s0], $0x2000  }
0x73: {  	[sflag:s0] =	ssyncset.done $0x0  }
0x74: {  	[sflag:s0] =	ssyncadd.s32 $0xFFFFE000  }
0x75: {  	[spmem:s29] =	stream.linear.scatter [tilespmem:s31], [sflag:$0x2], $0x2000, $0x38;
	[tilespmem:$0x1E800] =	vst v63  }
0x76: {  	_ =	swait.ge [sflag:s0], $0x2000  }
0x77: {  	[sflag:s0] =	ssyncset.done $0x0  }
0x78: {  	[sflag:s0] =	ssyncadd.s32 $0xFFFFE000  }
0x79: {  	[spmem:s30] =	stream.linear.scatter [tilespmem:s31], [sflag:$0x2], $0x2000, $0x38;
	[tilespmem:$0x1E800] =	vst v63  }
0x7a: {  	_ =	swait.ge [sflag:s0], $0x2000  }
0x7b: {  	[sflag:s0] =	ssyncset.done $0x0  }
0x7c: {  	[sflag:s0] =	ssyncadd.s32 $0xFFFFE000  }
0x7d: {  	[bflag:$0x0] =	sbarrier.arrive $0xFFFF  }
0x7e: {  	s2 =	simm.s32 $0x0;
	s12 =	rddreg [dreg:$0x3]  }
0x7f: {  	[tilespmem:s2], [sflag:$0x2] =	stream.linear.gather [hbm4b:s12+s2], $0x1400, $0x38;
	[tilespmem:$0x1E800] =	vst v63  }
0x80: {  	_ =	swait.ge [sflag:s0], $0x1400  }
0x81: {  	[sflag:s0] =	ssyncset.done $0x0  }
0x82: {  	s12 =	simm.s32 $0x1400;
	s13 =	rddreg [dreg:$0x4];
	[sflag:s0] =	ssyncadd.s32 $0xFFFFEC00  }
0x83: {  	[tilespmem:s12], [sflag:$0x2] =	stream.linear.gather [hbm4b:s13+s2], $0x1400, $0x38;
	[tilespmem:$0x1E800] =	vst v63  }
0x84: {  	_ =	swait.ge [sflag:s0], $0x1400  }
0x85: {  	[sflag:s0] =	ssyncset.done $0x0  }
0x86: {  	s12 =	simm.s32 $0x0;
	[sflag:s0] =	ssyncadd.s32 $0xFFFFEC00  }
0x87: {  	[tilespmem:s4], [sflag:$0x1] =	stream.indirect.gather [hbm4b:s9+s3], $0x80, s12, s3, $0xb8;
	[tilespmem:$0x1E800] =	vst v63  }
0x88: {  	_ =	swait.ge [sflag:s5], $0x4000  }
0x89: {  	[sflag:s5] =	ssyncset.done $0x0  }
0x8a: {  	s13 =	simm.s32 $0x1400;
	[sflag:s5] =	ssyncadd.s32 $0xFFFFC000  }
0x8b: {  	[spmem:s7] =	stream.indirect.scatter.add.f32 [tilespmem:s4], [sflag:$0x2], $0x80, s13, s3, $0xb8;
	[tilespmem:$0x1E800] =	vst v63  }
0x8c: {  	_ =	swait.ge [sflag:s0], $0x4000  }
0x8d: {  	s11 =	simm.s32 $0x200;
	s2 =	simm.s32 $0x400;
	[sflag:s0] =	ssyncset.done $0x0  }
.LBB2_4:
0x8e: {  	s12 =	sshra.s32 s11, $0x2  }
0x8f: {  	[sflag:s0] =	ssyncadd.s32 $0xFFFFC000;
	s11 =	smov.u32 s2;
	s13 =	sadd.s32 $0x200, s2  }
0x90: {  	[tilespmem:s4], [sflag:$0x1] =	stream.indirect.gather [hbm4b:s9+s3], $0x80, s12, s3, $0xb8;
	[tilespmem:$0x1E800] =	vst v63  }
0x91: {  	p0 =	sne.s32 s2, $0x4E00;
	_ =	swait.ge [sflag:s5], $0x4000  }
.Ltmp1:
0x92: {  	[sflag:s5] =	ssyncset.done $0x0;
	(pc) =	sbr.rel @p0 .LBB2_4-.Ltmp1, $4  }
0x93: {  	s2 =	sadd.s32 $0x1400, s12;
	[sflag:s5] =	ssyncadd.s32 $0xFFFFC000  }
0x94: {  	[spmem:s7] =	stream.indirect.scatter.add.f32 [tilespmem:s4], [sflag:$0x2], $0x80, s2, s3, $0xb8;
	[tilespmem:$0x1E800] =	vst v63  }
0x95: {  	_ =	swait.ge [sflag:s0], $0x4000  }
0x96: {  	s2 =	smov.u32 s13;
	[sflag:s0] =	ssyncset.done $0x0  }
0x97: {  	s2 =	sshra.s32 s11, $0x2;
	[sflag:s0] =	ssyncadd.s32 $0xFFFFC000  }
0x98: {  	[tilespmem:s4], [sflag:$0x1] =	stream.indirect.gather [hbm4b:s9+s3], $0x80, s2, s3, $0xb8;
	[tilespmem:$0x1E800] =	vst v63  }
0x99: {  	_ =	swait.ge [sflag:s5], $0x4000  }
0x9a: {  	[sflag:s5] =	ssyncset.done $0x0  }
0x9b: {  	s2 =	sadd.s32 $0x1400, s2;
	[sflag:s5] =	ssyncadd.s32 $0xFFFFC000  }
0x9c: {  	[spmem:s7] =	stream.indirect.scatter.add.f32 [tilespmem:s4], [sflag:$0x2], $0x80, s2, s3, $0xb8;
	[tilespmem:$0x1E800] =	vst v63  }
0x9d: {  	_ =	swait.ge [sflag:s0], $0x4000  }
0x9e: {  	[sflag:s0] =	ssyncset.done $0x0  }
0x9f: {  	[sflag:s0] =	ssyncadd.s32 $0xFFFFC000  }
0xa0: {  	[bflag:$0x0] =	sbarrier.arrive $0xFFFF  }
0xa1: {  	[tilespmem:s6], [sflag:$0x2] =	stream.linear.gather [spmem:s10], $0x2000, $0x38;
	[tilespmem:$0x1E800] =	vst v63  }
0xa2: {  	_ =	swait.ge [sflag:s0], $0x2000  }
0xa3: {  	[sflag:s0] =	ssyncset.done $0x0  }
0xa4: {  	s11 =	simm.s32 $0x0;
	s12 =	rddreg [dreg:$0x9];
	[sflag:s0] =	ssyncadd.s32 $0xFFFFE000  }
0xa5: {  	[hbm4b:s12+s11] =	stream.linear.scatter [tilespmem:s6], [sflag:$0x2], $0x2000, $0x38;
	[tilespmem:$0x1E800] =	vst v63  }
0xa6: {  	_ =	swait.ge [sflag:s0], $0x2000  }
0xa7: {  	s13 =	sld [smem:$0x7FC]  }
0xa8: {  	[sflag:s0] =	ssyncset.done $0x0  }
0xa9: {  	[sflag:s0] =	ssyncadd.s32 $0xFFFFE000  }
0xaa: {  	[tilespmem:s6], [sflag:$0x2] =	stream.linear.gather [spmem:s13], $0x2000, $0x38;
	[tilespmem:$0x1E800] =	vst v63  }
0xab: {  	_ =	swait.ge [sflag:s0], $0x2000  }
0xac: {  	[sflag:s0] =	ssyncset.done $0x0  }
0xad: {  	s12 =	rddreg [dreg:$0xa];
	[sflag:s0] =	ssyncadd.s32 $0xFFFFE000  }
0xae: {  	[hbm4b:s12+s11] =	stream.linear.scatter [tilespmem:s6], [sflag:$0x2], $0x2000, $0x38;
	[tilespmem:$0x1E800] =	vst v63  }
0xaf: {  	_ =	swait.ge [sflag:s0], $0x2000  }
0xb0: {  	s13 =	sld [smem:$0x7FD]  }
0xb1: {  	[sflag:s0] =	ssyncset.done $0x0  }
0xb2: {  	[sflag:s0] =	ssyncadd.s32 $0xFFFFE000  }
0xb3: {  	[tilespmem:s6], [sflag:$0x2] =	stream.linear.gather [spmem:s13], $0x2000, $0x38;
	[tilespmem:$0x1E800] =	vst v63  }
0xb4: {  	_ =	swait.ge [sflag:s0], $0x2000  }
0xb5: {  	[sflag:s0] =	ssyncset.done $0x0  }
0xb6: {  	s12 =	rddreg [dreg:$0xb];
	[sflag:s0] =	ssyncadd.s32 $0xFFFFE000  }
0xb7: {  	[hbm4b:s12+s11] =	stream.linear.scatter [tilespmem:s6], [sflag:$0x2], $0x2000, $0x38;
	[tilespmem:$0x1E800] =	vst v63  }
0xb8: {  	_ =	swait.ge [sflag:s0], $0x2000  }
0xb9: {  	[sflag:s0] =	ssyncset.done $0x0  }
0xba: {  	[sflag:s0] =	ssyncadd.s32 $0xFFFFE000  }
0xbb: {  	[tilespmem:s6], [sflag:$0x2] =	stream.linear.gather [spmem:s14], $0x2000, $0x38;
	[tilespmem:$0x1E800] =	vst v63  }
0xbc: {  	_ =	swait.ge [sflag:s0], $0x2000  }
0xbd: {  	[sflag:s0] =	ssyncset.done $0x0  }
0xbe: {  	s13 =	rddreg [dreg:$0xc];
	[sflag:s0] =	ssyncadd.s32 $0xFFFFE000  }
0xbf: {  	[hbm4b:s13+s11] =	stream.linear.scatter [tilespmem:s6], [sflag:$0x2], $0x2000, $0x38;
	[tilespmem:$0x1E800] =	vst v63  }
0xc0: {  	_ =	swait.ge [sflag:s0], $0x2000  }
0xc1: {  	[sflag:s0] =	ssyncset.done $0x0  }
0xc2: {  	[sflag:s0] =	ssyncadd.s32 $0xFFFFE000  }
0xc3: {  	[tilespmem:s6], [sflag:$0x2] =	stream.linear.gather [spmem:s15], $0x2000, $0x38;
	[tilespmem:$0x1E800] =	vst v63  }
0xc4: {  	_ =	swait.ge [sflag:s0], $0x2000  }
0xc5: {  	[sflag:s0] =	ssyncset.done $0x0  }
0xc6: {  	s12 =	rddreg [dreg:$0xd];
	[sflag:s0] =	ssyncadd.s32 $0xFFFFE000  }
0xc7: {  	[hbm4b:s12+s11] =	stream.linear.scatter [tilespmem:s6], [sflag:$0x2], $0x2000, $0x38;
	[tilespmem:$0x1E800] =	vst v63  }
0xc8: {  	_ =	swait.ge [sflag:s0], $0x2000  }
0xc9: {  	[sflag:s0] =	ssyncset.done $0x0  }
0xca: {  	[sflag:s0] =	ssyncadd.s32 $0xFFFFE000  }
0xcb: {  	[tilespmem:s6], [sflag:$0x2] =	stream.linear.gather [spmem:s16], $0x2000, $0x38;
	[tilespmem:$0x1E800] =	vst v63  }
0xcc: {  	_ =	swait.ge [sflag:s0], $0x2000  }
0xcd: {  	[sflag:s0] =	ssyncset.done $0x0  }
0xce: {  	s13 =	rddreg [dreg:$0xe];
	[sflag:s0] =	ssyncadd.s32 $0xFFFFE000  }
0xcf: {  	[hbm4b:s13+s11] =	stream.linear.scatter [tilespmem:s6], [sflag:$0x2], $0x2000, $0x38;
	[tilespmem:$0x1E800] =	vst v63  }
0xd0: {  	_ =	swait.ge [sflag:s0], $0x2000  }
0xd1: {  	[sflag:s0] =	ssyncset.done $0x0  }
0xd2: {  	[sflag:s0] =	ssyncadd.s32 $0xFFFFE000  }
0xd3: {  	[tilespmem:s6], [sflag:$0x2] =	stream.linear.gather [spmem:s17], $0x2000, $0x38;
	[tilespmem:$0x1E800] =	vst v63  }
0xd4: {  	_ =	swait.ge [sflag:s0], $0x2000  }
0xd5: {  	[sflag:s0] =	ssyncset.done $0x0  }
0xd6: {  	s12 =	rddreg [dreg:$0xf];
	[sflag:s0] =	ssyncadd.s32 $0xFFFFE000  }
0xd7: {  	[hbm4b:s12+s11] =	stream.linear.scatter [tilespmem:s6], [sflag:$0x2], $0x2000, $0x38;
	[tilespmem:$0x1E800] =	vst v63  }
0xd8: {  	_ =	swait.ge [sflag:s0], $0x2000  }
0xd9: {  	[sflag:s0] =	ssyncset.done $0x0  }
0xda: {  	[sflag:s0] =	ssyncadd.s32 $0xFFFFE000  }
0xdb: {  	[tilespmem:s6], [sflag:$0x2] =	stream.linear.gather [spmem:s18], $0x2000, $0x38;
	[tilespmem:$0x1E800] =	vst v63  }
0xdc: {  	_ =	swait.ge [sflag:s0], $0x2000  }
0xdd: {  	[sflag:s0] =	ssyncset.done $0x0  }
0xde: {  	s13 =	rddreg [dreg:$0x10];
	[sflag:s0] =	ssyncadd.s32 $0xFFFFE000  }
0xdf: {  	[hbm4b:s13+s11] =	stream.linear.scatter [tilespmem:s6], [sflag:$0x2], $0x2000, $0x38;
	[tilespmem:$0x1E800] =	vst v63  }
0xe0: {  	_ =	swait.ge [sflag:s0], $0x2000  }
0xe1: {  	[sflag:s0] =	ssyncset.done $0x0  }
0xe2: {  	[sflag:s0] =	ssyncadd.s32 $0xFFFFE000  }
0xe3: {  	[tilespmem:s6], [sflag:$0x2] =	stream.linear.gather [spmem:s19], $0x2000, $0x38;
	[tilespmem:$0x1E800] =	vst v63  }
0xe4: {  	_ =	swait.ge [sflag:s0], $0x2000  }
0xe5: {  	[sflag:s0] =	ssyncset.done $0x0  }
0xe6: {  	s12 =	rddreg [dreg:$0x11];
	[sflag:s0] =	ssyncadd.s32 $0xFFFFE000  }
0xe7: {  	[hbm4b:s12+s11] =	stream.linear.scatter [tilespmem:s6], [sflag:$0x2], $0x2000, $0x38;
	[tilespmem:$0x1E800] =	vst v63  }
0xe8: {  	_ =	swait.ge [sflag:s0], $0x2000  }
0xe9: {  	[sflag:s0] =	ssyncset.done $0x0  }
0xea: {  	[sflag:s0] =	ssyncadd.s32 $0xFFFFE000  }
0xeb: {  	[tilespmem:s6], [sflag:$0x2] =	stream.linear.gather [spmem:s20], $0x2000, $0x38;
	[tilespmem:$0x1E800] =	vst v63  }
0xec: {  	_ =	swait.ge [sflag:s0], $0x2000  }
0xed: {  	[sflag:s0] =	ssyncset.done $0x0  }
0xee: {  	s13 =	rddreg [dreg:$0x12];
	[sflag:s0] =	ssyncadd.s32 $0xFFFFE000  }
0xef: {  	[hbm4b:s13+s11] =	stream.linear.scatter [tilespmem:s6], [sflag:$0x2], $0x2000, $0x38;
	[tilespmem:$0x1E800] =	vst v63  }
0xf0: {  	_ =	swait.ge [sflag:s0], $0x2000  }
0xf1: {  	[sflag:s0] =	ssyncset.done $0x0  }
0xf2: {  	[sflag:s0] =	ssyncadd.s32 $0xFFFFE000  }
0xf3: {  	[spmem:s10] =	stream.linear.scatter [tilespmem:s31], [sflag:$0x2], $0x2000, $0x38;
	[tilespmem:$0x1E800] =	vst v63  }
0xf4: {  	_ =	swait.ge [sflag:s0], $0x2000  }
0xf5: {  	[sflag:s0] =	ssyncset.done $0x0  }
0xf6: {  	[sflag:s0] =	ssyncadd.s32 $0xFFFFE000  }
0xf7: {  	[spmem:s21] =	stream.linear.scatter [tilespmem:s31], [sflag:$0x2], $0x2000, $0x38;
	[tilespmem:$0x1E800] =	vst v63  }
0xf8: {  	_ =	swait.ge [sflag:s0], $0x2000  }
0xf9: {  	[sflag:s0] =	ssyncset.done $0x0  }
0xfa: {  	[sflag:s0] =	ssyncadd.s32 $0xFFFFE000  }
0xfb: {  	[spmem:s22] =	stream.linear.scatter [tilespmem:s31], [sflag:$0x2], $0x2000, $0x38;
	[tilespmem:$0x1E800] =	vst v63  }
0xfc: {  	_ =	swait.ge [sflag:s0], $0x2000  }
0xfd: {  	[sflag:s0] =	ssyncset.done $0x0  }
0xfe: {  	[sflag:s0] =	ssyncadd.s32 $0xFFFFE000  }
0xff: {  	[spmem:s23] =	stream.linear.scatter [tilespmem:s31], [sflag:$0x2], $0x2000, $0x38;
	[tilespmem:$0x1E800] =	vst v63  }
0x100: {  	_ =	swait.ge [sflag:s0], $0x2000  }
0x101: {  	[sflag:s0] =	ssyncset.done $0x0  }
0x102: {  	[sflag:s0] =	ssyncadd.s32 $0xFFFFE000  }
0x103: {  	[spmem:s24] =	stream.linear.scatter [tilespmem:s31], [sflag:$0x2], $0x2000, $0x38;
	[tilespmem:$0x1E800] =	vst v63  }
0x104: {  	_ =	swait.ge [sflag:s0], $0x2000  }
0x105: {  	[sflag:s0] =	ssyncset.done $0x0  }
0x106: {  	[sflag:s0] =	ssyncadd.s32 $0xFFFFE000  }
0x107: {  	[spmem:s25] =	stream.linear.scatter [tilespmem:s31], [sflag:$0x2], $0x2000, $0x38;
	[tilespmem:$0x1E800] =	vst v63  }
0x108: {  	_ =	swait.ge [sflag:s0], $0x2000  }
0x109: {  	[sflag:s0] =	ssyncset.done $0x0  }
0x10a: {  	[sflag:s0] =	ssyncadd.s32 $0xFFFFE000  }
0x10b: {  	[spmem:s26] =	stream.linear.scatter [tilespmem:s31], [sflag:$0x2], $0x2000, $0x38;
	[tilespmem:$0x1E800] =	vst v63  }
0x10c: {  	_ =	swait.ge [sflag:s0], $0x2000  }
0x10d: {  	[sflag:s0] =	ssyncset.done $0x0  }
0x10e: {  	[sflag:s0] =	ssyncadd.s32 $0xFFFFE000  }
0x10f: {  	[spmem:s28] =	stream.linear.scatter [tilespmem:s31], [sflag:$0x2], $0x2000, $0x38;
	[tilespmem:$0x1E800] =	vst v63  }
0x110: {  	_ =	swait.ge [sflag:s0], $0x2000  }
0x111: {  	[sflag:s0] =	ssyncset.done $0x0  }
0x112: {  	[sflag:s0] =	ssyncadd.s32 $0xFFFFE000  }
0x113: {  	[spmem:s29] =	stream.linear.scatter [tilespmem:s31], [sflag:$0x2], $0x2000, $0x38;
	[tilespmem:$0x1E800] =	vst v63  }
0x114: {  	_ =	swait.ge [sflag:s0], $0x2000  }
0x115: {  	[sflag:s0] =	ssyncset.done $0x0  }
0x116: {  	[sflag:s0] =	ssyncadd.s32 $0xFFFFE000  }
0x117: {  	[spmem:s30] =	stream.linear.scatter [tilespmem:s31], [sflag:$0x2], $0x2000, $0x38;
	[tilespmem:$0x1E800] =	vst v63  }
0x118: {  	_ =	swait.ge [sflag:s0], $0x2000  }
0x119: {  	[sflag:s0] =	ssyncset.done $0x0  }
0x11a: {  	[sflag:s0] =	ssyncadd.s32 $0xFFFFE000  }
0x11b: {  	[bflag:$0x0] =	sbarrier.arrive $0xFFFF  }
0x11c: {  	s12 =	rddreg [dreg:$0x5]  }
0x11d: {  	[tilespmem:s11], [sflag:$0x2] =	stream.linear.gather [hbm4b:s12+s11], $0x1400, $0x38;
	[tilespmem:$0x1E800] =	vst v63  }
0x11e: {  	_ =	swait.ge [sflag:s0], $0x1400  }
0x11f: {  	[sflag:s0] =	ssyncset.done $0x0  }
0x120: {  	s12 =	simm.s32 $0x1400;
	s13 =	rddreg [dreg:$0x6];
	[sflag:s0] =	ssyncadd.s32 $0xFFFFEC00  }
0x121: {  	[tilespmem:s12], [sflag:$0x2] =	stream.linear.gather [hbm4b:s13+s11], $0x1400, $0x38;
	[tilespmem:$0x1E800] =	vst v63  }
0x122: {  	_ =	swait.ge [sflag:s0], $0x1400  }
0x123: {  	[sflag:s0] =	ssyncset.done $0x0  }
0x124: {  	s12 =	simm.s32 $0x0;
	[sflag:s0] =	ssyncadd.s32 $0xFFFFEC00  }
0x125: {  	[tilespmem:s4], [sflag:$0x1] =	stream.indirect.gather [hbm4b:s9+s3], $0x80, s12, s3, $0xb8;
	[tilespmem:$0x1E800] =	vst v63  }
0x126: {  	_ =	swait.ge [sflag:s5], $0x4000  }
0x127: {  	[sflag:s5] =	ssyncset.done $0x0  }
0x128: {  	s13 =	simm.s32 $0x1400;
	[sflag:s5] =	ssyncadd.s32 $0xFFFFC000  }
0x129: {  	[spmem:s7] =	stream.indirect.scatter.add.f32 [tilespmem:s4], [sflag:$0x2], $0x80, s13, s3, $0xb8;
	[tilespmem:$0x1E800] =	vst v63  }
0x12a: {  	_ =	swait.ge [sflag:s0], $0x4000  }
0x12b: {  	s2 =	simm.s32 $0x400;
	s11 =	simm.s32 $0x200;
	[sflag:s0] =	ssyncset.done $0x0  }
.LBB2_6:
0x12c: {  	s12 =	sshra.s32 s11, $0x2  }
0x12d: {  	[sflag:s0] =	ssyncadd.s32 $0xFFFFC000;
	s11 =	smov.u32 s2;
	s13 =	sadd.s32 $0x200, s2  }
0x12e: {  	[tilespmem:s4], [sflag:$0x1] =	stream.indirect.gather [hbm4b:s9+s3], $0x80, s12, s3, $0xb8;
	[tilespmem:$0x1E800] =	vst v63  }
0x12f: {  	p0 =	sne.s32 s2, $0x4E00;
	_ =	swait.ge [sflag:s5], $0x4000  }
.Ltmp2:
0x130: {  	[sflag:s5] =	ssyncset.done $0x0;
	(pc) =	sbr.rel @p0 .LBB2_6-.Ltmp2, $4  }
0x131: {  	s2 =	sadd.s32 $0x1400, s12;
	[sflag:s5] =	ssyncadd.s32 $0xFFFFC000  }
0x132: {  	[spmem:s7] =	stream.indirect.scatter.add.f32 [tilespmem:s4], [sflag:$0x2], $0x80, s2, s3, $0xb8;
	[tilespmem:$0x1E800] =	vst v63  }
0x133: {  	_ =	swait.ge [sflag:s0], $0x4000  }
0x134: {  	s2 =	smov.u32 s13;
	[sflag:s0] =	ssyncset.done $0x0  }
0x135: {  	s2 =	sshra.s32 s11, $0x2;
	[sflag:s0] =	ssyncadd.s32 $0xFFFFC000  }
0x136: {  	[tilespmem:s4], [sflag:$0x1] =	stream.indirect.gather [hbm4b:s9+s3], $0x80, s2, s3, $0xb8;
	[tilespmem:$0x1E800] =	vst v63  }
0x137: {  	_ =	swait.ge [sflag:s5], $0x4000  }
0x138: {  	[sflag:s5] =	ssyncset.done $0x0  }
0x139: {  	s2 =	sadd.s32 $0x1400, s2;
	[sflag:s5] =	ssyncadd.s32 $0xFFFFC000  }
0x13a: {  	[spmem:s7] =	stream.indirect.scatter.add.f32 [tilespmem:s4], [sflag:$0x2], $0x80, s2, s3, $0xb8;
	[tilespmem:$0x1E800] =	vst v63  }
0x13b: {  	_ =	swait.ge [sflag:s0], $0x4000  }
0x13c: {  	[sflag:s0] =	ssyncset.done $0x0  }
0x13d: {  	[sflag:s0] =	ssyncadd.s32 $0xFFFFC000  }
0x13e: {  	[bflag:$0x0] =	sbarrier.arrive $0xFFFF  }
0x13f: {  	[tilespmem:s6], [sflag:$0x2] =	stream.linear.gather [spmem:s10], $0x2000, $0x38;
	[tilespmem:$0x1E800] =	vst v63  }
0x140: {  	_ =	swait.ge [sflag:s0], $0x2000  }
0x141: {  	[sflag:s0] =	ssyncset.done $0x0  }
0x142: {  	s11 =	simm.s32 $0x0;
	s12 =	rddreg [dreg:$0x13];
	[sflag:s0] =	ssyncadd.s32 $0xFFFFE000  }
0x143: {  	[hbm4b:s12+s11] =	stream.linear.scatter [tilespmem:s6], [sflag:$0x2], $0x2000, $0x38;
	[tilespmem:$0x1E800] =	vst v63  }
0x144: {  	_ =	swait.ge [sflag:s0], $0x2000  }
0x145: {  	s13 =	sld [smem:$0x7FC]  }
0x146: {  	[sflag:s0] =	ssyncset.done $0x0  }
0x147: {  	[sflag:s0] =	ssyncadd.s32 $0xFFFFE000  }
0x148: {  	[tilespmem:s6], [sflag:$0x2] =	stream.linear.gather [spmem:s13], $0x2000, $0x38;
	[tilespmem:$0x1E800] =	vst v63  }
0x149: {  	_ =	swait.ge [sflag:s0], $0x2000  }
0x14a: {  	[sflag:s0] =	ssyncset.done $0x0  }
0x14b: {  	s12 =	rddreg [dreg:$0x14];
	[sflag:s0] =	ssyncadd.s32 $0xFFFFE000  }
0x14c: {  	[hbm4b:s12+s11] =	stream.linear.scatter [tilespmem:s6], [sflag:$0x2], $0x2000, $0x38;
	[tilespmem:$0x1E800] =	vst v63  }
0x14d: {  	_ =	swait.ge [sflag:s0], $0x2000  }
0x14e: {  	s13 =	sld [smem:$0x7FD]  }
0x14f: {  	[sflag:s0] =	ssyncset.done $0x0  }
0x150: {  	[sflag:s0] =	ssyncadd.s32 $0xFFFFE000  }
0x151: {  	[tilespmem:s6], [sflag:$0x2] =	stream.linear.gather [spmem:s13], $0x2000, $0x38;
	[tilespmem:$0x1E800] =	vst v63  }
0x152: {  	_ =	swait.ge [sflag:s0], $0x2000  }
0x153: {  	[sflag:s0] =	ssyncset.done $0x0  }
0x154: {  	s12 =	rddreg [dreg:$0x15];
	[sflag:s0] =	ssyncadd.s32 $0xFFFFE000  }
0x155: {  	[hbm4b:s12+s11] =	stream.linear.scatter [tilespmem:s6], [sflag:$0x2], $0x2000, $0x38;
	[tilespmem:$0x1E800] =	vst v63  }
0x156: {  	_ =	swait.ge [sflag:s0], $0x2000  }
0x157: {  	[sflag:s0] =	ssyncset.done $0x0  }
0x158: {  	[sflag:s0] =	ssyncadd.s32 $0xFFFFE000  }
0x159: {  	[tilespmem:s6], [sflag:$0x2] =	stream.linear.gather [spmem:s14], $0x2000, $0x38;
	[tilespmem:$0x1E800] =	vst v63  }
0x15a: {  	_ =	swait.ge [sflag:s0], $0x2000  }
0x15b: {  	[sflag:s0] =	ssyncset.done $0x0  }
0x15c: {  	s13 =	rddreg [dreg:$0x16];
	[sflag:s0] =	ssyncadd.s32 $0xFFFFE000  }
0x15d: {  	[hbm4b:s13+s11] =	stream.linear.scatter [tilespmem:s6], [sflag:$0x2], $0x2000, $0x38;
	[tilespmem:$0x1E800] =	vst v63  }
0x15e: {  	_ =	swait.ge [sflag:s0], $0x2000  }
0x15f: {  	[sflag:s0] =	ssyncset.done $0x0  }
0x160: {  	[sflag:s0] =	ssyncadd.s32 $0xFFFFE000  }
0x161: {  	[tilespmem:s6], [sflag:$0x2] =	stream.linear.gather [spmem:s15], $0x2000, $0x38;
	[tilespmem:$0x1E800] =	vst v63  }
0x162: {  	_ =	swait.ge [sflag:s0], $0x2000  }
0x163: {  	[sflag:s0] =	ssyncset.done $0x0  }
0x164: {  	s12 =	rddreg [dreg:$0x17];
	[sflag:s0] =	ssyncadd.s32 $0xFFFFE000  }
0x165: {  	[hbm4b:s12+s11] =	stream.linear.scatter [tilespmem:s6], [sflag:$0x2], $0x2000, $0x38;
	[tilespmem:$0x1E800] =	vst v63  }
0x166: {  	_ =	swait.ge [sflag:s0], $0x2000  }
0x167: {  	[sflag:s0] =	ssyncset.done $0x0  }
0x168: {  	[sflag:s0] =	ssyncadd.s32 $0xFFFFE000  }
0x169: {  	[tilespmem:s6], [sflag:$0x2] =	stream.linear.gather [spmem:s16], $0x2000, $0x38;
	[tilespmem:$0x1E800] =	vst v63  }
0x16a: {  	_ =	swait.ge [sflag:s0], $0x2000  }
0x16b: {  	[sflag:s0] =	ssyncset.done $0x0  }
0x16c: {  	s13 =	rddreg [dreg:$0x18];
	[sflag:s0] =	ssyncadd.s32 $0xFFFFE000  }
0x16d: {  	[hbm4b:s13+s11] =	stream.linear.scatter [tilespmem:s6], [sflag:$0x2], $0x2000, $0x38;
	[tilespmem:$0x1E800] =	vst v63  }
0x16e: {  	_ =	swait.ge [sflag:s0], $0x2000  }
0x16f: {  	[sflag:s0] =	ssyncset.done $0x0  }
0x170: {  	[sflag:s0] =	ssyncadd.s32 $0xFFFFE000  }
0x171: {  	[tilespmem:s6], [sflag:$0x2] =	stream.linear.gather [spmem:s17], $0x2000, $0x38;
	[tilespmem:$0x1E800] =	vst v63  }
0x172: {  	_ =	swait.ge [sflag:s0], $0x2000  }
0x173: {  	[sflag:s0] =	ssyncset.done $0x0  }
0x174: {  	s12 =	rddreg [dreg:$0x19];
	[sflag:s0] =	ssyncadd.s32 $0xFFFFE000  }
0x175: {  	[hbm4b:s12+s11] =	stream.linear.scatter [tilespmem:s6], [sflag:$0x2], $0x2000, $0x38;
	[tilespmem:$0x1E800] =	vst v63  }
0x176: {  	_ =	swait.ge [sflag:s0], $0x2000  }
0x177: {  	[sflag:s0] =	ssyncset.done $0x0  }
0x178: {  	[sflag:s0] =	ssyncadd.s32 $0xFFFFE000  }
0x179: {  	[tilespmem:s6], [sflag:$0x2] =	stream.linear.gather [spmem:s18], $0x2000, $0x38;
	[tilespmem:$0x1E800] =	vst v63  }
0x17a: {  	_ =	swait.ge [sflag:s0], $0x2000  }
0x17b: {  	[sflag:s0] =	ssyncset.done $0x0  }
0x17c: {  	s13 =	rddreg [dreg:$0x1a];
	[sflag:s0] =	ssyncadd.s32 $0xFFFFE000  }
0x17d: {  	[hbm4b:s13+s11] =	stream.linear.scatter [tilespmem:s6], [sflag:$0x2], $0x2000, $0x38;
	[tilespmem:$0x1E800] =	vst v63  }
0x17e: {  	_ =	swait.ge [sflag:s0], $0x2000  }
0x17f: {  	[sflag:s0] =	ssyncset.done $0x0  }
0x180: {  	[sflag:s0] =	ssyncadd.s32 $0xFFFFE000  }
0x181: {  	[tilespmem:s6], [sflag:$0x2] =	stream.linear.gather [spmem:s19], $0x2000, $0x38;
	[tilespmem:$0x1E800] =	vst v63  }
0x182: {  	_ =	swait.ge [sflag:s0], $0x2000  }
0x183: {  	[sflag:s0] =	ssyncset.done $0x0  }
0x184: {  	s12 =	rddreg [dreg:$0x1b];
	[sflag:s0] =	ssyncadd.s32 $0xFFFFE000  }
0x185: {  	[hbm4b:s12+s11] =	stream.linear.scatter [tilespmem:s6], [sflag:$0x2], $0x2000, $0x38;
	[tilespmem:$0x1E800] =	vst v63  }
0x186: {  	_ =	swait.ge [sflag:s0], $0x2000  }
0x187: {  	[sflag:s0] =	ssyncset.done $0x0  }
0x188: {  	[sflag:s0] =	ssyncadd.s32 $0xFFFFE000  }
0x189: {  	[tilespmem:s6], [sflag:$0x2] =	stream.linear.gather [spmem:s20], $0x2000, $0x38;
	[tilespmem:$0x1E800] =	vst v63  }
0x18a: {  	_ =	swait.ge [sflag:s0], $0x2000  }
0x18b: {  	[sflag:s0] =	ssyncset.done $0x0  }
0x18c: {  	s13 =	rddreg [dreg:$0x1c];
	[sflag:s0] =	ssyncadd.s32 $0xFFFFE000  }
0x18d: {  	[hbm4b:s13+s11] =	stream.linear.scatter [tilespmem:s6], [sflag:$0x2], $0x2000, $0x38;
	[tilespmem:$0x1E800] =	vst v63  }
0x18e: {  	_ =	swait.ge [sflag:s0], $0x2000  }
0x18f: {  	[sflag:s0] =	ssyncset.done $0x0  }
0x190: {  	[sflag:s0] =	ssyncadd.s32 $0xFFFFE000  }
0x191: {  	[spmem:s10] =	stream.linear.scatter [tilespmem:s31], [sflag:$0x2], $0x2000, $0x38;
	[tilespmem:$0x1E800] =	vst v63  }
0x192: {  	_ =	swait.ge [sflag:s0], $0x2000  }
0x193: {  	[sflag:s0] =	ssyncset.done $0x0  }
0x194: {  	[sflag:s0] =	ssyncadd.s32 $0xFFFFE000  }
0x195: {  	[spmem:s21] =	stream.linear.scatter [tilespmem:s31], [sflag:$0x2], $0x2000, $0x38;
	[tilespmem:$0x1E800] =	vst v63  }
0x196: {  	_ =	swait.ge [sflag:s0], $0x2000  }
0x197: {  	[sflag:s0] =	ssyncset.done $0x0  }
0x198: {  	[sflag:s0] =	ssyncadd.s32 $0xFFFFE000  }
0x199: {  	[spmem:s22] =	stream.linear.scatter [tilespmem:s31], [sflag:$0x2], $0x2000, $0x38;
	[tilespmem:$0x1E800] =	vst v63  }
0x19a: {  	_ =	swait.ge [sflag:s0], $0x2000  }
0x19b: {  	[sflag:s0] =	ssyncset.done $0x0  }
0x19c: {  	[sflag:s0] =	ssyncadd.s32 $0xFFFFE000  }
0x19d: {  	[spmem:s23] =	stream.linear.scatter [tilespmem:s31], [sflag:$0x2], $0x2000, $0x38;
	[tilespmem:$0x1E800] =	vst v63  }
0x19e: {  	_ =	swait.ge [sflag:s0], $0x2000  }
0x19f: {  	[sflag:s0] =	ssyncset.done $0x0  }
0x1a0: {  	[sflag:s0] =	ssyncadd.s32 $0xFFFFE000  }
0x1a1: {  	[spmem:s24] =	stream.linear.scatter [tilespmem:s31], [sflag:$0x2], $0x2000, $0x38;
	[tilespmem:$0x1E800] =	vst v63  }
0x1a2: {  	_ =	swait.ge [sflag:s0], $0x2000  }
0x1a3: {  	[sflag:s0] =	ssyncset.done $0x0  }
0x1a4: {  	[sflag:s0] =	ssyncadd.s32 $0xFFFFE000  }
0x1a5: {  	[spmem:s25] =	stream.linear.scatter [tilespmem:s31], [sflag:$0x2], $0x2000, $0x38;
	[tilespmem:$0x1E800] =	vst v63  }
0x1a6: {  	_ =	swait.ge [sflag:s0], $0x2000  }
0x1a7: {  	[sflag:s0] =	ssyncset.done $0x0  }
0x1a8: {  	[sflag:s0] =	ssyncadd.s32 $0xFFFFE000  }
0x1a9: {  	[spmem:s26] =	stream.linear.scatter [tilespmem:s31], [sflag:$0x2], $0x2000, $0x38;
	[tilespmem:$0x1E800] =	vst v63  }
0x1aa: {  	_ =	swait.ge [sflag:s0], $0x2000  }
0x1ab: {  	[sflag:s0] =	ssyncset.done $0x0  }
0x1ac: {  	[sflag:s0] =	ssyncadd.s32 $0xFFFFE000  }
0x1ad: {  	[spmem:s28] =	stream.linear.scatter [tilespmem:s31], [sflag:$0x2], $0x2000, $0x38;
	[tilespmem:$0x1E800] =	vst v63  }
0x1ae: {  	_ =	swait.ge [sflag:s0], $0x2000  }
0x1af: {  	[sflag:s0] =	ssyncset.done $0x0  }
0x1b0: {  	[sflag:s0] =	ssyncadd.s32 $0xFFFFE000  }
0x1b1: {  	[spmem:s29] =	stream.linear.scatter [tilespmem:s31], [sflag:$0x2], $0x2000, $0x38;
	[tilespmem:$0x1E800] =	vst v63  }
0x1b2: {  	_ =	swait.ge [sflag:s0], $0x2000  }
0x1b3: {  	[sflag:s0] =	ssyncset.done $0x0  }
0x1b4: {  	[sflag:s0] =	ssyncadd.s32 $0xFFFFE000  }
0x1b5: {  	[spmem:s30] =	stream.linear.scatter [tilespmem:s31], [sflag:$0x2], $0x2000, $0x38;
	[tilespmem:$0x1E800] =	vst v63  }
0x1b6: {  	_ =	swait.ge [sflag:s0], $0x2000  }
0x1b7: {  	[sflag:s0] =	ssyncset.done $0x0  }
0x1b8: {  	[sflag:s0] =	ssyncadd.s32 $0xFFFFE000  }
0x1b9: {  	[bflag:$0x0] =	sbarrier.arrive $0xFFFF  }
0x1ba: {  	s12 =	rddreg [dreg:$0x7]  }
0x1bb: {  	[tilespmem:s11], [sflag:$0x2] =	stream.linear.gather [hbm4b:s12+s11], $0x1400, $0x38;
	[tilespmem:$0x1E800] =	vst v63  }
0x1bc: {  	_ =	swait.ge [sflag:s0], $0x1400  }
0x1bd: {  	[sflag:s0] =	ssyncset.done $0x0  }
0x1be: {  	s12 =	simm.s32 $0x1400;
	s13 =	rddreg [dreg:$0x8];
	[sflag:s0] =	ssyncadd.s32 $0xFFFFEC00  }
0x1bf: {  	[tilespmem:s12], [sflag:$0x2] =	stream.linear.gather [hbm4b:s13+s11], $0x1400, $0x38;
	[tilespmem:$0x1E800] =	vst v63  }
0x1c0: {  	_ =	swait.ge [sflag:s0], $0x1400  }
0x1c1: {  	[sflag:s0] =	ssyncset.done $0x0  }
0x1c2: {  	s12 =	simm.s32 $0x0;
	[sflag:s0] =	ssyncadd.s32 $0xFFFFEC00  }
0x1c3: {  	[tilespmem:s4], [sflag:$0x1] =	stream.indirect.gather [hbm4b:s9+s3], $0x80, s12, s3, $0xb8;
	[tilespmem:$0x1E800] =	vst v63  }
0x1c4: {  	_ =	swait.ge [sflag:s5], $0x4000  }
0x1c5: {  	[sflag:s5] =	ssyncset.done $0x0  }
0x1c6: {  	s13 =	simm.s32 $0x1400;
	[sflag:s5] =	ssyncadd.s32 $0xFFFFC000  }
0x1c7: {  	[spmem:s7] =	stream.indirect.scatter.add.f32 [tilespmem:s4], [sflag:$0x2], $0x80, s13, s3, $0xb8;
	[tilespmem:$0x1E800] =	vst v63  }
0x1c8: {  	_ =	swait.ge [sflag:s0], $0x4000  }
0x1c9: {  	s2 =	simm.s32 $0x400;
	s11 =	simm.s32 $0x200;
	[sflag:s0] =	ssyncset.done $0x0  }
.LBB2_8:
0x1ca: {  	s12 =	sshra.s32 s11, $0x2  }
0x1cb: {  	[sflag:s0] =	ssyncadd.s32 $0xFFFFC000;
	s11 =	smov.u32 s2;
	s13 =	sadd.s32 $0x200, s2  }
0x1cc: {  	[tilespmem:s4], [sflag:$0x1] =	stream.indirect.gather [hbm4b:s9+s3], $0x80, s12, s3, $0xb8;
	[tilespmem:$0x1E800] =	vst v63  }
0x1cd: {  	p0 =	sne.s32 s2, $0x4E00;
	_ =	swait.ge [sflag:s5], $0x4000  }
.Ltmp3:
0x1ce: {  	[sflag:s5] =	ssyncset.done $0x0;
	(pc) =	sbr.rel @p0 .LBB2_8-.Ltmp3, $4  }
0x1cf: {  	s2 =	sadd.s32 $0x1400, s12;
	[sflag:s5] =	ssyncadd.s32 $0xFFFFC000  }
0x1d0: {  	[spmem:s7] =	stream.indirect.scatter.add.f32 [tilespmem:s4], [sflag:$0x2], $0x80, s2, s3, $0xb8;
	[tilespmem:$0x1E800] =	vst v63  }
0x1d1: {  	_ =	swait.ge [sflag:s0], $0x4000  }
0x1d2: {  	s2 =	smov.u32 s13;
	[sflag:s0] =	ssyncset.done $0x0  }
0x1d3: {  	s2 =	sshra.s32 s11, $0x2;
	[sflag:s0] =	ssyncadd.s32 $0xFFFFC000  }
0x1d4: {  	[tilespmem:s4], [sflag:$0x1] =	stream.indirect.gather [hbm4b:s9+s3], $0x80, s2, s3, $0xb8;
	[tilespmem:$0x1E800] =	vst v63  }
0x1d5: {  	_ =	swait.ge [sflag:s5], $0x4000  }
0x1d6: {  	[sflag:s5] =	ssyncset.done $0x0  }
0x1d7: {  	s2 =	sadd.s32 $0x1400, s2;
	[sflag:s5] =	ssyncadd.s32 $0xFFFFC000  }
0x1d8: {  	[spmem:s7] =	stream.indirect.scatter.add.f32 [tilespmem:s4], [sflag:$0x2], $0x80, s2, s3, $0xb8;
	[tilespmem:$0x1E800] =	vst v63  }
0x1d9: {  	_ =	swait.ge [sflag:s0], $0x4000  }
0x1da: {  	[sflag:s0] =	ssyncset.done $0x0  }
0x1db: {  	[sflag:s0] =	ssyncadd.s32 $0xFFFFC000  }
0x1dc: {  	[bflag:$0x0] =	sbarrier.arrive $0xFFFF  }
0x1dd: {  	[tilespmem:s6], [sflag:$0x2] =	stream.linear.gather [spmem:s10], $0x2000, $0x38;
	[tilespmem:$0x1E800] =	vst v63  }
0x1de: {  	_ =	swait.ge [sflag:s0], $0x2000  }
0x1df: {  	[sflag:s0] =	ssyncset.done $0x0  }
0x1e0: {  	s13 =	rddreg [dreg:$0x1d];
	[sflag:s0] =	ssyncadd.s32 $0xFFFFE000  }
0x1e1: {  	[hbm4b:s13+s1] =	stream.linear.scatter [tilespmem:s6], [sflag:$0x2], $0x2000, $0x38;
	[tilespmem:$0x1E800] =	vst v63  }
0x1e2: {  	_ =	swait.ge [sflag:s0], $0x2000  }
0x1e3: {  	s11 =	sld [smem:$0x7FC]  }
0x1e4: {  	[sflag:s0] =	ssyncset.done $0x0  }
0x1e5: {  	[sflag:s0] =	ssyncadd.s32 $0xFFFFE000  }
0x1e6: {  	[tilespmem:s6], [sflag:$0x2] =	stream.linear.gather [spmem:s11], $0x2000, $0x38;
	[tilespmem:$0x1E800] =	vst v63  }
0x1e7: {  	_ =	swait.ge [sflag:s0], $0x2000  }
0x1e8: {  	[sflag:s0] =	ssyncset.done $0x0  }
0x1e9: {  	s12 =	rddreg [dreg:$0x1e];
	[sflag:s0] =	ssyncadd.s32 $0xFFFFE000  }
0x1ea: {  	[hbm4b:s12+s1] =	stream.linear.scatter [tilespmem:s6], [sflag:$0x2], $0x2000, $0x38;
	[tilespmem:$0x1E800] =	vst v63  }
0x1eb: {  	_ =	swait.ge [sflag:s0], $0x2000  }
0x1ec: {  	s13 =	sld [smem:$0x7FD]  }
0x1ed: {  	[sflag:s0] =	ssyncset.done $0x0  }
0x1ee: {  	[sflag:s0] =	ssyncadd.s32 $0xFFFFE000  }
0x1ef: {  	[tilespmem:s6], [sflag:$0x2] =	stream.linear.gather [spmem:s13], $0x2000, $0x38;
	[tilespmem:$0x1E800] =	vst v63  }
0x1f0: {  	_ =	swait.ge [sflag:s0], $0x2000  }
0x1f1: {  	[sflag:s0] =	ssyncset.done $0x0  }
0x1f2: {  	s11 =	rddreg [dreg:$0x1f];
	[sflag:s0] =	ssyncadd.s32 $0xFFFFE000  }
0x1f3: {  	[hbm4b:s11+s1] =	stream.linear.scatter [tilespmem:s6], [sflag:$0x2], $0x2000, $0x38;
	[tilespmem:$0x1E800] =	vst v63  }
0x1f4: {  	_ =	swait.ge [sflag:s0], $0x2000  }
0x1f5: {  	[sflag:s0] =	ssyncset.done $0x0  }
0x1f6: {  	[sflag:s0] =	ssyncadd.s32 $0xFFFFE000  }
0x1f7: {  	[tilespmem:s6], [sflag:$0x2] =	stream.linear.gather [spmem:s14], $0x2000, $0x38;
	[tilespmem:$0x1E800] =	vst v63  }
0x1f8: {  	_ =	swait.ge [sflag:s0], $0x2000  }
0x1f9: {  	s12 =	sld [smem:$0x7F4]  }
0x1fa: {  	[sflag:s0] =	ssyncset.done $0x0  }
0x1fb: {  	[sflag:s0] =	ssyncadd.s32 $0xFFFFE000  }
0x1fc: {  	[hbm4b:s12+s1] =	stream.linear.scatter [tilespmem:s6], [sflag:$0x2], $0x2000, $0x38;
	[tilespmem:$0x1E800] =	vst v63  }
0x1fd: {  	_ =	swait.ge [sflag:s0], $0x2000  }
0x1fe: {  	[sflag:s0] =	ssyncset.done $0x0  }
0x1ff: {  	[sflag:s0] =	ssyncadd.s32 $0xFFFFE000  }
0x200: {  	[tilespmem:s6], [sflag:$0x2] =	stream.linear.gather [spmem:s15], $0x2000, $0x38;
	[tilespmem:$0x1E800] =	vst v63  }
0x201: {  	_ =	swait.ge [sflag:s0], $0x2000  }
0x202: {  	s13 =	sld [smem:$0x7F5]  }
0x203: {  	[sflag:s0] =	ssyncset.done $0x0  }
0x204: {  	[sflag:s0] =	ssyncadd.s32 $0xFFFFE000  }
0x205: {  	[hbm4b:s13+s1] =	stream.linear.scatter [tilespmem:s6], [sflag:$0x2], $0x2000, $0x38;
	[tilespmem:$0x1E800] =	vst v63  }
0x206: {  	_ =	swait.ge [sflag:s0], $0x2000  }
0x207: {  	[sflag:s0] =	ssyncset.done $0x0  }
0x208: {  	[sflag:s0] =	ssyncadd.s32 $0xFFFFE000  }
0x209: {  	[tilespmem:s6], [sflag:$0x2] =	stream.linear.gather [spmem:s16], $0x2000, $0x38;
	[tilespmem:$0x1E800] =	vst v63  }
0x20a: {  	_ =	swait.ge [sflag:s0], $0x2000  }
0x20b: {  	s11 =	sld [smem:$0x7F6]  }
0x20c: {  	[sflag:s0] =	ssyncset.done $0x0  }
0x20d: {  	[sflag:s0] =	ssyncadd.s32 $0xFFFFE000  }
0x20e: {  	[hbm4b:s11+s1] =	stream.linear.scatter [tilespmem:s6], [sflag:$0x2], $0x2000, $0x38;
	[tilespmem:$0x1E800] =	vst v63  }
0x20f: {  	_ =	swait.ge [sflag:s0], $0x2000  }
0x210: {  	[sflag:s0] =	ssyncset.done $0x0  }
0x211: {  	[sflag:s0] =	ssyncadd.s32 $0xFFFFE000  }
0x212: {  	[tilespmem:s6], [sflag:$0x2] =	stream.linear.gather [spmem:s17], $0x2000, $0x38;
	[tilespmem:$0x1E800] =	vst v63  }
0x213: {  	_ =	swait.ge [sflag:s0], $0x2000  }
0x214: {  	s12 =	sld [smem:$0x7F7]  }
0x215: {  	[sflag:s0] =	ssyncset.done $0x0  }
0x216: {  	[sflag:s0] =	ssyncadd.s32 $0xFFFFE000  }
0x217: {  	[hbm4b:s12+s1] =	stream.linear.scatter [tilespmem:s6], [sflag:$0x2], $0x2000, $0x38;
	[tilespmem:$0x1E800] =	vst v63  }
0x218: {  	_ =	swait.ge [sflag:s0], $0x2000  }
0x219: {  	[sflag:s0] =	ssyncset.done $0x0  }
0x21a: {  	[sflag:s0] =	ssyncadd.s32 $0xFFFFE000  }
0x21b: {  	[tilespmem:s6], [sflag:$0x2] =	stream.linear.gather [spmem:s18], $0x2000, $0x38;
	[tilespmem:$0x1E800] =	vst v63  }
0x21c: {  	_ =	swait.ge [sflag:s0], $0x2000  }
0x21d: {  	s13 =	sld [smem:$0x7F8]  }
0x21e: {  	[sflag:s0] =	ssyncset.done $0x0  }
0x21f: {  	[sflag:s0] =	ssyncadd.s32 $0xFFFFE000  }
0x220: {  	[hbm4b:s13+s1] =	stream.linear.scatter [tilespmem:s6], [sflag:$0x2], $0x2000, $0x38;
	[tilespmem:$0x1E800] =	vst v63  }
0x221: {  	_ =	swait.ge [sflag:s0], $0x2000  }
0x222: {  	[sflag:s0] =	ssyncset.done $0x0  }
0x223: {  	[sflag:s0] =	ssyncadd.s32 $0xFFFFE000  }
0x224: {  	[tilespmem:s6], [sflag:$0x2] =	stream.linear.gather [spmem:s19], $0x2000, $0x38;
	[tilespmem:$0x1E800] =	vst v63  }
0x225: {  	_ =	swait.ge [sflag:s0], $0x2000  }
0x226: {  	s11 =	sld [smem:$0x7F9]  }
0x227: {  	[sflag:s0] =	ssyncset.done $0x0  }
0x228: {  	[sflag:s0] =	ssyncadd.s32 $0xFFFFE000  }
0x229: {  	[hbm4b:s11+s1] =	stream.linear.scatter [tilespmem:s6], [sflag:$0x2], $0x2000, $0x38;
	[tilespmem:$0x1E800] =	vst v63  }
0x22a: {  	_ =	swait.ge [sflag:s0], $0x2000  }
0x22b: {  	[sflag:s0] =	ssyncset.done $0x0  }
0x22c: {  	[sflag:s0] =	ssyncadd.s32 $0xFFFFE000  }
0x22d: {  	[tilespmem:s6], [sflag:$0x2] =	stream.linear.gather [spmem:s20], $0x2000, $0x38;
	[tilespmem:$0x1E800] =	vst v63  }
0x22e: {  	_ =	swait.ge [sflag:s0], $0x2000  }
0x22f: {  	s12 =	sld [smem:$0x7FA]  }
0x230: {  	[sflag:s0] =	ssyncset.done $0x0  }
0x231: {  	[sflag:s0] =	ssyncadd.s32 $0xFFFFE000  }
0x232: {  	[hbm4b:s12+s1] =	stream.linear.scatter [tilespmem:s6], [sflag:$0x2], $0x2000, $0x38;
	[tilespmem:$0x1E800] =	vst v63  }
0x233: {  	_ =	swait.ge [sflag:s0], $0x2000  }
0x234: {  	s13 =	sld [smem:$0x7FB];
	_ =	sdelay $0x1  }
0x235: {  	s8 =	sadd.s32 $0x1, s8  }
0x236: {  	p0 =	sne.s32 s8, s13  }
.Ltmp4:
0x237: {  	_ = 	snop;
	(pc) =	sbr.rel @p0 .LBB2_1-.Ltmp4, $3  }
0x238: {  	_ =	sdelay $0x1  }
0x239: {  	[sflag:s0] =	ssyncset.done $0x0  }
0x23a: {  	[sflag:s0] =	ssyncadd.s32 $0xFFFFE000  }
0x23b: {  	_ =	sfence.sel $0x180000  }
0x23c: {  	[bflag:$0x0] =	sbarrier.arrive $0xFFFF  }
0x23d: {  	_ =	strace $0x9000004A  }
0x23e: {  	s0 =	stileid.u32;
	[bflag:$0x2] =	sbarrier.arrive $0xFFFF  }
0x23f: {  	p0 =	sne.s32 s0, $0x0;
	s0 =	rddreg [dreg:$0x2]  }
0x240: {  	s0 =	sadd.s32 @!p0 $0x100000, s0  }
0x241: {  	[sflag:s0] =	ssyncadd.tile.s32 @!p0 $0x1;
	_ =	shalt  }
.Lfunc_end2:
_tile_overlayer_lowered:
.L_overlay_start_2:
0x242: {  	(tag) =	ssettag $0x2  }
0x243: {  	s0 =	rddreg [dreg:$0x0];
	s2 =	stileid.u32  }
0x244: {  	s1 =	rddreg [dreg:$0x1];
	p0 =	sne.s32 s2, $0x0  }
0x245: {  	s3 =	rddreg [dreg:$0x2];
	[bflag:$0x3] =	sbarrier.arrive $0xFFFF;
	s2 =	simm.s32 @!p0 $0x1C02  }
0x246: {  	[timem:s3], [sflag:s2] =	dma.local @!p0 [hbm:s0], s1  }
0x247: {  	s0 =	simm.s32 @!p0 $0x2  }
0x248: {  	_ =	swait.ge @!p0 [sflag:s0], s1  }
0x249: {  	s1 =	ssub.s32 @!p0 $0x0, s1;
	[sflag:s0] =	ssyncset.done @!p0 $0x0  }
0x24a: {  	[sflag:s0] =	ssyncadd.s32 @!p0 s1  }
0x24b: {  	[bflag:$0x3] =	sbarrier.arrive $0xFFFF  }
0x24c: {  	_ =	shalt  }

// kernel: kernel.14.cloned.1.call-start
scs
__scs_entry_jumppad:
0x0: {  	(pc) =	sbr.rel $0x88, $3  }
0x1: {  	(tag) =	ssettag $0x0;
	lr =	simm.s32 $0x1  }
0x2: {  	[smem:$0x3F95] =	sst lr;
	_ =	strace $0xD0000000  }
0x3: {  	_ = 	snop  }
0x4: {  	_ = 	snop  }
0x5: {  	_ = 	snop  }
0x6: {  	_ = 	snop  }
0x7: {  	_ = 	snop  }
__scs_overlays_trampoline_lowered:
0x8: {  	[smem:$0x3FA4] =	sst s0  }
0x9: {  	[smem:$0x3FA5] =	sst s1  }
0xa: {  	[smem:$0x3FA6] =	sst s2  }
0xb: {  	[smem:$0x3FA7] =	sst s3  }
0xc: {  	[smem:$0x3FA8] =	sst s4  }
0xd: {  	[smem:$0x3FA9] =	sst s5  }
0xe: {  	[smem:$0x3FAA] =	sst s6  }
0xf: {  	[smem:$0x3FAB] =	sst s7  }
0x10: {  	[smem:$0x3FAC] =	sst s8  }
0x11: {  	[smem:$0x3FAD] =	sst s9;
	s0 =	simm.s32 @!p0 $0x0  }
0x12: {  	s1 =	sld [smem:$0x3F93];
	s0 =	simm.s32 @p0 $0x1  }
0x13: {  	[smem:$0x3FAE] =	sst s0;
	s0 =	simm.s32 @!p1 $0x0  }
0x14: {  	s2 =	sld [smem:$0x3F92];
	s0 =	simm.s32 @p1 $0x1  }
0x15: {  	[smem:$0x3FAF] =	sst s0;
	s0 =	simm.s32 @!p2 $0x0  }
0x16: {  	s3 =	sld [smem:$0x3FDB];
	s0 =	simm.s32 @p2 $0x1  }
0x17: {  	s4 =	simm.s32 $0x1BF5;
	[smem:$0x3FB1] =	sst s0  }
0x18: {  	s0 =	sld [smem:$0x3F94];
	_ =	swait.ge [sflag:s4], $0x0  }
0x19: {  	s7 =	sld [smem:$0x3F95]  }
0x1a: {  	s8 =	sadd.s32 $0xFFFFE003, lr  }
0x1b: {  	s9 =	sadd.s32 $0xFFFFFEF7, lr;
	s5 =	simm.s32 $0xFFFFFFFF;
	p2 =	slt.u32 s8, $0xFFFFF086  }
0x1c: {  	p1 =	slt.u32 s9, $0xF7A;
	s5 =	simm.s32 @!p2 $0x0  }
0x1d: {  	s5 =	simm.s32 @p1 $0x1;
	p0 =	seq.s32 s7, s2  }
0x1e: {  	s7 =	smul.u32 @!p0 $0xF7A, s2;
	p2 =	seq.s32 @!p0 s5, $0x0  }
0x1f: {  	s9 =	smul.u32 $0xF7A, s1;
	s8 =	simm.s32 @!p0 $0x1BF5;
	p2 =	por !p2, p0  }
0x20: {  	[sflag:s8] =	ssyncset.s32 @!p0 $0xFFFFF086;
	s6 =	sadd.s32 @!p0 s3, s7;
	s7 =	simm.s32 @!p0 $0x108  }
0x21: {  	s3 =	sadd.s32 s3, s9;
	s6 =	sadd.s32 @!p0 $0x88, s6;
	s7 =	simm.s32 @p2 $0x1082  }
0x22: {  	[simem:s7], [sflag:s8] =	dma.local @!p0 [hbm:s6], $0xF7A  }
0x23: {  	s9 =	sor.u32 $0xD0000000, s2;
	s6 =	simm.s32 $0x108;
	_ =	swait.ge @!p0 [sflag:s8], $0x0  }
0x24: {  	s3 =	sadd.s32 $0x88, s3;
	s6 =	simm.s32 @!p1 $0x1082;
	[sflag:s4] =	ssyncset.s32 $0xFFFFF086  }
0x25: {  	[simem:s6], [sflag:s4] =	dma.local [hbm:s3], $0xF7A  }
0x26: {  	[smem:$0x3F95] =	sst s1;
	(tag) =	ssettag s2;
	_ =	strace s9  }
0x27: {  	s1 =	sld [smem:$0x3FA5]  }
0x28: {  	s2 =	sld [smem:$0x3FA6]  }
0x29: {  	s4 =	sld [smem:$0x3FA8]  }
0x2a: {  	p0 =	seq.s32 s5, $0x0;
	s5 =	sld [smem:$0x3FA9]  }
0x2b: {  	s6 =	sld [smem:$0x3FAA]  }
0x2c: {  	s7 =	sld [smem:$0x3FAB]  }
0x2d: {  	s3 =	simm.s32 $0x108;
	s8 =	sld [smem:$0x3FAC]  }
0x2e: {  	s3 =	simm.s32 @!p0 $0x1082;
	s9 =	sld [smem:$0x3FAD]  }
0x2f: {  	lr =	sadd.s32 s0, s3;
	s0 =	sld [smem:$0x3FA4]  }
0x30: {  	s3 =	sld [smem:$0x3FA7]  }
0x31: {  	[smem:$0x3FB0] =	sst s10  }
0x32: {  	s10 =	sld [smem:$0x3FAE];
	_ =	sdelay $0x3  }
0x33: {  	p0 =	seq.s32 s10, $0x1;
	s10 =	sld [smem:$0x3FB0];
	_ =	sdelay $0x3  }
0x34: {  	[smem:$0x3FB0] =	sst s10  }
0x35: {  	s10 =	sld [smem:$0x3FAF];
	_ =	sdelay $0x3  }
0x36: {  	p1 =	seq.s32 s10, $0x1;
	s10 =	sld [smem:$0x3FB0];
	_ =	sdelay $0x3  }
0x37: {  	[smem:$0x3FB0] =	sst s10  }
0x38: {  	s10 =	sld [smem:$0x3FB1]  }
0x39: {  	_ = 	snop;
	(pc) =	sbr.ind lr, $3  }
0x3a: {  	_ = 	snop  }
0x3b: {  	_ = 	snop  }
0x3c: {  	p2 =	seq.s32 s10, $0x1;
	s10 =	sld [smem:$0x3FB0]  }
0x3d: {  	_ =	shalt  }
0x3e: {  	_ =	shalt  }
0x3f: {  	_ =	shalt  }
0x40: {  	_ =	shalt  }
0x41: {  	_ =	shalt  }
0x42: {  	_ =	shalt  }
0x43: {  	_ =	shalt  }
0x44: {  	_ =	shalt  }
0x45: {  	_ =	shalt  }
0x46: {  	_ =	shalt  }
0x47: {  	_ =	shalt  }
0x48: {  	_ =	shalt  }
0x49: {  	_ =	shalt  }
0x4a: {  	_ =	shalt  }
0x4b: {  	_ =	shalt  }
0x4c: {  	_ =	shalt  }
0x4d: {  	_ =	shalt  }
0x4e: {  	_ =	shalt  }
0x4f: {  	_ =	shalt  }
0x50: {  	_ =	shalt  }
0x51: {  	_ =	shalt  }
0x52: {  	_ =	shalt  }
0x53: {  	_ =	shalt  }
0x54: {  	_ =	shalt  }
0x55: {  	_ =	shalt  }
0x56: {  	_ =	shalt  }
0x57: {  	_ =	shalt  }
0x58: {  	_ =	shalt  }
0x59: {  	_ =	shalt  }
0x5a: {  	_ =	shalt  }
0x5b: {  	_ =	shalt  }
0x5c: {  	_ =	shalt  }
0x5d: {  	_ =	shalt  }
0x5e: {  	_ =	shalt  }
0x5f: {  	_ =	shalt  }
0x60: {  	_ =	shalt  }
0x61: {  	_ =	shalt  }
0x62: {  	_ =	shalt  }
0x63: {  	_ =	shalt  }
0x64: {  	_ =	shalt  }
0x65: {  	_ =	shalt  }
0x66: {  	_ =	shalt  }
0x67: {  	_ =	shalt  }
0x68: {  	_ =	shalt  }
0x69: {  	_ =	shalt  }
0x6a: {  	_ =	shalt  }
0x6b: {  	_ =	shalt  }
0x6c: {  	_ =	shalt  }
0x6d: {  	_ =	shalt  }
0x6e: {  	_ =	shalt  }
0x6f: {  	_ =	shalt  }
0x70: {  	_ =	shalt  }
0x71: {  	_ =	shalt  }
0x72: {  	_ =	shalt  }
0x73: {  	_ =	shalt  }
0x74: {  	_ =	shalt  }
0x75: {  	_ =	shalt  }
0x76: {  	_ =	shalt  }
0x77: {  	_ =	shalt  }
0x78: {  	_ =	shalt  }
0x79: {  	_ =	shalt  }
0x7a: {  	_ =	shalt  }
0x7b: {  	_ =	shalt  }
0x7c: {  	_ =	shalt  }
0x7d: {  	_ =	shalt  }
0x7e: {  	_ =	shalt  }
0x7f: {  	_ =	shalt  }
0x80: {  	_ =	shalt  }
0x81: {  	_ =	shalt  }
0x82: {  	_ =	shalt  }
0x83: {  	_ =	shalt  }
0x84: {  	_ =	shalt  }
0x85: {  	_ =	shalt  }
0x86: {  	_ =	shalt  }
0x87: {  	_ =	shalt  }
.Lfunc_end0:
.L_simem_size_0:
called_computation.2_lowered:
.L_overlay_start_0:
0x88: {  	s2 =	sld [smem:$0x3FD9]  }
0x89: {  	s3 =	sld [smem:$0x3FFE];
	_ =	sdelay $0x1  }
0x8a: {  	s1 =	srdreg.scid  }
0x8b: {  	s0 =	sand.u32 $0x1, s1  }
0x8c: {  	s16 =	sshll.u32 s0, $0xA;
	s2 =	sadd.s32 s3, s2  }
0x8d: {  	s2 =	sadd.s32 s2, s16  }
0x8e: {  	[smem:$0x3FBC] =	sst s2  }
0x8f: {  	_ = 	snop  }
0x90: {  	(tm) =	ssettm $0x1  }
0x91: {  	s17 =	sld [smem:$0x3FFB];
	_ =	sdelay $0x3  }
0x92: {  	_ =	strace s17  }
0x93: {  	s2 =	sld [smem:$0x3FFC];
	_ =	sdelay $0x3  }
0x94: {  	_ =	strace s2  }
0x95: {  	s2 =	sld [smem:$0x3FFD];
	_ =	sdelay $0x3  }
0x96: {  	_ =	strace s2  }
0x97: {  	_ =	strace $0x8FFFFFFF  }
0x98: {  	s18 =	sld [smem:$0x3FDB];
	_ =	sdelay $0x1  }
0x99: {  	s19 =	simm.s32 $_scs_section_size  }
0x9a: {  	s4 =	simm.s32 $_size__tile_overlayer_lowered;
	s5 =	simm.s32 $_tile_overlayer_lowered  }
0x9b: {  	s22 =	simm.s32 $0x1BFF;
	s21 =	sshll.u32 s5, $0x1;
	s2 =	sadd.s32 s19, s18  }
0x9c: {  	s6 =	simm.s32 $0x0;
	s20 =	sshll.u32 s4, $0x1;
	s4 =	sadd.s32 s21, s2  }
0x9d: {  	[timem:s6], [sflag:s22] =	dma.local [hbm:s4], s20  }
0x9e: {  	_ =	swait.ge [sflag:s22], s20  }
0x9f: {  	s3 =	ssub.s32 $0x0, s20;
	[sflag:s22] =	ssyncset.done $0x0  }
0xa0: {  	[sflag:s22] =	ssyncadd.s32 s3;
	_ =	sdelay $0x1  }
0xa1: {  	s23 =	simm.s32 $0x1B8B  }
0xa2: {  	_ =	swait.ge [sflag:s23], $0x1  }
0xa3: {  	[sflag:s23] =	ssyncset.done $0x0  }
0xa4: {  	s25 =	simm.s32 $0x1B8E;
	s24 =	sld [smem:$0x3FFE];
	[sflag:s23] =	ssyncadd.s32 $0xFFFFFFFF  }
0xa5: {  	s26 =	simm.s32 $execute0_lowered;
	[smem:$0x3FD2] =	sst s25  }
0xa6: {  	s4 =	sshll.u32 s26, $0x1;
	_ =	strace $0x8000004C;
	[dreg:$0x1] =	wrdreg $0xFFFFFFFF  }
0xa7: {  	s28 =	simm.s32 $_size_execute0_lowered;
	s2 =	sadd.s32 s2, s4;
	[dreg:$0x0] =	wrdreg $0x0  }
0xa8: {  	s4 =	sshll.u32 s28, $0x1;
	[dreg:$0x2] =	wrdreg s2  }
0xa9: {  	[dreg:$0x3] =	wrdreg s4  }
0xaa: {  	[dreg:$0x4] =	wrdreg $0xC0  }
0xab: {  	_ =	task [dreg:s6], $0x5FFFF  }
0xac: {  	[dreg:$0x1] =	wrdreg $0xFFFFFFFF  }
0xad: {  	[dreg:$0x0] =	wrdreg $0x60  }
0xae: {  	[dreg:$0x2] =	wrdreg s24  }
0xaf: {  	[dreg:$0x3] =	wrdreg $0xAC000  }
0xb0: {  	[dreg:$0x4] =	wrdreg $0x9  }
0xb1: {  	_ =	task.clear_ibuf [dreg:s6], $0x5FFFF;
	_ =	strace $0x9000004C  }
0xb2: {  	s29 =	simm.s32 $0x9;
	_ =	strace $0x8000004E  }
0xb3: {  	_ =	swait.ge [sflag:s29], $0x1  }
0xb4: {  	[sflag:s29] =	ssyncadd.s32 $0xFFFFFFFF  }
0xb5: {  	_ =	strace $0x9000004E  }
0xb6: {  	_ =	sfence  }
0xb7: {  	s30 =	sld [smem:$0x0];
	_ =	sdelay $0x2  }
0xb8: {  	s31 =	sshll.u32 s1, $0xD;
	s1 =	sshrl.u32 s1, $0x2  }
0xb9: {  	s3 =	sand.u32 $0x4000, s31;
	s1 =	sadd.s32 s1, s30  }
0xba: {  	s0 =	sor.u32 s3, s0;
	s1 =	sshll.u32 s1, $0x11  }
0xbb: {  	s0 =	sor.u32 s1, s0  }
0xbc: {  	s0 =	sadd.s32 $0x8F2B, s0  }
0xbd: {  	[sflag:s0] =	ssyncadd.remote.s32 $0x1  }
0xbe: {  	_ =	sfence.sel $0xFFFF  }
0xbf: {  	[dreg:$0x0] =	wrdreg $0xFFFFFFFF;
	(pc) =	sbr.abs _section_cstart, $3  }
0xc0: {  	[dreg:$0x1] =	wrdreg $0xFFFFFFFF  }
0xc1: {  	_ =	task.clear_ibuf [dreg:s6], $0x2FFFF;
	_ =	strace $0x9FFFFFFF  }
0xc2: {  	(tm) =	ssettm $0x7FFFFFFF  }
0xc3: {  	_ =	shalt  }
tec
execute0_lowered:
.L_overlay_start_1:
0x0: {  	(tag) =	ssettag $0x1  }
0x1: {  	s5 =	rddreg [dreg:$0x0]  }
0x2: {  	s2 =	rddreg [dreg:$0x1]  }
0x3: {  	s3 =	srdreg.scid;
	s1 =	stileid.u32  }
0x4: {  	s20 =	simm.s32 $0x8000;
	s21 =	simm.s32 $0x2;
	s22 =	simm.s32 $0x3C00  }
0x5: {  	s23 =	simm.s32 $0x80;
	s24 =	simm.s32 $0x7800;
	s25 =	simm.s32 $0x1  }
0x6: {  	s26 =	simm.s32 $0x8400;
	s28 =	simm.s32 $0x0;
	s8 =	smul.u32 $0x2800, s1  }
0x7: {  	s6 =	sand.u32 $0x1, s3;
	s3 =	simm.s32 $0x0;
	s10 =	smul.u32 $0xA000, s1  }
0x8: {  	s4 =	sshll.u32 s6, $0x4;
	[smem:$0x7FF] =	sst s3;
	s7 =	smul.u32 $0x28000, s6  }
0x9: {  	s6 =	ssub.s32 $0x2, s6;
	s4 =	sor.u32 s1, s4;
	_ =	strace $0x8000004D  }
0xa: {  	s29 =	sshrl.u32 s6, $0x1;
	s30 =	sshrl.u32 s10, $0x2;
	s9 =	smul.u32 $0x780, s4  }
0xb: {  	s4 =	sadd.s32 $0x1F600, s5;
	s7 =	sadd.s32 s8, s7;
	s31 =	ssub.s32 s6, s29  }
0xc: {  	s8 =	sadd.s32 s8, s2;
	s7 =	sshrl.u32 s7, $0x3;
	s10 =	smax.u32 s31, $0x1  }
0xd: {  	s9 =	sadd.s32 s9, s5;
	s11 =	sadd.s32 s7, s5;
	s5 =	sadd.s32 s30, s2  }
0xe: {  	s6 =	sadd.s32 $0x10600, s9;
	s7 =	sadd.s32 $0x1600, s9;
	s9 =	sadd.s32 $0x24600, s11  }
0xf: {  	s11 =	sadd.s32 $0x400, s5;
	s12 =	sadd.s32 $0x800, s5;
	s13 =	sadd.s32 $0xC00, s5  }
0x10: {  	s14 =	sadd.s32 $0x1000, s5;
	s15 =	sadd.s32 $0x1400, s5;
	s16 =	sadd.s32 $0x1800, s5  }
0x11: {  	v0 =	vimm.f32 $0.0e+00;
	s17 =	sadd.s32 $0x1C00, s5;
	s18 =	sadd.s32 $0x2000, s5;
	s19 =	sadd.s32 $0x2400, s5  }
.LBB2_1:
0x12: {  	s29 =	simm.s32 $0x40;
	s30 =	simm.s32 $0x0  }
.LBB2_2:
0x13: {  	p0 =	sne.s32 s29, $0xFC0;
	[tilespmem:s30+$0x8000] =	vst v0;
	s30 =	smov.u32 s29;
	s29 =	sadd.s32 $0x40, s29  }
.Ltmp0:
0x14: {  	(pc) =	sbr.rel @p0 .LBB2_2-.Ltmp0, $2  }
0x15: {  	_ =	sdelay $0x2  }
0x16: {  	s30 =	sshra.s32 s30, $0x2  }
0x17: {  	[tilespmem:s30+$0x8000] =	vst v0  }
0x18: {  	[spmem:s5] =	stream.linear.scatter [tilespmem:s20], [sflag:$0x2], $0x400, $0x38;
	[tilespmem:$0xD400] =	vst v63  }
0x19: {  	_ =	swait.ge [sflag:s21], $0x400  }
0x1a: {  	[sflag:s21] =	ssyncset.done $0x0  }
0x1b: {  	[sflag:s21] =	ssyncadd.s32 $0xFFFFFC00  }
0x1c: {  	[spmem:s11] =	stream.linear.scatter [tilespmem:s20], [sflag:$0x2], $0x400, $0x38;
	[tilespmem:$0xD400] =	vst v63  }
0x1d: {  	_ =	swait.ge [sflag:s21], $0x400  }
0x1e: {  	[sflag:s21] =	ssyncset.done $0x0  }
0x1f: {  	[sflag:s21] =	ssyncadd.s32 $0xFFFFFC00  }
0x20: {  	[spmem:s12] =	stream.linear.scatter [tilespmem:s20], [sflag:$0x2], $0x400, $0x38;
	[tilespmem:$0xD400] =	vst v63  }
0x21: {  	_ =	swait.ge [sflag:s21], $0x400  }
0x22: {  	[sflag:s21] =	ssyncset.done $0x0  }
0x23: {  	[sflag:s21] =	ssyncadd.s32 $0xFFFFFC00  }
0x24: {  	[spmem:s13] =	stream.linear.scatter [tilespmem:s20], [sflag:$0x2], $0x400, $0x38;
	[tilespmem:$0xD400] =	vst v63  }
0x25: {  	_ =	swait.ge [sflag:s21], $0x400  }
0x26: {  	[sflag:s21] =	ssyncset.done $0x0  }
0x27: {  	[sflag:s21] =	ssyncadd.s32 $0xFFFFFC00  }
0x28: {  	[spmem:s14] =	stream.linear.scatter [tilespmem:s20], [sflag:$0x2], $0x400, $0x38;
	[tilespmem:$0xD400] =	vst v63  }
0x29: {  	_ =	swait.ge [sflag:s21], $0x400  }
0x2a: {  	[sflag:s21] =	ssyncset.done $0x0  }
0x2b: {  	[sflag:s21] =	ssyncadd.s32 $0xFFFFFC00  }
0x2c: {  	[spmem:s15] =	stream.linear.scatter [tilespmem:s20], [sflag:$0x2], $0x400, $0x38;
	[tilespmem:$0xD400] =	vst v63  }
0x2d: {  	_ =	swait.ge [sflag:s21], $0x400  }
0x2e: {  	[sflag:s21] =	ssyncset.done $0x0  }
0x2f: {  	[sflag:s21] =	ssyncadd.s32 $0xFFFFFC00  }
0x30: {  	[spmem:s16] =	stream.linear.scatter [tilespmem:s20], [sflag:$0x2], $0x400, $0x38;
	[tilespmem:$0xD400] =	vst v63  }
0x31: {  	_ =	swait.ge [sflag:s21], $0x400  }
0x32: {  	[sflag:s21] =	ssyncset.done $0x0  }
0x33: {  	[sflag:s21] =	ssyncadd.s32 $0xFFFFFC00  }
0x34: {  	[spmem:s17] =	stream.linear.scatter [tilespmem:s20], [sflag:$0x2], $0x400, $0x38;
	[tilespmem:$0xD400] =	vst v63  }
0x35: {  	_ =	swait.ge [sflag:s21], $0x400  }
0x36: {  	[sflag:s21] =	ssyncset.done $0x0  }
0x37: {  	[sflag:s21] =	ssyncadd.s32 $0xFFFFFC00  }
0x38: {  	[spmem:s18] =	stream.linear.scatter [tilespmem:s20], [sflag:$0x2], $0x400, $0x38;
	[tilespmem:$0xD400] =	vst v63  }
0x39: {  	_ =	swait.ge [sflag:s21], $0x400  }
0x3a: {  	[sflag:s21] =	ssyncset.done $0x0  }
0x3b: {  	[sflag:s21] =	ssyncadd.s32 $0xFFFFFC00  }
0x3c: {  	[spmem:s19] =	stream.linear.scatter [tilespmem:s20], [sflag:$0x2], $0x400, $0x38;
	[tilespmem:$0xD400] =	vst v63  }
0x3d: {  	_ =	swait.ge [sflag:s21], $0x400  }
0x3e: {  	[sflag:s21] =	ssyncset.done $0x0  }
0x3f: {  	[sflag:s21] =	ssyncadd.s32 $0xFFFFFC00  }
0x40: {  	s29 =	simm.s32 $0x0;
	[bflag:$0x0] =	sbarrier.arrive $0xFFFF  }
0x41: {  	[tilespmem:s29], [sflag:$0x2] =	stream.linear.gather [hbm4b:s6+s29], $0x3C00, $0x38;
	[tilespmem:$0xD400] =	vst v63  }
0x42: {  	_ =	swait.ge [sflag:s21], $0x3C00  }
0x43: {  	[sflag:s21] =	ssyncset.done $0x0  }
0x44: {  	[sflag:s21] =	ssyncadd.s32 $0xFFFFC400  }
0x45: {  	[tilespmem:s22], [sflag:$0x2] =	stream.linear.gather [hbm4b:s7+s29], $0x3C00, $0x38;
	[tilespmem:$0xD400] =	vst v63  }
0x46: {  	_ =	swait.ge [sflag:s21], $0x3C00  }
0x47: {  	[sflag:s21] =	ssyncset.done $0x0  }
0x48: {  	s29 =	simm.s32 $0x0;
	[sflag:s21] =	ssyncadd.s32 $0xFFFFC400  }
0x49: {  	[tilespmem:s24], [sflag:$0x1] =	stream.indirect.gather [hbm4b:s4+s23], $0x10, s29, s23, $0xb8;
	[tilespmem:$0xD400] =	vst v63  }
0x4a: {  	_ =	swait.ge [sflag:s25], $0x800  }
0x4b: {  	[sflag:s25] =	ssyncset.done $0x0  }
0x4c: {  	s29 =	simm.s32 $0x3C00;
	[sflag:s25] =	ssyncadd.s32 $0xFFFFF800  }
0x4d: {  	[spmem:s2] =	stream.indirect.scatter.add.f32 [tilespmem:s24], [sflag:$0x2], $0x10, s29, s23, $0xb8;
	[tilespmem:$0xD400] =	vst v63  }
0x4e: {  	_ =	swait.ge [sflag:s21], $0x800  }
0x4f: {  	s30 =	simm.s32 $0x400;
	s29 =	simm.s32 $0x200;
	[sflag:s21] =	ssyncset.done $0x0  }
.LBB2_4:
0x50: {  	s31 =	sshra.s32 s29, $0x2  }
0x51: {  	[sflag:s21] =	ssyncadd.s32 $0xFFFFF800;
	s29 =	smov.u32 s30;
	s0 =	sadd.s32 $0x200, s30  }
0x52: {  	[tilespmem:s24], [sflag:$0x1] =	stream.indirect.gather [hbm4b:s4+s23], $0x10, s31, s23, $0xb8;
	[tilespmem:$0xD400] =	vst v63  }
0x53: {  	p0 =	sne.s32 s30, $0xEE00;
	_ =	swait.ge [sflag:s25], $0x800  }
.Ltmp1:
0x54: {  	[sflag:s25] =	ssyncset.done $0x0;
	(pc) =	sbr.rel @p0 .LBB2_4-.Ltmp1, $4  }
0x55: {  	s30 =	sadd.s32 $0x3C00, s31;
	[sflag:s25] =	ssyncadd.s32 $0xFFFFF800  }
0x56: {  	[spmem:s2] =	stream.indirect.scatter.add.f32 [tilespmem:s24], [sflag:$0x2], $0x10, s30, s23, $0xb8;
	[tilespmem:$0xD400] =	vst v63  }
0x57: {  	_ =	swait.ge [sflag:s21], $0x800  }
0x58: {  	s30 =	smov.u32 s0;
	[sflag:s21] =	ssyncset.done $0x0  }
0x59: {  	s0 =	sshra.s32 s29, $0x2;
	[sflag:s21] =	ssyncadd.s32 $0xFFFFF800  }
0x5a: {  	[tilespmem:s24], [sflag:$0x1] =	stream.indirect.gather [hbm4b:s4+s23], $0x10, s0, s23, $0xb8;
	[tilespmem:$0xD400] =	vst v63  }
0x5b: {  	_ =	swait.ge [sflag:s25], $0x800  }
0x5c: {  	[sflag:s25] =	ssyncset.done $0x0  }
0x5d: {  	s0 =	sadd.s32 $0x3C00, s0;
	[sflag:s25] =	ssyncadd.s32 $0xFFFFF800  }
0x5e: {  	[spmem:s2] =	stream.indirect.scatter.add.f32 [tilespmem:s24], [sflag:$0x2], $0x10, s0, s23, $0xb8;
	[tilespmem:$0xD400] =	vst v63  }
0x5f: {  	_ =	swait.ge [sflag:s21], $0x800  }
0x60: {  	[sflag:s21] =	ssyncset.done $0x0  }
0x61: {  	[sflag:s21] =	ssyncadd.s32 $0xFFFFF800  }
0x62: {  	[bflag:$0x0] =	sbarrier.arrive $0xFFFF  }
0x63: {  	[tilespmem:s26], [sflag:$0x2] =	stream.linear.gather [spmem:s8], $0x2800, $0x38;
	[tilespmem:$0xD400] =	vst v63  }
0x64: {  	s28 =	sadd.s32 $0x1, s28;
	_ =	swait.ge [sflag:s21], $0x2800  }
0x65: {  	p0 =	sne.s32 s28, s10;
	[sflag:s21] =	ssyncset.done $0x0  }
.Ltmp2:
0x66: {  	[sflag:s21] =	ssyncadd.s32 $0xFFFFD800;
	(pc) =	sbr.rel @p0 .LBB2_1-.Ltmp2, $4  }
0x67: {  	[hbm4b:s9+s3] =	stream.linear.scatter [tilespmem:s26], [sflag:$0x2], $0x2800, $0x38;
	[tilespmem:$0xD400] =	vst v63  }
0x68: {  	_ =	swait.ge [sflag:s21], $0x2800  }
0x69: {  	[sflag:s21] =	ssyncset.done $0x0  }
0x6a: {  	[sflag:s21] =	ssyncadd.s32 $0xFFFFD800  }
0x6b: {  	_ =	sfence.sel $0x180000  }
0x6c: {  	[bflag:$0x0] =	sbarrier.arrive $0xFFFF  }
0x6d: {  	_ =	strace $0x9000004D  }
0x6e: {  	[bflag:$0x2] =	sbarrier.arrive $0xFFFF  }
0x6f: {  	p0 =	sne.s32 s1, $0x0;
	s0 =	rddreg [dreg:$0x2]  }
0x70: {  	s0 =	sadd.s32 @!p0 $0x100000, s0  }
0x71: {  	[sflag:s0] =	ssyncadd.tile.s32 @!p0 $0x1;
	_ =	shalt  }
.Lfunc_end2:
_tile_overlayer_lowered:
.L_overlay_start_2:
0x72: {  	(tag) =	ssettag $0x2  }
0x73: {  	s0 =	rddreg [dreg:$0x0];
	s2 =	stileid.u32  }
0x74: {  	s1 =	rddreg [dreg:$0x1];
	p0 =	sne.s32 s2, $0x0  }
0x75: {  	s3 =	rddreg [dreg:$0x2];
	[bflag:$0x3] =	sbarrier.arrive $0xFFFF;
	s2 =	simm.s32 @!p0 $0x1C02  }
0x76: {  	[timem:s3], [sflag:s2] =	dma.local @!p0 [hbm:s0], s1  }
0x77: {  	s0 =	simm.s32 @!p0 $0x2  }
0x78: {  	_ =	swait.ge @!p0 [sflag:s0], s1  }
0x79: {  	s1 =	ssub.s32 @!p0 $0x0, s1;
	[sflag:s0] =	ssyncset.done @!p0 $0x0  }
0x7a: {  	[sflag:s0] =	ssyncadd.s32 @!p0 s1  }
0x7b: {  	[bflag:$0x3] =	sbarrier.arrive $0xFFFF  }
0x7c: {  	_ =	shalt  }

// kernel: kernel.8.cloned.1.call-start
scs
__scs_entry_jumppad:
0x0: {  	(pc) =	sbr.rel $0x88, $3  }
0x1: {  	(tag) =	ssettag $0x0;
	lr =	simm.s32 $0x1  }
0x2: {  	[smem:$0x3F95] =	sst lr;
	_ =	strace $0xD0000000  }
0x3: {  	_ = 	snop  }
0x4: {  	_ = 	snop  }
0x5: {  	_ = 	snop  }
0x6: {  	_ = 	snop  }
0x7: {  	_ = 	snop  }
__scs_overlays_trampoline_lowered:
0x8: {  	[smem:$0x3FA4] =	sst s0  }
0x9: {  	[smem:$0x3FA5] =	sst s1  }
0xa: {  	[smem:$0x3FA6] =	sst s2  }
0xb: {  	[smem:$0x3FA7] =	sst s3  }
0xc: {  	[smem:$0x3FA8] =	sst s4  }
0xd: {  	[smem:$0x3FA9] =	sst s5  }
0xe: {  	[smem:$0x3FAA] =	sst s6  }
0xf: {  	[smem:$0x3FAB] =	sst s7  }
0x10: {  	[smem:$0x3FAC] =	sst s8  }
0x11: {  	[smem:$0x3FAD] =	sst s9;
	s0 =	simm.s32 @!p0 $0x0  }
0x12: {  	s1 =	sld [smem:$0x3F93];
	s0 =	simm.s32 @p0 $0x1  }
0x13: {  	[smem:$0x3FAE] =	sst s0;
	s0 =	simm.s32 @!p1 $0x0  }
0x14: {  	s2 =	sld [smem:$0x3F92];
	s0 =	simm.s32 @p1 $0x1  }
0x15: {  	[smem:$0x3FAF] =	sst s0;
	s0 =	simm.s32 @!p2 $0x0  }
0x16: {  	s3 =	sld [smem:$0x3FDB];
	s0 =	simm.s32 @p2 $0x1  }
0x17: {  	s4 =	simm.s32 $0x1BF5;
	[smem:$0x3FB1] =	sst s0  }
0x18: {  	s0 =	sld [smem:$0x3F94];
	_ =	swait.ge [sflag:s4], $0x0  }
0x19: {  	s7 =	sld [smem:$0x3F95]  }
0x1a: {  	s8 =	sadd.s32 $0xFFFFE003, lr  }
0x1b: {  	s9 =	sadd.s32 $0xFFFFFEF7, lr;
	s5 =	simm.s32 $0xFFFFFFFF;
	p2 =	slt.u32 s8, $0xFFFFF086  }
0x1c: {  	p1 =	slt.u32 s9, $0xF7A;
	s5 =	simm.s32 @!p2 $0x0  }
0x1d: {  	s5 =	simm.s32 @p1 $0x1;
	p0 =	seq.s32 s7, s2  }
0x1e: {  	s7 =	smul.u32 @!p0 $0xF7A, s2;
	p2 =	seq.s32 @!p0 s5, $0x0  }
0x1f: {  	s9 =	smul.u32 $0xF7A, s1;
	s8 =	simm.s32 @!p0 $0x1BF5;
	p2 =	por !p2, p0  }
0x20: {  	[sflag:s8] =	ssyncset.s32 @!p0 $0xFFFFF086;
	s6 =	sadd.s32 @!p0 s3, s7;
	s7 =	simm.s32 @!p0 $0x108  }
0x21: {  	s3 =	sadd.s32 s3, s9;
	s6 =	sadd.s32 @!p0 $0x88, s6;
	s7 =	simm.s32 @p2 $0x1082  }
0x22: {  	[simem:s7], [sflag:s8] =	dma.local @!p0 [hbm:s6], $0xF7A  }
0x23: {  	s9 =	sor.u32 $0xD0000000, s2;
	s6 =	simm.s32 $0x108;
	_ =	swait.ge @!p0 [sflag:s8], $0x0  }
0x24: {  	s3 =	sadd.s32 $0x88, s3;
	s6 =	simm.s32 @!p1 $0x1082;
	[sflag:s4] =	ssyncset.s32 $0xFFFFF086  }
0x25: {  	[simem:s6], [sflag:s4] =	dma.local [hbm:s3], $0xF7A  }
0x26: {  	[smem:$0x3F95] =	sst s1;
	(tag) =	ssettag s2;
	_ =	strace s9  }
0x27: {  	s1 =	sld [smem:$0x3FA5]  }
0x28: {  	s2 =	sld [smem:$0x3FA6]  }
0x29: {  	s4 =	sld [smem:$0x3FA8]  }
0x2a: {  	p0 =	seq.s32 s5, $0x0;
	s5 =	sld [smem:$0x3FA9]  }
0x2b: {  	s6 =	sld [smem:$0x3FAA]  }
0x2c: {  	s7 =	sld [smem:$0x3FAB]  }
0x2d: {  	s3 =	simm.s32 $0x108;
	s8 =	sld [smem:$0x3FAC]  }
0x2e: {  	s3 =	simm.s32 @!p0 $0x1082;
	s9 =	sld [smem:$0x3FAD]  }
0x2f: {  	lr =	sadd.s32 s0, s3;
	s0 =	sld [smem:$0x3FA4]  }
0x30: {  	s3 =	sld [smem:$0x3FA7]  }
0x31: {  	[smem:$0x3FB0] =	sst s10  }
0x32: {  	s10 =	sld [smem:$0x3FAE];
	_ =	sdelay $0x3  }
0x33: {  	p0 =	seq.s32 s10, $0x1;
	s10 =	sld [smem:$0x3FB0];
	_ =	sdelay $0x3  }
0x34: {  	[smem:$0x3FB0] =	sst s10  }
0x35: {  	s10 =	sld [smem:$0x3FAF];
	_ =	sdelay $0x3  }
0x36: {  	p1 =	seq.s32 s10, $0x1;
	s10 =	sld [smem:$0x3FB0];
	_ =	sdelay $0x3  }
0x37: {  	[smem:$0x3FB0] =	sst s10  }
0x38: {  	s10 =	sld [smem:$0x3FB1]  }
0x39: {  	_ = 	snop;
	(pc) =	sbr.ind lr, $3  }
0x3a: {  	_ = 	snop  }
0x3b: {  	_ = 	snop  }
0x3c: {  	p2 =	seq.s32 s10, $0x1;
	s10 =	sld [smem:$0x3FB0]  }
0x3d: {  	_ =	shalt  }
0x3e: {  	_ =	shalt  }
0x3f: {  	_ =	shalt  }
0x40: {  	_ =	shalt  }
0x41: {  	_ =	shalt  }
0x42: {  	_ =	shalt  }
0x43: {  	_ =	shalt  }
0x44: {  	_ =	shalt  }
0x45: {  	_ =	shalt  }
0x46: {  	_ =	shalt  }
0x47: {  	_ =	shalt  }
0x48: {  	_ =	shalt  }
0x49: {  	_ =	shalt  }
0x4a: {  	_ =	shalt  }
0x4b: {  	_ =	shalt  }
0x4c: {  	_ =	shalt  }
0x4d: {  	_ =	shalt  }
0x4e: {  	_ =	shalt  }
0x4f: {  	_ =	shalt  }
0x50: {  	_ =	shalt  }
0x51: {  	_ =	shalt  }
0x52: {  	_ =	shalt  }
0x53: {  	_ =	shalt  }
0x54: {  	_ =	shalt  }
0x55: {  	_ =	shalt  }
0x56: {  	_ =	shalt  }
0x57: {  	_ =	shalt  }
0x58: {  	_ =	shalt  }
0x59: {  	_ =	shalt  }
0x5a: {  	_ =	shalt  }
0x5b: {  	_ =	shalt  }
0x5c: {  	_ =	shalt  }
0x5d: {  	_ =	shalt  }
0x5e: {  	_ =	shalt  }
0x5f: {  	_ =	shalt  }
0x60: {  	_ =	shalt  }
0x61: {  	_ =	shalt  }
0x62: {  	_ =	shalt  }
0x63: {  	_ =	shalt  }
0x64: {  	_ =	shalt  }
0x65: {  	_ =	shalt  }
0x66: {  	_ =	shalt  }
0x67: {  	_ =	shalt  }
0x68: {  	_ =	shalt  }
0x69: {  	_ =	shalt  }
0x6a: {  	_ =	shalt  }
0x6b: {  	_ =	shalt  }
0x6c: {  	_ =	shalt  }
0x6d: {  	_ =	shalt  }
0x6e: {  	_ =	shalt  }
0x6f: {  	_ =	shalt  }
0x70: {  	_ =	shalt  }
0x71: {  	_ =	shalt  }
0x72: {  	_ =	shalt  }
0x73: {  	_ =	shalt  }
0x74: {  	_ =	shalt  }
0x75: {  	_ =	shalt  }
0x76: {  	_ =	shalt  }
0x77: {  	_ =	shalt  }
0x78: {  	_ =	shalt  }
0x79: {  	_ =	shalt  }
0x7a: {  	_ =	shalt  }
0x7b: {  	_ =	shalt  }
0x7c: {  	_ =	shalt  }
0x7d: {  	_ =	shalt  }
0x7e: {  	_ =	shalt  }
0x7f: {  	_ =	shalt  }
0x80: {  	_ =	shalt  }
0x81: {  	_ =	shalt  }
0x82: {  	_ =	shalt  }
0x83: {  	_ =	shalt  }
0x84: {  	_ =	shalt  }
0x85: {  	_ =	shalt  }
0x86: {  	_ =	shalt  }
0x87: {  	_ =	shalt  }
.Lfunc_end0:
.L_simem_size_0:
called_computation_lowered:
.L_overlay_start_0:
0x88: {  	s2 =	sld [smem:$0x3FD9]  }
0x89: {  	s3 =	sld [smem:$0x3FFE];
	_ =	sdelay $0x1  }
0x8a: {  	s1 =	srdreg.scid  }
0x8b: {  	s0 =	sand.u32 $0x1, s1  }
0x8c: {  	s17 =	sshll.u32 s0, $0xA;
	s2 =	sadd.s32 s3, s2  }
0x8d: {  	s2 =	sadd.s32 s2, s17  }
0x8e: {  	[smem:$0x3FBC] =	sst s2  }
0x8f: {  	_ = 	snop  }
0x90: {  	s2 =	sld [smem:$0x3FD0];
	(tm) =	ssettm $0x1  }
0x91: {  	s18 =	sld [smem:$0x3FFB];
	_ =	sdelay $0x3  }
0x92: {  	_ =	strace s18  }
0x93: {  	s3 =	sld [smem:$0x3FFC];
	_ =	sdelay $0x3  }
0x94: {  	_ =	strace s3  }
0x95: {  	s3 =	sld [smem:$0x3FFD];
	_ =	sdelay $0x3  }
0x96: {  	_ =	strace s3  }
0x97: {  	_ =	strace $0x8FFFFFFF  }
0x98: {  	s19 =	sld [smem:$0x3FDB];
	_ =	sdelay $0x1  }
0x99: {  	s4 =	simm.s32 $_scs_section_size  }
0x9a: {  	s5 =	simm.s32 $_size__tile_overlayer_lowered;
	s6 =	simm.s32 $_tile_overlayer_lowered  }
0x9b: {  	s22 =	simm.s32 $0x1BFF;
	s21 =	sshll.u32 s6, $0x1;
	s3 =	sadd.s32 s4, s19  }
0x9c: {  	s7 =	simm.s32 $0x0;
	s20 =	sshll.u32 s5, $0x1;
	s5 =	sadd.s32 s21, s3  }
0x9d: {  	[timem:s7], [sflag:s22] =	dma.local [hbm:s5], s20  }
0x9e: {  	_ =	swait.ge [sflag:s22], s20  }
0x9f: {  	s4 =	ssub.s32 $0x0, s20;
	[sflag:s22] =	ssyncset.done $0x0  }
0xa0: {  	[sflag:s22] =	ssyncadd.s32 s4;
	_ =	sdelay $0x1  }
0xa1: {  	s23 =	simm.s32 $0x1B8B  }
0xa2: {  	_ =	swait.ge [sflag:s23], $0x1  }
0xa3: {  	[sflag:s23] =	ssyncset.done $0x0  }
0xa4: {  	s25 =	simm.s32 $0x1B8E;
	s24 =	sld [smem:$0x3FFE];
	[sflag:s23] =	ssyncadd.s32 $0xFFFFFFFF  }
0xa5: {  	s26 =	simm.s32 $execute0_lowered;
	[smem:$0x3FD2] =	sst s25  }
0xa6: {  	s5 =	sshll.u32 s26, $0x1;
	_ =	strace $0x80000046;
	[dreg:$0x1] =	wrdreg $0xFFFFFFFF  }
0xa7: {  	s28 =	simm.s32 $_size_execute0_lowered;
	s3 =	sadd.s32 s3, s5;
	[dreg:$0x0] =	wrdreg $0x0  }
0xa8: {  	s5 =	sshll.u32 s28, $0x1;
	[dreg:$0x2] =	wrdreg s3  }
0xa9: {  	[dreg:$0x3] =	wrdreg s5  }
0xaa: {  	[dreg:$0x4] =	wrdreg $0xC0  }
0xab: {  	_ =	task [dreg:s7], $0x5FFFF  }
0xac: {  	[dreg:$0x1] =	wrdreg $0xFFFFFFFF  }
0xad: {  	[dreg:$0x0] =	wrdreg $0x60  }
0xae: {  	[dreg:$0x2] =	wrdreg s24  }
0xaf: {  	[dreg:$0x3] =	wrdreg s2  }
0xb0: {  	[dreg:$0x4] =	wrdreg $0x2B000  }
0xb1: {  	[dreg:$0x5] =	wrdreg $0x9  }
0xb2: {  	_ =	task.clear_ibuf [dreg:s7], $0x6FFFF;
	_ =	strace $0x90000046  }
0xb3: {  	s29 =	simm.s32 $0x9;
	_ =	strace $0x80000048  }
0xb4: {  	_ =	swait.ge [sflag:s29], $0x1  }
0xb5: {  	[sflag:s29] =	ssyncadd.s32 $0xFFFFFFFF  }
0xb6: {  	_ =	strace $0x90000048  }
0xb7: {  	_ =	sfence  }
0xb8: {  	s30 =	sld [smem:$0x0];
	_ =	sdelay $0x2  }
0xb9: {  	s31 =	sshll.u32 s1, $0xD;
	s1 =	sshrl.u32 s1, $0x2  }
0xba: {  	s3 =	sand.u32 $0x4000, s31;
	s1 =	sadd.s32 s1, s30  }
0xbb: {  	s0 =	sor.u32 s3, s0;
	s1 =	sshll.u32 s1, $0x11  }
0xbc: {  	s0 =	sor.u32 s1, s0  }
0xbd: {  	s0 =	sadd.s32 $0x8F2B, s0  }
0xbe: {  	[sflag:s0] =	ssyncadd.remote.s32 $0x1  }
0xbf: {  	_ =	sfence.sel $0xFFFF  }
0xc0: {  	[dreg:$0x0] =	wrdreg $0xFFFFFFFF;
	(pc) =	sbr.abs _section_cstart, $3  }
0xc1: {  	[dreg:$0x1] =	wrdreg $0xFFFFFFFF  }
0xc2: {  	_ =	task.clear_ibuf [dreg:s7], $0x2FFFF;
	_ =	strace $0x9FFFFFFF  }
0xc3: {  	(tm) =	ssettm $0x7FFFFFFF  }
tec
execute0_lowered:
.L_overlay_start_1:
0x0: {  	(tag) =	ssettag $0x1  }
0x1: {  	s4 =	rddreg [dreg:$0x0]  }
0x2: {  	s12 =	rddreg [dreg:$0x1]  }
0x3: {  	s1 =	srdreg.scid;
	s0 =	stileid.u32  }
0x4: {  	s2 =	rddreg [dreg:$0x2];
	s5 =	smul.u32 $0xA00, s0  }
0x5: {  	s3 =	simm.s32 $0x0;
	s18 =	simm.s32 $0x400;
	s10 =	smul.u32 $0x2800, s0  }
0x6: {  	s8 =	sand.u32 $0x1, s1;
	s1 =	rddreg [dreg:$0x3];
	s24 =	smul.u32 $0x1400, s0  }
0x7: {  	s19 =	simm.s32 $0x0;
	[smem:$0x7FF] =	sst s3;
	s9 =	smul.u32 $0x3, s8  }
0x8: {  	s13 =	sadd.s32 $0x1600, s4;
	s6 =	ssub.s32 $0x2, s8;
	s11 =	smul.u32 $0x78000, s8  }
0x9: {  	_ =	strace $0x80000047;
	s17 =	smul.u32 $0x180, s8;
	s7 =	sshrl.u32 s6, $0x1  }
0xa: {  	s22 =	sshrl.u32 s5, $0x2;
	s14 =	ssub.s32 s6, s7;
	s11 =	sadd.s32 s10, s11  }
0xb: {  	s15 =	sadd.s32 $0x1, s9;
	s4 =	sadd.s32 s22, s2;
	s25 =	sshll.u32 s9, $0x7  }
0xc: {  	s26 =	sor.u32 s17, s24;
	s17 =	simm.s32 $0x2800;
	s23 =	sshrl.u32 s11, $0x3  }
0xd: {  	s16 =	smul.u32 $0x28000, s15;
	s5 =	sadd.s32 $0x2800, s4;
	s6 =	sadd.s32 $0x5000, s4  }
0xe: {  	s11 =	sadd.s32 $0x50000, s11;
	s28 =	sshll.u32 s15, $0x7;
	s15 =	simm.s32 $0x1  }
0xf: {  	s7 =	sadd.s32 s13, s23;
	s11 =	sshrl.u32 s11, $0x3;
	s10 =	sadd.s32 s10, s16  }
0x10: {  	s9 =	sadd.s32 s13, s11;
	s11 =	sshrl.u32 s26, $0x3;
	s10 =	sshrl.u32 s10, $0x3  }
0x11: {  	s16 =	simm.s32 $0x80;
	s8 =	sadd.s32 s13, s10;
	s10 =	sor.u32 s24, s25  }
0x12: {  	s13 =	sor.u32 s24, s28;
	s29 =	sadd.s32 $0x100, s10;
	s10 =	sadd.s32 s12, s11  }
0x13: {  	s30 =	sshrl.u32 s13, $0x3;
	s13 =	smax.u32 s14, $0x1;
	s31 =	sshrl.u32 s29, $0x3  }
0x14: {  	v0 =	vimm.f32 $1.000000000e+00;
	v1 =	vimm.f32 $0.0e+00;
	s14 =	simm.s32 $0x2880;
	s11 =	sadd.s32 s12, s30;
	s12 =	sadd.s32 s12, s31  }
.LBB2_1:
0x15: {  	[tilespmem:$0x2800] =	vst v0  }
0x16: {  	[tilespmem:$0x2810] =	vst v0  }
0x17: {  	[tilespmem:$0x2820] =	vst v0  }
0x18: {  	[tilespmem:$0x2830] =	vst v0  }
0x19: {  	[tilespmem:$0x2840] =	vst v0  }
0x1a: {  	[tilespmem:$0x2850] =	vst v0  }
0x1b: {  	[tilespmem:$0x2860] =	vst v0  }
0x1c: {  	[tilespmem:$0x2870] =	vst v0  }
0x1d: {  	[tilespmem:$0x2880] =	vst v1  }
0x1e: {  	[tilespmem:$0x2890] =	vst v1  }
0x1f: {  	[tilespmem:$0x28A0] =	vst v1  }
0x20: {  	[tilespmem:$0x28B0] =	vst v1  }
0x21: {  	[tilespmem:$0x28C0] =	vst v1  }
0x22: {  	[tilespmem:$0x28D0] =	vst v1  }
0x23: {  	[tilespmem:$0x28E0] =	vst v1  }
0x24: {  	[tilespmem:$0x28F0] =	vst v1  }
0x25: {  	[tilespmem:$0x2900] =	vst v1  }
0x26: {  	[tilespmem:$0x2910] =	vst v1  }
0x27: {  	[tilespmem:$0x2920] =	vst v1  }
0x28: {  	[tilespmem:$0x2930] =	vst v1  }
0x29: {  	[tilespmem:$0x2940] =	vst v1  }
0x2a: {  	[tilespmem:$0x2950] =	vst v1  }
0x2b: {  	[tilespmem:$0x2960] =	vst v1  }
0x2c: {  	[tilespmem:$0x2970] =	vst v1  }
0x2d: {  	[tilespmem:$0x2980] =	vst v1  }
0x2e: {  	[tilespmem:$0x2990] =	vst v1  }
0x2f: {  	[tilespmem:$0x29A0] =	vst v1  }
0x30: {  	[tilespmem:$0x29B0] =	vst v1  }
0x31: {  	[tilespmem:$0x29C0] =	vst v1  }
0x32: {  	[tilespmem:$0x29D0] =	vst v1  }
0x33: {  	[tilespmem:$0x29E0] =	vst v1  }
0x34: {  	[tilespmem:$0x29F0] =	vst v1  }
0x35: {  	[tilespmem:$0x2A00] =	vst v1  }
0x36: {  	[tilespmem:$0x2A10] =	vst v1  }
0x37: {  	[tilespmem:$0x2A20] =	vst v1  }
0x38: {  	[tilespmem:$0x2A30] =	vst v1  }
0x39: {  	[tilespmem:$0x2A40] =	vst v1  }
0x3a: {  	[tilespmem:$0x2A50] =	vst v1  }
0x3b: {  	[tilespmem:$0x2A60] =	vst v1  }
0x3c: {  	[tilespmem:$0x2A70] =	vst v1  }
0x3d: {  	[tilespmem:$0x2A80] =	vst v1  }
0x3e: {  	[tilespmem:$0x2A90] =	vst v1  }
0x3f: {  	[tilespmem:$0x2AA0] =	vst v1  }
0x40: {  	[tilespmem:$0x2AB0] =	vst v1  }
0x41: {  	[tilespmem:$0x2AC0] =	vst v1  }
0x42: {  	[tilespmem:$0x2AD0] =	vst v1  }
0x43: {  	[tilespmem:$0x2AE0] =	vst v1  }
0x44: {  	[tilespmem:$0x2AF0] =	vst v1  }
0x45: {  	[spmem:s4] =	stream.linear.scatter [tilespmem:s14], [sflag:$0x1], $0x280, $0x38;
	[tilespmem:$0x3280] =	vst v63  }
0x46: {  	_ =	swait.ge [sflag:s15], $0x280  }
0x47: {  	[sflag:s15] =	ssyncset.done $0x0  }
0x48: {  	[sflag:s15] =	ssyncadd.s32 $0xFFFFFD80  }
0x49: {  	[spmem:s5] =	stream.linear.scatter [tilespmem:s14], [sflag:$0x1], $0x280, $0x38;
	[tilespmem:$0x3280] =	vst v63  }
0x4a: {  	_ =	swait.ge [sflag:s15], $0x280  }
0x4b: {  	[sflag:s15] =	ssyncset.done $0x0  }
0x4c: {  	[sflag:s15] =	ssyncadd.s32 $0xFFFFFD80  }
0x4d: {  	[spmem:s6] =	stream.linear.scatter [tilespmem:s14], [sflag:$0x1], $0x280, $0x38;
	[tilespmem:$0x3280] =	vst v63  }
0x4e: {  	_ =	swait.ge [sflag:s15], $0x280  }
0x4f: {  	[sflag:s15] =	ssyncset.done $0x0  }
0x50: {  	[sflag:s15] =	ssyncadd.s32 $0xFFFFFD80  }
0x51: {  	[bflag:$0x0] =	sbarrier.arrive $0xFFFF  }
0x52: {  	[tilespmem:s3], [sflag:$0x1] =	stream.linear.gather [hbm4b:s7+s3], $0x2800, $0x38;
	[tilespmem:$0x3280] =	vst v63  }
0x53: {  	_ =	swait.ge [sflag:s15], $0x2800  }
0x54: {  	[sflag:s15] =	ssyncset.done $0x0  }
0x55: {  	s20 =	simm.s32 $0x0;
	[sflag:s15] =	ssyncadd.s32 $0xFFFFD800  }
0x56: {  	[spmem:s2] =	stream.indirect.scatter.add.f32 [tilespmem:s17], [sflag:$0x1], $0x1, s20, s16, $0xb8;
	[tilespmem:$0x3280] =	vst v63  }
0x57: {  	_ =	swait.ge [sflag:s15], $0x80  }
0x58: {  	s20 =	simm.s32 $0x200;
	[sflag:s15] =	ssyncset.done $0x0  }
.LBB2_2:
0x59: {  	s21 =	sshra.s32 s20, $0x2;
	[sflag:s15] =	ssyncadd.s32 $0xFFFFFF80;
	p0 =	sne.s32 s20, $0x9E00  }
0x5a: {  	[spmem:s2] =	stream.indirect.scatter.add.f32 [tilespmem:s17], [sflag:$0x1], $0x1, s21, s16, $0xb8;
	[tilespmem:$0x3280] =	vst v63  }
.Ltmp0:
0x5b: {  	_ = 	snop;
	(pc) =	sbr.rel @p0 .LBB2_2-.Ltmp0, $4  }
0x5c: {  	_ = 	snop  }
0x5d: {  	s20 =	sadd.s32 $0x200, s20  }
0x5e: {  	_ =	swait.ge [sflag:s15], $0x80  }
0x5f: {  	[sflag:s15] =	ssyncset.done $0x0  }
0x60: {  	[sflag:s15] =	ssyncadd.s32 $0xFFFFFF80;
	s20 =	simm.s32 $0x0  }
0x61: {  	[tilespmem:s20], [sflag:$0x1] =	stream.linear.gather [hbm4b:s8+s20], $0x2800, $0x38;
	[tilespmem:$0x3280] =	vst v63  }
0x62: {  	_ =	swait.ge [sflag:s15], $0x2800  }
0x63: {  	[sflag:s15] =	ssyncset.done $0x0  }
0x64: {  	s31 =	simm.s32 $0x0;
	[sflag:s15] =	ssyncadd.s32 $0xFFFFD800  }
0x65: {  	[spmem:s2] =	stream.indirect.scatter.add.f32 [tilespmem:s17], [sflag:$0x1], $0x1, s31, s16, $0xb8;
	[tilespmem:$0x3280] =	vst v63  }
0x66: {  	_ =	swait.ge [sflag:s15], $0x80  }
0x67: {  	s20 =	simm.s32 $0x200;
	[sflag:s15] =	ssyncset.done $0x0  }
.LBB2_4:
0x68: {  	s21 =	sshra.s32 s20, $0x2;
	[sflag:s15] =	ssyncadd.s32 $0xFFFFFF80;
	p0 =	sne.s32 s20, $0x9E00  }
0x69: {  	[spmem:s2] =	stream.indirect.scatter.add.f32 [tilespmem:s17], [sflag:$0x1], $0x1, s21, s16, $0xb8;
	[tilespmem:$0x3280] =	vst v63  }
.Ltmp1:
0x6a: {  	_ = 	snop;
	(pc) =	sbr.rel @p0 .LBB2_4-.Ltmp1, $4  }
0x6b: {  	_ = 	snop  }
0x6c: {  	s20 =	sadd.s32 $0x200, s20  }
0x6d: {  	_ =	swait.ge [sflag:s15], $0x80  }
0x6e: {  	[sflag:s15] =	ssyncset.done $0x0  }
0x6f: {  	[sflag:s15] =	ssyncadd.s32 $0xFFFFFF80;
	s20 =	simm.s32 $0x0  }
0x70: {  	[tilespmem:s20], [sflag:$0x1] =	stream.linear.gather [hbm4b:s9+s20], $0x2800, $0x38;
	[tilespmem:$0x3280] =	vst v63  }
0x71: {  	_ =	swait.ge [sflag:s15], $0x2800  }
0x72: {  	[sflag:s15] =	ssyncset.done $0x0  }
0x73: {  	s31 =	simm.s32 $0x0;
	[sflag:s15] =	ssyncadd.s32 $0xFFFFD800  }
0x74: {  	[spmem:s2] =	stream.indirect.scatter.add.f32 [tilespmem:s17], [sflag:$0x1], $0x1, s31, s16, $0xb8;
	[tilespmem:$0x3280] =	vst v63  }
0x75: {  	_ =	swait.ge [sflag:s15], $0x80  }
0x76: {  	s20 =	simm.s32 $0x200;
	[sflag:s15] =	ssyncset.done $0x0  }
.LBB2_6:
0x77: {  	s21 =	sshra.s32 s20, $0x2;
	[sflag:s15] =	ssyncadd.s32 $0xFFFFFF80;
	p0 =	sne.s32 s20, $0x9E00  }
0x78: {  	[spmem:s2] =	stream.indirect.scatter.add.f32 [tilespmem:s17], [sflag:$0x1], $0x1, s21, s16, $0xb8;
	[tilespmem:$0x3280] =	vst v63  }
.Ltmp2:
0x79: {  	_ = 	snop;
	(pc) =	sbr.rel @p0 .LBB2_6-.Ltmp2, $4  }
0x7a: {  	_ = 	snop  }
0x7b: {  	s20 =	sadd.s32 $0x200, s20  }
0x7c: {  	_ =	swait.ge [sflag:s15], $0x80  }
0x7d: {  	[sflag:s15] =	ssyncset.done $0x0  }
0x7e: {  	[sflag:s15] =	ssyncadd.s32 $0xFFFFFF80  }
0x7f: {  	[bflag:$0x0] =	sbarrier.arrive $0xFFFF  }
0x80: {  	[tilespmem:s14], [sflag:$0x1] =	stream.linear.gather [spmem:s4], $0x280, $0x38;
	[tilespmem:$0x3280] =	vst v63  }
0x81: {  	_ =	swait.ge [sflag:s15], $0x280  }
0x82: {  	[sflag:s15] =	ssyncset.done $0x0  }
0x83: {  	[sflag:s15] =	ssyncadd.s32 $0xFFFFFD80  }
0x84: {  	[hbm4b:s10+s16] =	stream.strided.scatter [tilespmem:s14], [sflag:$0x1], $0x280, s18, s16, $0x38;
	[tilespmem:$0x3280] =	vst v63  }
0x85: {  	_ =	swait.ge [sflag:s15], $0x280  }
0x86: {  	[sflag:s15] =	ssyncset.done $0x0  }
0x87: {  	[sflag:s15] =	ssyncadd.s32 $0xFFFFFD80  }
0x88: {  	[tilespmem:s14], [sflag:$0x1] =	stream.linear.gather [spmem:s5], $0x280, $0x38;
	[tilespmem:$0x3280] =	vst v63  }
0x89: {  	_ =	swait.ge [sflag:s15], $0x280  }
0x8a: {  	[sflag:s15] =	ssyncset.done $0x0  }
0x8b: {  	[sflag:s15] =	ssyncadd.s32 $0xFFFFFD80  }
0x8c: {  	[hbm4b:s11+s16] =	stream.strided.scatter [tilespmem:s14], [sflag:$0x1], $0x280, s18, s16, $0x38;
	[tilespmem:$0x3280] =	vst v63  }
0x8d: {  	_ =	swait.ge [sflag:s15], $0x280  }
0x8e: {  	[sflag:s15] =	ssyncset.done $0x0  }
0x8f: {  	[sflag:s15] =	ssyncadd.s32 $0xFFFFFD80  }
0x90: {  	[tilespmem:s14], [sflag:$0x1] =	stream.linear.gather [spmem:s6], $0x280, $0x38;
	[tilespmem:$0x3280] =	vst v63  }
0x91: {  	s19 =	sadd.s32 $0x1, s19;
	_ =	swait.ge [sflag:s15], $0x280  }
0x92: {  	p0 =	sne.s32 s19, s13;
	[sflag:s15] =	ssyncset.done $0x0  }
.Ltmp3:
0x93: {  	[sflag:s15] =	ssyncadd.s32 $0xFFFFFD80;
	(pc) =	sbr.rel @p0 .LBB2_1-.Ltmp3, $4  }
0x94: {  	[hbm4b:s12+s16] =	stream.strided.scatter [tilespmem:s14], [sflag:$0x1], $0x280, s18, s16, $0x38;
	[tilespmem:$0x3280] =	vst v63  }
0x95: {  	_ =	swait.ge [sflag:s15], $0x280  }
0x96: {  	[sflag:s15] =	ssyncset.done $0x0  }
0x97: {  	[sflag:s15] =	ssyncadd.s32 $0xFFFFFD80  }
0x98: {  	_ =	sfence.sel $0x180000  }
0x99: {  	[bflag:$0x0] =	sbarrier.arrive $0xFFFF  }
0x9a: {  	p0 =	sne.s32 s0, $0x0;
	_ =	strace $0x90000047  }
0x9b: {  	s0 =	sadd.s32 @!p0 $0x100000, s1;
	[bflag:$0x2] =	sbarrier.arrive $0xFFFF  }
0x9c: {  	[sflag:s0] =	ssyncadd.tile.s32 @!p0 $0x1;
	_ =	shalt  }
.Lfunc_end2:
_tile_overlayer_lowered:
.L_overlay_start_2:
0x9d: {  	(tag) =	ssettag $0x2  }
0x9e: {  	s0 =	rddreg [dreg:$0x0];
	s2 =	stileid.u32  }
0x9f: {  	s1 =	rddreg [dreg:$0x1];
	p0 =	sne.s32 s2, $0x0  }
0xa0: {  	s3 =	rddreg [dreg:$0x2];
	[bflag:$0x3] =	sbarrier.arrive $0xFFFF;
	s2 =	simm.s32 @!p0 $0x1C01  }
0xa1: {  	[timem:s3], [sflag:s2] =	dma.local @!p0 [hbm:s0], s1  }
0xa2: {  	s0 =	simm.s32 @!p0 $0x1  }
0xa3: {  	_ =	swait.ge @!p0 [sflag:s0], s1  }
0xa4: {  	s1 =	ssub.s32 @!p0 $0x0, s1;
	[sflag:s0] =	ssyncset.done @!p0 $0x0  }
0xa5: {  	[sflag:s0] =	ssyncadd.s32 @!p0 s1  }
0xa6: {  	[bflag:$0x3] =	sbarrier.arrive $0xFFFF  }
0xa7: {  	_ =	shalt  }

</sc_bundles>
